<compile_context>
chip_gen: v7x
topology: tpu7x:2x2x1
jax: 0.10.2.dev20260603
libtpu: 0.0.44.dev20260713+nightly
codegen_flags: <defaults>
</compile_context>

<pallas_src>
import functools

import jax
import jax.numpy as jnp
from jax import lax
from jax.experimental import pallas as pl
from jax.experimental.pallas import tpu as pltpu
from jax.experimental.pallas import tpu_sc as plsc

CAP = 1_000_000
D = 64
NC, NS = 2, 16
NW = NC * NS
CHUNK = 496
NCHUNK = 63
RPT = CHUNK * NCHUNK
SC_ROWS = NW * RPT
TAIL = CAP - SC_ROWS
NEG_INF = float("-inf")


def _k1sc_body(x_hbm, mem_hbm, part_hbm, xv, buf0, buf1, pv, sem0, sem1):
    c = lax.axis_index("c")
    s = lax.axis_index("s")
    wid = s * NC + c
    base = wid * RPT

    pltpu.sync_copy(x_hbm, xv)
    x0 = xv[pl.ds(0, 16)]
    x1 = xv[pl.ds(16, 16)]
    x2 = xv[pl.ds(32, 16)]
    x3 = xv[pl.ds(48, 16)]

    bufs = (buf0, buf1)
    sems = (sem0, sem1)

    def start(k, parity):
        off = pl.multiple_of(base + k * CHUNK, 8)
        return pltpu.async_copy(
            mem_hbm.at[pl.ds(off, CHUNK)], bufs[parity], sems[parity])

    def row_body(buf, chunk_base, r, carry):
        bd2, bs, bi, bd = carry
        m0 = buf[r, pl.ds(0, 16)]
        m1 = buf[r, pl.ds(16, 16)]
        m2 = buf[r, pl.ds(32, 16)]
        m3 = buf[r, pl.ds(48, 16)]
        dv = m0 * x0 + m1 * x1 + m2 * x2 + m3 * x3
        sv = m0 * m0 + m1 * m1 + m2 * m2 + m3 * m3
        d = jnp.sum(dv)
        sq = jnp.maximum(jnp.sum(sv), jnp.float32(1e-30))
        d2 = d * jnp.abs(d)
        gi = chunk_base + r
        lhs = d2 * bs
        rhs = bd2 * sq
        better = (lhs > rhs) | ((lhs == rhs) & (gi < bi))
        return (jnp.where(better, d2, bd2),
                jnp.where(better, sq, bs),
                jnp.where(better, gi, bi),
                jnp.where(better, d, bd))

    carry = (jnp.float32(NEG_INF), jnp.float32(1.0), jnp.int32(0), jnp.float32(0.0))

    def chunk_sweep(buf, chunk_base, carry):
        body = functools.partial(row_body, buf, chunk_base)
        return lax.fori_loop(0, CHUNK, body, carry, unroll=8)

    def wait(parity):
        pltpu.make_async_copy(
            mem_hbm.at[pl.ds(0, CHUNK)], bufs[parity], sems[parity]).wait()

    start(0, 0)
    start(1, 1)

    def outer(j, cy):
        k0 = j * 2
        wait(0)
        cy = chunk_sweep(buf0, base + k0 * CHUNK, cy)

        @pl.when(k0 + 2 < NCHUNK)
        def _():
            start(k0 + 2, 0)

        wait(1)
        cy = chunk_sweep(buf1, base + (k0 + 1) * CHUNK, cy)

        @pl.when(k0 + 3 < NCHUNK)
        def _():
            start(k0 + 3, 1)

        return cy

    carry = lax.fori_loop(0, NCHUNK // 2, outer, carry)
    wait(0)
    carry = chunk_sweep(buf0, base + (NCHUNK - 1) * CHUNK, carry)

    pltpu.sync_copy(mem_hbm.at[pl.ds(SC_ROWS, TAIL)], buf1.at[pl.ds(0, TAIL)])

    def tail_step(r, cy):
        return row_body(buf1, SC_ROWS, r, cy)

    carry = lax.cond(wid == NW - 1,
                     lambda cy: lax.fori_loop(0, TAIL, tail_step, cy),
                     lambda cy: cy, carry)

    bd2, bs, bi, bd = carry
    lanes = lax.iota(jnp.int32, 16)
    out = jnp.where(lanes == 0, bd2,
          jnp.where(lanes == 1, bi.astype(jnp.float32),
          jnp.where(lanes == 2, bd,
          jnp.where(lanes == 3, bs, jnp.float32(0.0)))))
    dummy = jnp.where(lanes == 0, NEG_INF,
            jnp.where(lanes == 1, jnp.float32(2.0e9),
            jnp.where(lanes == 3, jnp.float32(1.0), jnp.float32(0.0))))
    pv[0, :] = out
    for j in range(1, 8):
        pv[j, :] = dummy
    pltpu.sync_copy(pv, part_hbm.at[pl.ds(wid * 8, 8)])


@functools.cache
def _get_k1sc():
    return pl.kernel(
        _k1sc_body,
        out_type=jax.ShapeDtypeStruct((NW * 8, 16), jnp.float32),
        mesh=plsc.VectorSubcoreMesh(
            core_axis_name="c", subcore_axis_name="s",
            num_cores=NC, num_subcores=NS),
        scratch_types=[
            pltpu.VMEM((D,), jnp.float32),
            pltpu.VMEM((CHUNK, D), jnp.float32),
            pltpu.VMEM((CHUNK, D), jnp.float32),
            pltpu.VMEM((8, 16), jnp.float32),
            pltpu.SemaphoreType.DMA,
            pltpu.SemaphoreType.DMA,
        ],
        compiler_params=pltpu.CompilerParams(needs_layout_passes=False),
    )


def _k2_body(part_ref, x_ref, out_ref):
    p = part_ref[...]
    x = x_ref[...]
    xn = jnp.sqrt(jnp.sum(x * x))
    d2 = p[:, 0]
    idxf = p[:, 1]
    d = p[:, 2]
    sq = p[:, 3]
    f = d2 / sq
    fmax = jnp.max(f)
    ismax = f == fmax
    gidx_f = jnp.min(jnp.where(ismax, idxf, jnp.float32(2**31)))
    sel = ismax & (idxf == gidx_f)
    dw = jnp.sum(jnp.where(sel, d, 0.0))
    sw = jnp.sum(jnp.where(sel, sq, 0.0))
    val = dw / jnp.maximum(jnp.sqrt(sw) * xn, jnp.float32(1e-8))
    gidx = gidx_f.astype(jnp.int32)
    rows = lax.broadcasted_iota(jnp.int32, (CAP // D, D), 0)
    cols = lax.broadcasted_iota(jnp.int32, (CAP // D, D), 1)
    hit = (rows == lax.shift_right_logical(gidx, 6)) & (cols == (gidx & 63))
    out_ref[...] = jnp.where(hit, val, jnp.float32(0.0))


_k2 = pl.pallas_call(
    _k2_body,
    out_shape=jax.ShapeDtypeStruct((CAP // D, D), jnp.float32),
)


def kernel(x, memory):
    x2d = x.reshape(1, D)
    parts = _get_k1sc()(x, memory)
    out2d = _k2(parts, x2d)
    return out2d.reshape(-1)

# --- scband reference (transcript-rebuilt; emitter-appended) ---
"""Pipeline reference for scband-net3-59347858096347 (READ-ONLY COPY).

The authoritative reference and input builder live on the scoring server;
editing this copy changes nothing except your own understanding.
"""

import jax, jax.numpy as jnp
import numpy as np

CAPACITY = 1000000
INFEATURES = 64

def setup_inputs(seed: int = 0) -> dict:
    key = jax.random.key(seed)
    kx, km = jax.random.split(key)
    x = jax.random.normal(kx, (INFEATURES,), dtype=jnp.float32)
    # nn.Parameter(torch.rand(infeatures)) for each of `capacity` slots -> uniform [0,1)
    memory = jax.random.uniform(km, (CAPACITY, INFEATURES), dtype=jnp.float32)
    return {"x": x, "memory": memory}

def reference(x, memory):
    # torch.cosine_similarity(x, memory[i], dim=0) for each i, vectorized.
    # torch uses eps=1e-8 clamp on the denominator.
    dots = memory @ x  # [capacity]
    x_norm = jnp.linalg.norm(x)
    m_norms = jnp.linalg.norm(memory, axis=1)  # [capacity]
    denom = jnp.maximum(m_norms * x_norm, 1e-8)
    distances = dots / denom  # [capacity]
    argmax = jnp.argmax(distances)
    mask = jnp.zeros((distances.shape[0],), dtype=distances.dtype).at[argmax].set(1.0)
    out = distances * mask
    return out

if __name__ == "__main__":
    import jax
    _d = setup_inputs()
    print(jax.jit(kernel)(*tuple(_d.values())))

</pallas_src>

<mosaic_0001>
#map = affine_map<(d0, d1) -> (0)>
#map1 = affine_map<(d0, d1) -> (0, 0)>
module attributes {stable_mosaic.version = 14 : i64} {
  func.func @_k1sc_body(%arg0: i32, %arg1: i32, %arg2: memref<64xf32, #tpu.memory_space<hbm>>, %arg3: memref<1000000x64xf32, #tpu.memory_space<hbm>>, %arg4: memref<256x16xf32, #tpu.memory_space<hbm>>, %arg5: memref<64xf32, #tpu.memory_space<vmem>>, %arg6: memref<496x64xf32, #tpu.memory_space<vmem>>, %arg7: memref<496x64xf32, #tpu.memory_space<vmem>>, %arg8: memref<8x16xf32, #tpu.memory_space<vmem>>, %arg9: memref<!tpu.dma_semaphore, #tpu.memory_space<semaphore_mem>>, %arg10: memref<!tpu.dma_semaphore, #tpu.memory_space<semaphore_mem>>) attributes {dimension_semantics = [#tpu.dimension_semantics<core_parallel>, #tpu.dimension_semantics<subcore_parallel>], iteration_bounds = array<i64: 2, 16>, scalar_prefetch = 0 : i64, scratch_operands = 6 : i64, tpu.core_type = #tpu.core_type<sc_vector_subcore>, window_params = [{transform_indices = #map}, {transform_indices = #map1}, {transform_indices = #map1}]} {
    %mul3A = arith.constant 2 : i32
    %mul3A_0 = arith.muli %arg1, %mul3A : i32
    %add3A = arith.addi %mul3A_0, %arg0 : i32
    %mul3A_1 = arith.constant 31248 : i32
    %mul3A_2 = arith.muli %add3A, %mul3A_1 : i32
    "tpu.region"() ({
      %run_scoped3A = tpu.sem_alloc : memref<!tpu.dma_semaphore, #tpu.memory_space<semaphore_mem>>
      tpu.enqueue_dma source(%arg2 : memref<64xf32, #tpu.memory_space<hbm>>) target(%arg5 : memref<64xf32, #tpu.memory_space<vmem>>) target_semaphore(%run_scoped3A : memref<!tpu.dma_semaphore, #tpu.memory_space<semaphore_mem>>)
      tpu.wait_dma2 semaphore(%run_scoped3A : memref<!tpu.dma_semaphore, #tpu.memory_space<semaphore_mem>>) src(%arg2 : memref<64xf32, #tpu.memory_space<hbm>>) dst(%arg5 : memref<64xf32, #tpu.memory_space<vmem>>)
      tpu.yield
    }) : () -> ()
    %get3A = arith.constant 0 : index
    %get3A_3 = tpu.vector_load %arg5[%get3A] {strides = array<i32>} : memref<64xf32, #tpu.memory_space<vmem>>, vector<16xf32>,
    %get3A_4 = arith.constant 16 : index
    %get3A_5 = tpu.vector_load %arg5[%get3A_4] {strides = array<i32>} : memref<64xf32, #tpu.memory_space<vmem>>, vector<16xf32>,
    %get3A_6 = arith.constant 32 : index
    %get3A_7 = tpu.vector_load %arg5[%get3A_6] {strides = array<i32>} : memref<64xf32, #tpu.memory_space<vmem>>, vector<16xf32>,
    %get3A_8 = arith.constant 48 : index
    %get3A_9 = tpu.vector_load %arg5[%get3A_8] {strides = array<i32>} : memref<64xf32, #tpu.memory_space<vmem>>, vector<16xf32>,
    %add3A_10 = arith.constant 0 : i32
    %add3A_11 = arith.addi %mul3A_2, %add3A_10 : i32
    %multiple_of3A = tpu.assume_multiple %add3A_11, 8 : i32
    %dma_start3A = arith.constant 0 : i32
    %dma_start3A_12 = tpu.memref_slice %arg3[%multiple_of3A, %dma_start3A] : memref<1000000x64xf32, #tpu.memory_space<hbm>> -> memref<496x64xf32, #tpu.memory_space<hbm>>
    %dma_start3A_13 = arith.constant 0 : i32
    %dma_start3A_14 = tpu.memref_slice %arg3[%multiple_of3A, %dma_start3A_13] : memref<1000000x64xf32, #tpu.memory_space<hbm>> -> memref<496x64xf32, #tpu.memory_space<hbm>>
    tpu.enqueue_dma source(%dma_start3A_14 : memref<496x64xf32, #tpu.memory_space<hbm>>) target(%arg6 : memref<496x64xf32, #tpu.memory_space<vmem>>) target_semaphore(%arg9 : memref<!tpu.dma_semaphore, #tpu.memory_space<semaphore_mem>>)
    %add3A_15 = arith.constant 496 : i32
    %add3A_16 = arith.addi %mul3A_2, %add3A_15 : i32
    %multiple_of3A_17 = tpu.assume_multiple %add3A_16, 8 : i32
    %dma_start3A_18 = arith.constant 0 : i32
    %dma_start3A_19 = tpu.memref_slice %arg3[%multiple_of3A_17, %dma_start3A_18] : memref<1000000x64xf32, #tpu.memory_space<hbm>> -> memref<496x64xf32, #tpu.memory_space<hbm>>
    %dma_start3A_20 = arith.constant 0 : i32
    %dma_start3A_21 = tpu.memref_slice %arg3[%multiple_of3A_17, %dma_start3A_20] : memref<1000000x64xf32, #tpu.memory_space<hbm>> -> memref<496x64xf32, #tpu.memory_space<hbm>>
    tpu.enqueue_dma source(%dma_start3A_21 : memref<496x64xf32, #tpu.memory_space<hbm>>) target(%arg7 : memref<496x64xf32, #tpu.memory_space<vmem>>) target_semaphore(%arg10 : memref<!tpu.dma_semaphore, #tpu.memory_space<semaphore_mem>>)
    %scan3A = arith.constant 0xFF800000 : f32
    %scan3A_22 = arith.constant 1.000000e+00 : f32
    %scan3A_23 = arith.constant 0 : i32
    %scan3A_24 = arith.constant 0.000000e+00 : f32
    %scan3A_25 = arith.constant 0 : i32
    %scan3A_26 = arith.constant 31 : i32
    %scan3A_27 = arith.addi %scan3A_25, %scan3A_26 : i32
    %scan3A_28 = arith.constant 1 : i32
    %scan3A_29:4 = scf.for %scan3A_120 = %scan3A_25 to %scan3A_27 step %scan3A_28 iter_args(%scan3A_121 = %scan3A, %scan3A_122 = %scan3A_22, %scan3A_123 = %scan3A_23, %scan3A_124 = %scan3A_24) -> (f32, f32, i32, f32)  : i32 {
      %mul3A_125 = arith.constant 2 : i32
      %mul3A_126 = arith.muli %scan3A_120, %mul3A_125 : i32
      %dma_wait3A_127 = arith.constant 0 : i32
      %dma_wait3A_128 = arith.constant 0 : i32
      %dma_wait3A_129 = tpu.memref_slice %arg3[%dma_wait3A_127, %dma_wait3A_128] : memref<1000000x64xf32, #tpu.memory_space<hbm>> -> memref<496x64xf32, #tpu.memory_space<hbm>>
      %dma_wait3A_130 = arith.constant 0 : i32
      %dma_wait3A_131 = arith.constant 0 : i32
      %dma_wait3A_132 = tpu.memref_slice %arg3[%dma_wait3A_130, %dma_wait3A_131] : memref<1000000x64xf32, #tpu.memory_space<hbm>> -> memref<496x64xf32, #tpu.memory_space<hbm>>
      tpu.wait_dma2 semaphore(%arg9 : memref<!tpu.dma_semaphore, #tpu.memory_space<semaphore_mem>>) src(%dma_wait3A_132 : memref<496x64xf32, #tpu.memory_space<hbm>>) dst(%arg6 : memref<496x64xf32, #tpu.memory_space<vmem>>)
      %mul3A_133 = arith.constant 496 : i32
      %mul3A_134 = arith.muli %mul3A_126, %mul3A_133 : i32
      %add3A_135 = arith.addi %mul3A_2, %mul3A_134 : i32
      %scan3A_136 = arith.constant 0 : i32
      %scan3A_137 = arith.constant 496 : i32
      %scan3A_138 = arith.addi %scan3A_136, %scan3A_137 : i32
      %scan3A_139 = arith.constant 8 : i32
      %scan3A_140:4 = scf.for %scan3A_172 = %scan3A_136 to %scan3A_138 step %scan3A_139 iter_args(%scan3A_173 = %scan3A_121, %scan3A_174 = %scan3A_122, %scan3A_175 = %scan3A_123, %scan3A_176 = %scan3A_124) -> (f32, f32, i32, f32)  : i32 {
        %get3A_177 = arith.index_cast %scan3A_172 : i32 to index
        %get3A_178 = arith.constant 0 : index
        %get3A_179 = tpu.vector_load %arg6[%get3A_177, %get3A_178] {strides = array<i32>} : memref<496x64xf32, #tpu.memory_space<vmem>>, vector<16xf32>,
        %get3A_180 = arith.index_cast %scan3A_172 : i32 to index
        %get3A_181 = arith.constant 16 : index
        %get3A_182 = tpu.vector_load %arg6[%get3A_180, %get3A_181] {strides = array<i32>} : memref<496x64xf32, #tpu.memory_space<vmem>>, vector<16xf32>,
        %get3A_183 = arith.index_cast %scan3A_172 : i32 to index
        %get3A_184 = arith.constant 32 : index
        %get3A_185 = tpu.vector_load %arg6[%get3A_183, %get3A_184] {strides = array<i32>} : memref<496x64xf32, #tpu.memory_space<vmem>>, vector<16xf32>,
        %get3A_186 = arith.index_cast %scan3A_172 : i32 to index
        %get3A_187 = arith.constant 48 : index
        %get3A_188 = tpu.vector_load %arg6[%get3A_186, %get3A_187] {strides = array<i32>} : memref<496x64xf32, #tpu.memory_space<vmem>>, vector<16xf32>,
        %mul3A_189 = arith.mulf %get3A_179, %get3A_3 : vector<16xf32>
        %mul3A_190 = arith.mulf %get3A_182, %get3A_5 : vector<16xf32>
        %add3A_191 = arith.addf %mul3A_189, %mul3A_190 : vector<16xf32>
        %mul3A_192 = arith.mulf %get3A_185, %get3A_7 : vector<16xf32>
        %add3A_193 = arith.addf %add3A_191, %mul3A_192 : vector<16xf32>
        %mul3A_194 = arith.mulf %get3A_188, %get3A_9 : vector<16xf32>
        %add3A_195 = arith.addf %add3A_193, %mul3A_194 : vector<16xf32>
        %mul3A_196 = arith.mulf %get3A_179, %get3A_179 : vector<16xf32>
        %mul3A_197 = arith.mulf %get3A_182, %get3A_182 : vector<16xf32>
        %add3A_198 = arith.addf %mul3A_196, %mul3A_197 : vector<16xf32>
        %mul3A_199 = arith.mulf %get3A_185, %get3A_185 : vector<16xf32>
        %add3A_200 = arith.addf %add3A_198, %mul3A_199 : vector<16xf32>
        %mul3A_201 = arith.mulf %get3A_188, %get3A_188 : vector<16xf32>
        %add3A_202 = arith.addf %add3A_200, %mul3A_201 : vector<16xf32>
        %reduce_sum3A = arith.constant true
        %reduce_sum3A_203 = vector.broadcast %reduce_sum3A : i1 to vector<16xi1>
        %reduce_sum3A_204 = tpu.scan <sum>, %add3A_195 masked %reduce_sum3A_203 : vector<16xf32>, vector<16xi1> -> vector<16xf32>
        %reduce_sum3A_205 = vector.extract %reduce_sum3A_204[15] : f32 from vector<16xf32>
        %reduce_sum3A_206 = arith.constant true
        %reduce_sum3A_207 = vector.broadcast %reduce_sum3A_206 : i1 to vector<16xi1>
        %reduce_sum3A_208 = tpu.scan <sum>, %add3A_202 masked %reduce_sum3A_207 : vector<16xf32>, vector<16xi1> -> vector<16xf32>
        %reduce_sum3A_209 = vector.extract %reduce_sum3A_208[15] : f32 from vector<16xf32>
        %max3A = arith.constant 1.000000e-30 : f32
        %max3A_210 = arith.maximumf %reduce_sum3A_209, %max3A : f32
        %abs3A = math.absf %reduce_sum3A_205 : f32
        %mul3A_211 = arith.mulf %reduce_sum3A_205, %abs3A : f32
        %add3A_212 = arith.addi %add3A_135, %scan3A_172 : i32
        %mul3A_213 = arith.mulf %mul3A_211, %scan3A_174 : f32
        %mul3A_214 = arith.mulf %scan3A_173, %max3A_210 : f32
        %gt3A = arith.cmpf ogt, %mul3A_213, %mul3A_214 : f32
        %eq3A_215 = arith.cmpf oeq, %mul3A_213, %mul3A_214 : f32
        %lt3A_216 = arith.cmpi slt, %add3A_212, %scan3A_175 : i32
        %and3A = arith.andi %eq3A_215, %lt3A_216 : i1
        %or3A = arith.ori %gt3A, %and3A : i1
        %select_n3A_217 = arith.select %or3A, %mul3A_211, %scan3A_173 : f32
        %select_n3A_218 = arith.select %or3A, %max3A_210, %scan3A_174 : f32
        %select_n3A_219 = arith.select %or3A, %add3A_212, %scan3A_175 : i32
        %select_n3A_220 = arith.select %or3A, %reduce_sum3A_205, %scan3A_176 : f32
        %scan3A_221 = arith.constant 1 : i32
        %scan3A_222 = arith.addi %scan3A_172, %scan3A_221 : i32
        %get3A_223 = arith.index_cast %scan3A_222 : i32 to index
        %get3A_224 = arith.constant 0 : index
        %get3A_225 = tpu.vector_load %arg6[%get3A_223, %get3A_224] {strides = array<i32>} : memref<496x64xf32, #tpu.memory_space<vmem>>, vector<16xf32>,
        %get3A_226 = arith.index_cast %scan3A_222 : i32 to index
        %get3A_227 = arith.constant 16 : index
        %get3A_228 = tpu.vector_load %arg6[%get3A_226, %get3A_227] {strides = array<i32>} : memref<496x64xf32, #tpu.memory_space<vmem>>, vector<16xf32>,
        %get3A_229 = arith.index_cast %scan3A_222 : i32 to index
        %get3A_230 = arith.constant 32 : index
        %get3A_231 = tpu.vector_load %arg6[%get3A_229, %get3A_230] {strides = array<i32>} : memref<496x64xf32, #tpu.memory_space<vmem>>, vector<16xf32>,
        %get3A_232 = arith.index_cast %scan3A_222 : i32 to index
        %get3A_233 = arith.constant 48 : index
        %get3A_234 = tpu.vector_load %arg6[%get3A_232, %get3A_233] {strides = array<i32>} : memref<496x64xf32, #tpu.memory_space<vmem>>, vector<16xf32>,
        %mul3A_235 = arith.mulf %get3A_225, %get3A_3 : vector<16xf32>
        %mul3A_236 = arith.mulf %get3A_228, %get3A_5 : vector<16xf32>
        %add3A_237 = arith.addf %mul3A_235, %mul3A_236 : vector<16xf32>
        %mul3A_238 = arith.mulf %get3A_231, %get3A_7 : vector<16xf32>
        %add3A_239 = arith.addf %add3A_237, %mul3A_238 : vector<16xf32>
        %mul3A_240 = arith.mulf %get3A_234, %get3A_9 : vector<16xf32>
        %add3A_241 = arith.addf %add3A_239, %mul3A_240 : vector<16xf32>
        %mul3A_242 = arith.mulf %get3A_225, %get3A_225 : vector<16xf32>
        %mul3A_243 = arith.mulf %get3A_228, %get3A_228 : vector<16xf32>
        %add3A_244 = arith.addf %mul3A_242, %mul3A_243 : vector<16xf32>
        %mul3A_245 = arith.mulf %get3A_231, %get3A_231 : vector<16xf32>
        %add3A_246 = arith.addf %add3A_244, %mul3A_245 : vector<16xf32>
        %mul3A_247 = arith.mulf %get3A_234, %get3A_234 : vector<16xf32>
        %add3A_248 = arith.addf %add3A_246, %mul3A_247 : vector<16xf32>
        %reduce_sum3A_249 = arith.constant true
        %reduce_sum3A_250 = vector.broadcast %reduce_sum3A_249 : i1 to vector<16xi1>
        %reduce_sum3A_251 = tpu.scan <sum>, %add3A_241 masked %reduce_sum3A_250 : vector<16xf32>, vector<16xi1> -> vector<16xf32>
        %reduce_sum3A_252 = vector.extract %reduce_sum3A_251[15] : f32 from vector<16xf32>
        %reduce_sum3A_253 = arith.constant true
        %reduce_sum3A_254 = vector.broadcast %reduce_sum3A_253 : i1 to vector<16xi1>
        %reduce_sum3A_255 = tpu.scan <sum>, %add3A_248 masked %reduce_sum3A_254 : vector<16xf32>, vector<16xi1> -> vector<16xf32>
        %reduce_sum3A_256 = vector.extract %reduce_sum3A_255[15] : f32 from vector<16xf32>
        %max3A_257 = arith.constant 1.000000e-30 : f32
        %max3A_258 = arith.maximumf %reduce_sum3A_256, %max3A_257 : f32
        %abs3A_259 = math.absf %reduce_sum3A_252 : f32
        %mul3A_260 = arith.mulf %reduce_sum3A_252, %abs3A_259 : f32
        %add3A_261 = arith.addi %add3A_135, %scan3A_222 : i32
        %mul3A_262 = arith.mulf %mul3A_260, %select_n3A_218 : f32
        %mul3A_263 = arith.mulf %select_n3A_217, %max3A_258 : f32
        %gt3A_264 = arith.cmpf ogt, %mul3A_262, %mul3A_263 : f32
        %eq3A_265 = arith.cmpf oeq, %mul3A_262, %mul3A_263 : f32
        %lt3A_266 = arith.cmpi slt, %add3A_261, %select_n3A_219 : i32
        %and3A_267 = arith.andi %eq3A_265, %lt3A_266 : i1
        %or3A_268 = arith.ori %gt3A_264, %and3A_267 : i1
        %select_n3A_269 = arith.select %or3A_268, %mul3A_260, %select_n3A_217 : f32
        %select_n3A_270 = arith.select %or3A_268, %max3A_258, %select_n3A_218 : f32
        %select_n3A_271 = arith.select %or3A_268, %add3A_261, %select_n3A_219 : i32
        %select_n3A_272 = arith.select %or3A_268, %reduce_sum3A_252, %select_n3A_220 : f32
        %scan3A_273 = arith.constant 2 : i32
        %scan3A_274 = arith.addi %scan3A_172, %scan3A_273 : i32
        %get3A_275 = arith.index_cast %scan3A_274 : i32 to index
        %get3A_276 = arith.constant 0 : index
        %get3A_277 = tpu.vector_load %arg6[%get3A_275, %get3A_276] {strides = array<i32>} : memref<496x64xf32, #tpu.memory_space<vmem>>, vector<16xf32>,
        %get3A_278 = arith.index_cast %scan3A_274 : i32 to index
        %get3A_279 = arith.constant 16 : index
        %get3A_280 = tpu.vector_load %arg6[%get3A_278, %get3A_279] {strides = array<i32>} : memref<496x64xf32, #tpu.memory_space<vmem>>, vector<16xf32>,
        %get3A_281 = arith.index_cast %scan3A_274 : i32 to index
        %get3A_282 = arith.constant 32 : index
        %get3A_283 = tpu.vector_load %arg6[%get3A_281, %get3A_282] {strides = array<i32>} : memref<496x64xf32, #tpu.memory_space<vmem>>, vector<16xf32>,
        %get3A_284 = arith.index_cast %scan3A_274 : i32 to index
        %get3A_285 = arith.constant 48 : index
        %get3A_286 = tpu.vector_load %arg6[%get3A_284, %get3A_285] {strides = array<i32>} : memref<496x64xf32, #tpu.memory_space<vmem>>, vector<16xf32>,
        %mul3A_287 = arith.mulf %get3A_277, %get3A_3 : vector<16xf32>
        %mul3A_288 = arith.mulf %get3A_280, %get3A_5 : vector<16xf32>
        %add3A_289 = arith.addf %mul3A_287, %mul3A_288 : vector<16xf32>
        %mul3A_290 = arith.mulf %get3A_283, %get3A_7 : vector<16xf32>
        %add3A_291 = arith.addf %add3A_289, %mul3A_290 : vector<16xf32>
        %mul3A_292 = arith.mulf %get3A_286, %get3A_9 : vector<16xf32>
        %add3A_293 = arith.addf %add3A_291, %mul3A_292 : vector<16xf32>
        %mul3A_294 = arith.mulf %get3A_277, %get3A_277 : vector<16xf32>
        %mul3A_295 = arith.mulf %get3A_280, %get3A_280 : vector<16xf32>
        %add3A_296 = arith.addf %mul3A_294, %mul3A_295 : vector<16xf32>
        %mul3A_297 = arith.mulf %get3A_283, %get3A_283 : vector<16xf32>
        %add3A_298 = arith.addf %add3A_296, %mul3A_297 : vector<16xf32>
        %mul3A_299 = arith.mulf %get3A_286, %get3A_286 : vector<16xf32>
        %add3A_300 = arith.addf %add3A_298, %mul3A_299 : vector<16xf32>
        %reduce_sum3A_301 = arith.constant true
        %reduce_sum3A_302 = vector.broadcast %reduce_sum3A_301 : i1 to vector<16xi1>
        %reduce_sum3A_303 = tpu.scan <sum>, %add3A_293 masked %reduce_sum3A_302 : vector<16xf32>, vector<16xi1> -> vector<16xf32>
        %reduce_sum3A_304 = vector.extract %reduce_sum3A_303[15] : f32 from vector<16xf32>
        %reduce_sum3A_305 = arith.constant true
        %reduce_sum3A_306 = vector.broadcast %reduce_sum3A_305 : i1 to vector<16xi1>
        %reduce_sum3A_307 = tpu.scan <sum>, %add3A_300 masked %reduce_sum3A_306 : vector<16xf32>, vector<16xi1> -> vector<16xf32>
        %reduce_sum3A_308 = vector.extract %reduce_sum3A_307[15] : f32 from vector<16xf32>
        %max3A_309 = arith.constant 1.000000e-30 : f32
        %max3A_310 = arith.maximumf %reduce_sum3A_308, %max3A_309 : f32
        %abs3A_311 = math.absf %reduce_sum3A_304 : f32
        %mul3A_312 = arith.mulf %reduce_sum3A_304, %abs3A_311 : f32
        %add3A_313 = arith.addi %add3A_135, %scan3A_274 : i32
        %mul3A_314 = arith.mulf %mul3A_312, %select_n3A_270 : f32
        %mul3A_315 = arith.mulf %select_n3A_269, %max3A_310 : f32
        %gt3A_316 = arith.cmpf ogt, %mul3A_314, %mul3A_315 : f32
        %eq3A_317 = arith.cmpf oeq, %mul3A_314, %mul3A_315 : f32
        %lt3A_318 = arith.cmpi slt, %add3A_313, %select_n3A_271 : i32
        %and3A_319 = arith.andi %eq3A_317, %lt3A_318 : i1
        %or3A_320 = arith.ori %gt3A_316, %and3A_319 : i1
        %select_n3A_321 = arith.select %or3A_320, %mul3A_312, %select_n3A_269 : f32
        %select_n3A_322 = arith.select %or3A_320, %max3A_310, %select_n3A_270 : f32
        %select_n3A_323 = arith.select %or3A_320, %add3A_313, %select_n3A_271 : i32
        %select_n3A_324 = arith.select %or3A_320, %reduce_sum3A_304, %select_n3A_272 : f32
        %scan3A_325 = arith.constant 3 : i32
        %scan3A_326 = arith.addi %scan3A_172, %scan3A_325 : i32
        %get3A_327 = arith.index_cast %scan3A_326 : i32 to index
        %get3A_328 = arith.constant 0 : index
        %get3A_329 = tpu.vector_load %arg6[%get3A_327, %get3A_328] {strides = array<i32>} : memref<496x64xf32, #tpu.memory_space<vmem>>, vector<16xf32>,
        %get3A_330 = arith.index_cast %scan3A_326 : i32 to index
        %get3A_331 = arith.constant 16 : index
        %get3A_332 = tpu.vector_load %arg6[%get3A_330, %get3A_331] {strides = array<i32>} : memref<496x64xf32, #tpu.memory_space<vmem>>, vector<16xf32>,
        %get3A_333 = arith.index_cast %scan3A_326 : i32 to index
        %get3A_334 = arith.constant 32 : index
        %get3A_335 = tpu.vector_load %arg6[%get3A_333, %get3A_334] {strides = array<i32>} : memref<496x64xf32, #tpu.memory_space<vmem>>, vector<16xf32>,
        %get3A_336 = arith.index_cast %scan3A_326 : i32 to index
        %get3A_337 = arith.constant 48 : index
        %get3A_338 = tpu.vector_load %arg6[%get3A_336, %get3A_337] {strides = array<i32>} : memref<496x64xf32, #tpu.memory_space<vmem>>, vector<16xf32>,
        %mul3A_339 = arith.mulf %get3A_329, %get3A_3 : vector<16xf32>
        %mul3A_340 = arith.mulf %get3A_332, %get3A_5 : vector<16xf32>
        %add3A_341 = arith.addf %mul3A_339, %mul3A_340 : vector<16xf32>
        %mul3A_342 = arith.mulf %get3A_335, %get3A_7 : vector<16xf32>
        %add3A_343 = arith.addf %add3A_341, %mul3A_342 : vector<16xf32>
        %mul3A_344 = arith.mulf %get3A_338, %get3A_9 : vector<16xf32>
        %add3A_345 = arith.addf %add3A_343, %mul3A_344 : vector<16xf32>
        %mul3A_346 = arith.mulf %get3A_329, %get3A_329 : vector<16xf32>
        %mul3A_347 = arith.mulf %get3A_332, %get3A_332 : vector<16xf32>
        %add3A_348 = arith.addf %mul3A_346, %mul3A_347 : vector<16xf32>
        %mul3A_349 = arith.mulf %get3A_335, %get3A_335 : vector<16xf32>
        %add3A_350 = arith.addf %add3A_348, %mul3A_349 : vector<16xf32>
        %mul3A_351 = arith.mulf %get3A_338, %get3A_338 : vector<16xf32>
        %add3A_352 = arith.addf %add3A_350, %mul3A_351 : vector<16xf32>
        %reduce_sum3A_353 = arith.constant true
        %reduce_sum3A_354 = vector.broadcast %reduce_sum3A_353 : i1 to vector<16xi1>
        %reduce_sum3A_355 = tpu.scan <sum>, %add3A_345 masked %reduce_sum3A_354 : vector<16xf32>, vector<16xi1> -> vector<16xf32>
        %reduce_sum3A_356 = vector.extract %reduce_sum3A_355[15] : f32 from vector<16xf32>
        %reduce_sum3A_357 = arith.constant true
        %reduce_sum3A_358 = vector.broadcast %reduce_sum3A_357 : i1 to vector<16xi1>
        %reduce_sum3A_359 = tpu.scan <sum>, %add3A_352 masked %reduce_sum3A_358 : vector<16xf32>, vector<16xi1> -> vector<16xf32>
        %reduce_sum3A_360 = vector.extract %reduce_sum3A_359[15] : f32 from vector<16xf32>
        %max3A_361 = arith.constant 1.000000e-30 : f32
        %max3A_362 = arith.maximumf %reduce_sum3A_360, %max3A_361 : f32
        %abs3A_363 = math.absf %reduce_sum3A_356 : f32
        %mul3A_364 = arith.mulf %reduce_sum3A_356, %abs3A_363 : f32
        %add3A_365 = arith.addi %add3A_135, %scan3A_326 : i32
        %mul3A_366 = arith.mulf %mul3A_364, %select_n3A_322 : f32
        %mul3A_367 = arith.mulf %select_n3A_321, %max3A_362 : f32
        %gt3A_368 = arith.cmpf ogt, %mul3A_366, %mul3A_367 : f32
        %eq3A_369 = arith.cmpf oeq, %mul3A_366, %mul3A_367 : f32
        %lt3A_370 = arith.cmpi slt, %add3A_365, %select_n3A_323 : i32
        %and3A_371 = arith.andi %eq3A_369, %lt3A_370 : i1
        %or3A_372 = arith.ori %gt3A_368, %and3A_371 : i1
        %select_n3A_373 = arith.select %or3A_372, %mul3A_364, %select_n3A_321 : f32
        %select_n3A_374 = arith.select %or3A_372, %max3A_362, %select_n3A_322 : f32
        %select_n3A_375 = arith.select %or3A_372, %add3A_365, %select_n3A_323 : i32
        %select_n3A_376 = arith.select %or3A_372, %reduce_sum3A_356, %select_n3A_324 : f32
        %scan3A_377 = arith.constant 4 : i32
        %scan3A_378 = arith.addi %scan3A_172, %scan3A_377 : i32
        %get3A_379 = arith.index_cast %scan3A_378 : i32 to index
        %get3A_380 = arith.constant 0 : index
        %get3A_381 = tpu.vector_load %arg6[%get3A_379, %get3A_380] {strides = array<i32>} : memref<496x64xf32, #tpu.memory_space<vmem>>, vector<16xf32>,
        %get3A_382 = arith.index_cast %scan3A_378 : i32 to index
        %get3A_383 = arith.constant 16 : index
        %get3A_384 = tpu.vector_load %arg6[%get3A_382, %get3A_383] {strides = array<i32>} : memref<496x64xf32, #tpu.memory_space<vmem>>, vector<16xf32>,
        %get3A_385 = arith.index_cast %scan3A_378 : i32 to index
        %get3A_386 = arith.constant 32 : index
        %get3A_387 = tpu.vector_load %arg6[%get3A_385, %get3A_386] {strides = array<i32>} : memref<496x64xf32, #tpu.memory_space<vmem>>, vector<16xf32>,
        %get3A_388 = arith.index_cast %scan3A_378 : i32 to index
        %get3A_389 = arith.constant 48 : index
        %get3A_390 = tpu.vector_load %arg6[%get3A_388, %get3A_389] {strides = array<i32>} : memref<496x64xf32, #tpu.memory_space<vmem>>, vector<16xf32>,
        %mul3A_391 = arith.mulf %get3A_381, %get3A_3 : vector<16xf32>
        %mul3A_392 = arith.mulf %get3A_384, %get3A_5 : vector<16xf32>
        %add3A_393 = arith.addf %mul3A_391, %mul3A_392 : vector<16xf32>
        %mul3A_394 = arith.mulf %get3A_387, %get3A_7 : vector<16xf32>
        %add3A_395 = arith.addf %add3A_393, %mul3A_394 : vector<16xf32>
        %mul3A_396 = arith.mulf %get3A_390, %get3A_9 : vector<16xf32>
        %add3A_397 = arith.addf %add3A_395, %mul3A_396 : vector<16xf32>
        %mul3A_398 = arith.mulf %get3A_381, %get3A_381 : vector<16xf32>
        %mul3A_399 = arith.mulf %get3A_384, %get3A_384 : vector<16xf32>
        %add3A_400 = arith.addf %mul3A_398, %mul3A_399 : vector<16xf32>
        %mul3A_401 = arith.mulf %get3A_387, %get3A_387 : vector<16xf32>
        %add3A_402 = arith.addf %add3A_400, %mul3A_401 : vector<16xf32>
        %mul3A_403 = arith.mulf %get3A_390, %get3A_390 : vector<16xf32>
        %add3A_404 = arith.addf %add3A_402, %mul3A_403 : vector<16xf32>
        %reduce_sum3A_405 = arith.constant true
        %reduce_sum3A_406 = vector.broadcast %reduce_sum3A_405 : i1 to vector<16xi1>
        %reduce_sum3A_407 = tpu.scan <sum>, %add3A_397 masked %reduce_sum3A_406 : vector<16xf32>, vector<16xi1> -> vector<16xf32>
        %reduce_sum3A_408 = vector.extract %reduce_sum3A_407[15] : f32 from vector<16xf32>
        %reduce_sum3A_409 = arith.constant true
        %reduce_sum3A_410 = vector.broadcast %reduce_sum3A_409 : i1 to vector<16xi1>
        %reduce_sum3A_411 = tpu.scan <sum>, %add3A_404 masked %reduce_sum3A_410 : vector<16xf32>, vector<16xi1> -> vector<16xf32>
        %reduce_sum3A_412 = vector.extract %reduce_sum3A_411[15] : f32 from vector<16xf32>
        %max3A_413 = arith.constant 1.000000e-30 : f32
        %max3A_414 = arith.maximumf %reduce_sum3A_412, %max3A_413 : f32
        %abs3A_415 = math.absf %reduce_sum3A_408 : f32
        %mul3A_416 = arith.mulf %reduce_sum3A_408, %abs3A_415 : f32
        %add3A_417 = arith.addi %add3A_135, %scan3A_378 : i32
        %mul3A_418 = arith.mulf %mul3A_416, %select_n3A_374 : f32
        %mul3A_419 = arith.mulf %select_n3A_373, %max3A_414 : f32
        %gt3A_420 = arith.cmpf ogt, %mul3A_418, %mul3A_419 : f32
        %eq3A_421 = arith.cmpf oeq, %mul3A_418, %mul3A_419 : f32
        %lt3A_422 = arith.cmpi slt, %add3A_417, %select_n3A_375 : i32
        %and3A_423 = arith.andi %eq3A_421, %lt3A_422 : i1
        %or3A_424 = arith.ori %gt3A_420, %and3A_423 : i1
        %select_n3A_425 = arith.select %or3A_424, %mul3A_416, %select_n3A_373 : f32
        %select_n3A_426 = arith.select %or3A_424, %max3A_414, %select_n3A_374 : f32
        %select_n3A_427 = arith.select %or3A_424, %add3A_417, %select_n3A_375 : i32
        %select_n3A_428 = arith.select %or3A_424, %reduce_sum3A_408, %select_n3A_376 : f32
        %scan3A_429 = arith.constant 5 : i32
        %scan3A_430 = arith.addi %scan3A_172, %scan3A_429 : i32
        %get3A_431 = arith.index_cast %scan3A_430 : i32 to index
        %get3A_432 = arith.constant 0 : index
        %get3A_433 = tpu.vector_load %arg6[%get3A_431, %get3A_432] {strides = array<i32>} : memref<496x64xf32, #tpu.memory_space<vmem>>, vector<16xf32>,
        %get3A_434 = arith.index_cast %scan3A_430 : i32 to index
        %get3A_435 = arith.constant 16 : index
        %get3A_436 = tpu.vector_load %arg6[%get3A_434, %get3A_435] {strides = array<i32>} : memref<496x64xf32, #tpu.memory_space<vmem>>, vector<16xf32>,
        %get3A_437 = arith.index_cast %scan3A_430 : i32 to index
        %get3A_438 = arith.constant 32 : index
        %get3A_439 = tpu.vector_load %arg6[%get3A_437, %get3A_438] {strides = array<i32>} : memref<496x64xf32, #tpu.memory_space<vmem>>, vector<16xf32>,
        %get3A_440 = arith.index_cast %scan3A_430 : i32 to index
        %get3A_441 = arith.constant 48 : index
        %get3A_442 = tpu.vector_load %arg6[%get3A_440, %get3A_441] {strides = array<i32>} : memref<496x64xf32, #tpu.memory_space<vmem>>, vector<16xf32>,
        %mul3A_443 = arith.mulf %get3A_433, %get3A_3 : vector<16xf32>
        %mul3A_444 = arith.mulf %get3A_436, %get3A_5 : vector<16xf32>
        %add3A_445 = arith.addf %mul3A_443, %mul3A_444 : vector<16xf32>
        %mul3A_446 = arith.mulf %get3A_439, %get3A_7 : vector<16xf32>
        %add3A_447 = arith.addf %add3A_445, %mul3A_446 : vector<16xf32>
        %mul3A_448 = arith.mulf %get3A_442, %get3A_9 : vector<16xf32>
        %add3A_449 = arith.addf %add3A_447, %mul3A_448 : vector<16xf32>
        %mul3A_450 = arith.mulf %get3A_433, %get3A_433 : vector<16xf32>
        %mul3A_451 = arith.mulf %get3A_436, %get3A_436 : vector<16xf32>
        %add3A_452 = arith.addf %mul3A_450, %mul3A_451 : vector<16xf32>
        %mul3A_453 = arith.mulf %get3A_439, %get3A_439 : vector<16xf32>
        %add3A_454 = arith.addf %add3A_452, %mul3A_453 : vector<16xf32>
        %mul3A_455 = arith.mulf %get3A_442, %get3A_442 : vector<16xf32>
        %add3A_456 = arith.addf %add3A_454, %mul3A_455 : vector<16xf32>
        %reduce_sum3A_457 = arith.constant true
        %reduce_sum3A_458 = vector.broadcast %reduce_sum3A_457 : i1 to vector<16xi1>
        %reduce_sum3A_459 = tpu.scan <sum>, %add3A_449 masked %reduce_sum3A_458 : vector<16xf32>, vector<16xi1> -> vector<16xf32>
        %reduce_sum3A_460 = vector.extract %reduce_sum3A_459[15] : f32 from vector<16xf32>
        %reduce_sum3A_461 = arith.constant true
        %reduce_sum3A_462 = vector.broadcast %reduce_sum3A_461 : i1 to vector<16xi1>
        %reduce_sum3A_463 = tpu.scan <sum>, %add3A_456 masked %reduce_sum3A_462 : vector<16xf32>, vector<16xi1> -> vector<16xf32>
        %reduce_sum3A_464 = vector.extract %reduce_sum3A_463[15] : f32 from vector<16xf32>
        %max3A_465 = arith.constant 1.000000e-30 : f32
        %max3A_466 = arith.maximumf %reduce_sum3A_464, %max3A_465 : f32
        %abs3A_467 = math.absf %reduce_sum3A_460 : f32
        %mul3A_468 = arith.mulf %reduce_sum3A_460, %abs3A_467 : f32
        %add3A_469 = arith.addi %add3A_135, %scan3A_430 : i32
        %mul3A_470 = arith.mulf %mul3A_468, %select_n3A_426 : f32
        %mul3A_471 = arith.mulf %select_n3A_425, %max3A_466 : f32
        %gt3A_472 = arith.cmpf ogt, %mul3A_470, %mul3A_471 : f32
        %eq3A_473 = arith.cmpf oeq, %mul3A_470, %mul3A_471 : f32
        %lt3A_474 = arith.cmpi slt, %add3A_469, %select_n3A_427 : i32
        %and3A_475 = arith.andi %eq3A_473, %lt3A_474 : i1
        %or3A_476 = arith.ori %gt3A_472, %and3A_475 : i1
        %select_n3A_477 = arith.select %or3A_476, %mul3A_468, %select_n3A_425 : f32
        %select_n3A_478 = arith.select %or3A_476, %max3A_466, %select_n3A_426 : f32
        %select_n3A_479 = arith.select %or3A_476, %add3A_469, %select_n3A_427 : i32
        %select_n3A_480 = arith.select %or3A_476, %reduce_sum3A_460, %select_n3A_428 : f32
        %scan3A_481 = arith.constant 6 : i32
        %scan3A_482 = arith.addi %scan3A_172, %scan3A_481 : i32
        %get3A_483 = arith.index_cast %scan3A_482 : i32 to index
        %get3A_484 = arith.constant 0 : index
        %get3A_485 = tpu.vector_load %arg6[%get3A_483, %get3A_484] {strides = array<i32>} : memref<496x64xf32, #tpu.memory_space<vmem>>, vector<16xf32>,
        %get3A_486 = arith.index_cast %scan3A_482 : i32 to index
        %get3A_487 = arith.constant 16 : index
        %get3A_488 = tpu.vector_load %arg6[%get3A_486, %get3A_487] {strides = array<i32>} : memref<496x64xf32, #tpu.memory_space<vmem>>, vector<16xf32>,
        %get3A_489 = arith.index_cast %scan3A_482 : i32 to index
        %get3A_490 = arith.constant 32 : index
        %get3A_491 = tpu.vector_load %arg6[%get3A_489, %get3A_490] {strides = array<i32>} : memref<496x64xf32, #tpu.memory_space<vmem>>, vector<16xf32>,
        %get3A_492 = arith.index_cast %scan3A_482 : i32 to index
        %get3A_493 = arith.constant 48 : index
        %get3A_494 = tpu.vector_load %arg6[%get3A_492, %get3A_493] {strides = array<i32>} : memref<496x64xf32, #tpu.memory_space<vmem>>, vector<16xf32>,
        %mul3A_495 = arith.mulf %get3A_485, %get3A_3 : vector<16xf32>
        %mul3A_496 = arith.mulf %get3A_488, %get3A_5 : vector<16xf32>
        %add3A_497 = arith.addf %mul3A_495, %mul3A_496 : vector<16xf32>
        %mul3A_498 = arith.mulf %get3A_491, %get3A_7 : vector<16xf32>
        %add3A_499 = arith.addf %add3A_497, %mul3A_498 : vector<16xf32>
        %mul3A_500 = arith.mulf %get3A_494, %get3A_9 : vector<16xf32>
        %add3A_501 = arith.addf %add3A_499, %mul3A_500 : vector<16xf32>
        %mul3A_502 = arith.mulf %get3A_485, %get3A_485 : vector<16xf32>
        %mul3A_503 = arith.mulf %get3A_488, %get3A_488 : vector<16xf32>
        %add3A_504 = arith.addf %mul3A_502, %mul3A_503 : vector<16xf32>
        %mul3A_505 = arith.mulf %get3A_491, %get3A_491 : vector<16xf32>
        %add3A_506 = arith.addf %add3A_504, %mul3A_505 : vector<16xf32>
        %mul3A_507 = arith.mulf %get3A_494, %get3A_494 : vector<16xf32>
        %add3A_508 = arith.addf %add3A_506, %mul3A_507 : vector<16xf32>
        %reduce_sum3A_509 = arith.constant true
        %reduce_sum3A_510 = vector.broadcast %reduce_sum3A_509 : i1 to vector<16xi1>
        %reduce_sum3A_511 = tpu.scan <sum>, %add3A_501 masked %reduce_sum3A_510 : vector<16xf32>, vector<16xi1> -> vector<16xf32>
        %reduce_sum3A_512 = vector.extract %reduce_sum3A_511[15] : f32 from vector<16xf32>
        %reduce_sum3A_513 = arith.constant true
        %reduce_sum3A_514 = vector.broadcast %reduce_sum3A_513 : i1 to vector<16xi1>
        %reduce_sum3A_515 = tpu.scan <sum>, %add3A_508 masked %reduce_sum3A_514 : vector<16xf32>, vector<16xi1> -> vector<16xf32>
        %reduce_sum3A_516 = vector.extract %reduce_sum3A_515[15] : f32 from vector<16xf32>
        %max3A_517 = arith.constant 1.000000e-30 : f32
        %max3A_518 = arith.maximumf %reduce_sum3A_516, %max3A_517 : f32
        %abs3A_519 = math.absf %reduce_sum3A_512 : f32
        %mul3A_520 = arith.mulf %reduce_sum3A_512, %abs3A_519 : f32
        %add3A_521 = arith.addi %add3A_135, %scan3A_482 : i32
        %mul3A_522 = arith.mulf %mul3A_520, %select_n3A_478 : f32
        %mul3A_523 = arith.mulf %select_n3A_477, %max3A_518 : f32
        %gt3A_524 = arith.cmpf ogt, %mul3A_522, %mul3A_523 : f32
        %eq3A_525 = arith.cmpf oeq, %mul3A_522, %mul3A_523 : f32
        %lt3A_526 = arith.cmpi slt, %add3A_521, %select_n3A_479 : i32
        %and3A_527 = arith.andi %eq3A_525, %lt3A_526 : i1
        %or3A_528 = arith.ori %gt3A_524, %and3A_527 : i1
        %select_n3A_529 = arith.select %or3A_528, %mul3A_520, %select_n3A_477 : f32
        %select_n3A_530 = arith.select %or3A_528, %max3A_518, %select_n3A_478 : f32
        %select_n3A_531 = arith.select %or3A_528, %add3A_521, %select_n3A_479 : i32
        %select_n3A_532 = arith.select %or3A_528, %reduce_sum3A_512, %select_n3A_480 : f32
        %scan3A_533 = arith.constant 7 : i32
        %scan3A_534 = arith.addi %scan3A_172, %scan3A_533 : i32
        %get3A_535 = arith.index_cast %scan3A_534 : i32 to index
        %get3A_536 = arith.constant 0 : index
        %get3A_537 = tpu.vector_load %arg6[%get3A_535, %get3A_536] {strides = array<i32>} : memref<496x64xf32, #tpu.memory_space<vmem>>, vector<16xf32>,
        %get3A_538 = arith.index_cast %scan3A_534 : i32 to index
        %get3A_539 = arith.constant 16 : index
        %get3A_540 = tpu.vector_load %arg6[%get3A_538, %get3A_539] {strides = array<i32>} : memref<496x64xf32, #tpu.memory_space<vmem>>, vector<16xf32>,
        %get3A_541 = arith.index_cast %scan3A_534 : i32 to index
        %get3A_542 = arith.constant 32 : index
        %get3A_543 = tpu.vector_load %arg6[%get3A_541, %get3A_542] {strides = array<i32>} : memref<496x64xf32, #tpu.memory_space<vmem>>, vector<16xf32>,
        %get3A_544 = arith.index_cast %scan3A_534 : i32 to index
        %get3A_545 = arith.constant 48 : index
        %get3A_546 = tpu.vector_load %arg6[%get3A_544, %get3A_545] {strides = array<i32>} : memref<496x64xf32, #tpu.memory_space<vmem>>, vector<16xf32>,
        %mul3A_547 = arith.mulf %get3A_537, %get3A_3 : vector<16xf32>
        %mul3A_548 = arith.mulf %get3A_540, %get3A_5 : vector<16xf32>
        %add3A_549 = arith.addf %mul3A_547, %mul3A_548 : vector<16xf32>
        %mul3A_550 = arith.mulf %get3A_543, %get3A_7 : vector<16xf32>
        %add3A_551 = arith.addf %add3A_549, %mul3A_550 : vector<16xf32>
        %mul3A_552 = arith.mulf %get3A_546, %get3A_9 : vector<16xf32>
        %add3A_553 = arith.addf %add3A_551, %mul3A_552 : vector<16xf32>
        %mul3A_554 = arith.mulf %get3A_537, %get3A_537 : vector<16xf32>
        %mul3A_555 = arith.mulf %get3A_540, %get3A_540 : vector<16xf32>
        %add3A_556 = arith.addf %mul3A_554, %mul3A_555 : vector<16xf32>
        %mul3A_557 = arith.mulf %get3A_543, %get3A_543 : vector<16xf32>
        %add3A_558 = arith.addf %add3A_556, %mul3A_557 : vector<16xf32>
        %mul3A_559 = arith.mulf %get3A_546, %get3A_546 : vector<16xf32>
        %add3A_560 = arith.addf %add3A_558, %mul3A_559 : vector<16xf32>
        %reduce_sum3A_561 = arith.constant true
        %reduce_sum3A_562 = vector.broadcast %reduce_sum3A_561 : i1 to vector<16xi1>
        %reduce_sum3A_563 = tpu.scan <sum>, %add3A_553 masked %reduce_sum3A_562 : vector<16xf32>, vector<16xi1> -> vector<16xf32>
        %reduce_sum3A_564 = vector.extract %reduce_sum3A_563[15] : f32 from vector<16xf32>
        %reduce_sum3A_565 = arith.constant true
        %reduce_sum3A_566 = vector.broadcast %reduce_sum3A_565 : i1 to vector<16xi1>
        %reduce_sum3A_567 = tpu.scan <sum>, %add3A_560 masked %reduce_sum3A_566 : vector<16xf32>, vector<16xi1> -> vector<16xf32>
        %reduce_sum3A_568 = vector.extract %reduce_sum3A_567[15] : f32 from vector<16xf32>
        %max3A_569 = arith.constant 1.000000e-30 : f32
        %max3A_570 = arith.maximumf %reduce_sum3A_568, %max3A_569 : f32
        %abs3A_571 = math.absf %reduce_sum3A_564 : f32
        %mul3A_572 = arith.mulf %reduce_sum3A_564, %abs3A_571 : f32
        %add3A_573 = arith.addi %add3A_135, %scan3A_534 : i32
        %mul3A_574 = arith.mulf %mul3A_572, %select_n3A_530 : f32
        %mul3A_575 = arith.mulf %select_n3A_529, %max3A_570 : f32
        %gt3A_576 = arith.cmpf ogt, %mul3A_574, %mul3A_575 : f32
        %eq3A_577 = arith.cmpf oeq, %mul3A_574, %mul3A_575 : f32
        %lt3A_578 = arith.cmpi slt, %add3A_573, %select_n3A_531 : i32
        %and3A_579 = arith.andi %eq3A_577, %lt3A_578 : i1
        %or3A_580 = arith.ori %gt3A_576, %and3A_579 : i1
        %select_n3A_581 = arith.select %or3A_580, %mul3A_572, %select_n3A_529 : f32
        %select_n3A_582 = arith.select %or3A_580, %max3A_570, %select_n3A_530 : f32
        %select_n3A_583 = arith.select %or3A_580, %add3A_573, %select_n3A_531 : i32
        %select_n3A_584 = arith.select %or3A_580, %reduce_sum3A_564, %select_n3A_532 : f32
        scf.yield %select_n3A_581, %select_n3A_582, %select_n3A_583, %select_n3A_584 : f32, f32, i32, f32
      }
      %scan3A_141 = arith.constant 496 : i32
      %add3A_142 = arith.constant 2 : i32
      %add3A_143 = arith.addi %mul3A_126, %add3A_142 : i32
      %lt3A = arith.constant 63 : i32
      %lt3A_144 = arith.cmpi slt, %add3A_143, %lt3A : i32
      %convert_element_type3A_145 = arith.extui %lt3A_144 : i1 to i32
      %cond3A_146 = arith.constant 0 : i32
      %cond3A_147 = arith.cmpi ne, %convert_element_type3A_145, %cond3A_146 : i32
      scf.if %cond3A_147 {
        %add3A_172 = arith.constant 2 : i32
        %add3A_173 = arith.addi %mul3A_126, %add3A_172 : i32
        %mul3A_174 = arith.constant 496 : i32
        %mul3A_175 = arith.muli %add3A_173, %mul3A_174 : i32
        %add3A_176 = arith.addi %mul3A_2, %mul3A_175 : i32
        %multiple_of3A_177 = tpu.assume_multiple %add3A_176, 8 : i32
        %dma_start3A_178 = arith.constant 0 : i32
        %dma_start3A_179 = tpu.memref_slice %arg3[%multiple_of3A_177, %dma_start3A_178] : memref<1000000x64xf32, #tpu.memory_space<hbm>> -> memref<496x64xf32, #tpu.memory_space<hbm>>
        %dma_start3A_180 = arith.constant 0 : i32
        %dma_start3A_181 = tpu.memref_slice %arg3[%multiple_of3A_177, %dma_start3A_180] : memref<1000000x64xf32, #tpu.memory_space<hbm>> -> memref<496x64xf32, #tpu.memory_space<hbm>>
        tpu.enqueue_dma source(%dma_start3A_181 : memref<496x64xf32, #tpu.memory_space<hbm>>) target(%arg6 : memref<496x64xf32, #tpu.memory_space<vmem>>) target_semaphore(%arg9 : memref<!tpu.dma_semaphore, #tpu.memory_space<semaphore_mem>>)
      } else {
      }
      %dma_wait3A_148 = arith.constant 0 : i32
      %dma_wait3A_149 = arith.constant 0 : i32
      %dma_wait3A_150 = tpu.memref_slice %arg3[%dma_wait3A_148, %dma_wait3A_149] : memref<1000000x64xf32, #tpu.memory_space<hbm>> -> memref<496x64xf32, #tpu.memory_space<hbm>>
      %dma_wait3A_151 = arith.constant 0 : i32
      %dma_wait3A_152 = arith.constant 0 : i32
      %dma_wait3A_153 = tpu.memref_slice %arg3[%dma_wait3A_151, %dma_wait3A_152] : memref<1000000x64xf32, #tpu.memory_space<hbm>> -> memref<496x64xf32, #tpu.memory_space<hbm>>
      tpu.wait_dma2 semaphore(%arg10 : memref<!tpu.dma_semaphore, #tpu.memory_space<semaphore_mem>>) src(%dma_wait3A_153 : memref<496x64xf32, #tpu.memory_space<hbm>>) dst(%arg7 : memref<496x64xf32, #tpu.memory_space<vmem>>)
      %add3A_154 = arith.constant 1 : i32
      %add3A_155 = arith.addi %mul3A_126, %add3A_154 : i32
      %mul3A_156 = arith.constant 496 : i32
      %mul3A_157 = arith.muli %add3A_155, %mul3A_156 : i32
      %add3A_158 = arith.addi %mul3A_2, %mul3A_157 : i32
      %scan3A_159 = arith.constant 0 : i32
      %scan3A_160 = arith.constant 496 : i32
      %scan3A_161 = arith.addi %scan3A_159, %scan3A_160 : i32
      %scan3A_162 = arith.constant 8 : i32
      %scan3A_163:4 = scf.for %scan3A_172 = %scan3A_159 to %scan3A_161 step %scan3A_162 iter_args(%scan3A_173 = %scan3A_140#0, %scan3A_174 = %scan3A_140#1, %scan3A_175 = %scan3A_140#2, %scan3A_176 = %scan3A_140#3) -> (f32, f32, i32, f32)  : i32 {
        %get3A_177 = arith.index_cast %scan3A_172 : i32 to index
        %get3A_178 = arith.constant 0 : index
        %get3A_179 = tpu.vector_load %arg7[%get3A_177, %get3A_178] {strides = array<i32>} : memref<496x64xf32, #tpu.memory_space<vmem>>, vector<16xf32>,
        %get3A_180 = arith.index_cast %scan3A_172 : i32 to index
        %get3A_181 = arith.constant 16 : index
        %get3A_182 = tpu.vector_load %arg7[%get3A_180, %get3A_181] {strides = array<i32>} : memref<496x64xf32, #tpu.memory_space<vmem>>, vector<16xf32>,
        %get3A_183 = arith.index_cast %scan3A_172 : i32 to index
        %get3A_184 = arith.constant 32 : index
        %get3A_185 = tpu.vector_load %arg7[%get3A_183, %get3A_184] {strides = array<i32>} : memref<496x64xf32, #tpu.memory_space<vmem>>, vector<16xf32>,
        %get3A_186 = arith.index_cast %scan3A_172 : i32 to index
        %get3A_187 = arith.constant 48 : index
        %get3A_188 = tpu.vector_load %arg7[%get3A_186, %get3A_187] {strides = array<i32>} : memref<496x64xf32, #tpu.memory_space<vmem>>, vector<16xf32>,
        %mul3A_189 = arith.mulf %get3A_179, %get3A_3 : vector<16xf32>
        %mul3A_190 = arith.mulf %get3A_182, %get3A_5 : vector<16xf32>
        %add3A_191 = arith.addf %mul3A_189, %mul3A_190 : vector<16xf32>
        %mul3A_192 = arith.mulf %get3A_185, %get3A_7 : vector<16xf32>
        %add3A_193 = arith.addf %add3A_191, %mul3A_192 : vector<16xf32>
        %mul3A_194 = arith.mulf %get3A_188, %get3A_9 : vector<16xf32>
        %add3A_195 = arith.addf %add3A_193, %mul3A_194 : vector<16xf32>
        %mul3A_196 = arith.mulf %get3A_179, %get3A_179 : vector<16xf32>
        %mul3A_197 = arith.mulf %get3A_182, %get3A_182 : vector<16xf32>
        %add3A_198 = arith.addf %mul3A_196, %mul3A_197 : vector<16xf32>
        %mul3A_199 = arith.mulf %get3A_185, %get3A_185 : vector<16xf32>
        %add3A_200 = arith.addf %add3A_198, %mul3A_199 : vector<16xf32>
        %mul3A_201 = arith.mulf %get3A_188, %get3A_188 : vector<16xf32>
        %add3A_202 = arith.addf %add3A_200, %mul3A_201 : vector<16xf32>
        %reduce_sum3A = arith.constant true
        %reduce_sum3A_203 = vector.broadcast %reduce_sum3A : i1 to vector<16xi1>
        %reduce_sum3A_204 = tpu.scan <sum>, %add3A_195 masked %reduce_sum3A_203 : vector<16xf32>, vector<16xi1> -> vector<16xf32>
        %reduce_sum3A_205 = vector.extract %reduce_sum3A_204[15] : f32 from vector<16xf32>
        %reduce_sum3A_206 = arith.constant true
        %reduce_sum3A_207 = vector.broadcast %reduce_sum3A_206 : i1 to vector<16xi1>
        %reduce_sum3A_208 = tpu.scan <sum>, %add3A_202 masked %reduce_sum3A_207 : vector<16xf32>, vector<16xi1> -> vector<16xf32>
        %reduce_sum3A_209 = vector.extract %reduce_sum3A_208[15] : f32 from vector<16xf32>
        %max3A = arith.constant 1.000000e-30 : f32
        %max3A_210 = arith.maximumf %reduce_sum3A_209, %max3A : f32
        %abs3A = math.absf %reduce_sum3A_205 : f32
        %mul3A_211 = arith.mulf %reduce_sum3A_205, %abs3A : f32
        %add3A_212 = arith.addi %add3A_158, %scan3A_172 : i32
        %mul3A_213 = arith.mulf %mul3A_211, %scan3A_174 : f32
        %mul3A_214 = arith.mulf %scan3A_173, %max3A_210 : f32
        %gt3A = arith.cmpf ogt, %mul3A_213, %mul3A_214 : f32
        %eq3A_215 = arith.cmpf oeq, %mul3A_213, %mul3A_214 : f32
        %lt3A_216 = arith.cmpi slt, %add3A_212, %scan3A_175 : i32
        %and3A = arith.andi %eq3A_215, %lt3A_216 : i1
        %or3A = arith.ori %gt3A, %and3A : i1
        %select_n3A_217 = arith.select %or3A, %mul3A_211, %scan3A_173 : f32
        %select_n3A_218 = arith.select %or3A, %max3A_210, %scan3A_174 : f32
        %select_n3A_219 = arith.select %or3A, %add3A_212, %scan3A_175 : i32
        %select_n3A_220 = arith.select %or3A, %reduce_sum3A_205, %scan3A_176 : f32
        %scan3A_221 = arith.constant 1 : i32
        %scan3A_222 = arith.addi %scan3A_172, %scan3A_221 : i32
        %get3A_223 = arith.index_cast %scan3A_222 : i32 to index
        %get3A_224 = arith.constant 0 : index
        %get3A_225 = tpu.vector_load %arg7[%get3A_223, %get3A_224] {strides = array<i32>} : memref<496x64xf32, #tpu.memory_space<vmem>>, vector<16xf32>,
        %get3A_226 = arith.index_cast %scan3A_222 : i32 to index
        %get3A_227 = arith.constant 16 : index
        %get3A_228 = tpu.vector_load %arg7[%get3A_226, %get3A_227] {strides = array<i32>} : memref<496x64xf32, #tpu.memory_space<vmem>>, vector<16xf32>,
        %get3A_229 = arith.index_cast %scan3A_222 : i32 to index
        %get3A_230 = arith.constant 32 : index
        %get3A_231 = tpu.vector_load %arg7[%get3A_229, %get3A_230] {strides = array<i32>} : memref<496x64xf32, #tpu.memory_space<vmem>>, vector<16xf32>,
        %get3A_232 = arith.index_cast %scan3A_222 : i32 to index
        %get3A_233 = arith.constant 48 : index
        %get3A_234 = tpu.vector_load %arg7[%get3A_232, %get3A_233] {strides = array<i32>} : memref<496x64xf32, #tpu.memory_space<vmem>>, vector<16xf32>,
        %mul3A_235 = arith.mulf %get3A_225, %get3A_3 : vector<16xf32>
        %mul3A_236 = arith.mulf %get3A_228, %get3A_5 : vector<16xf32>
        %add3A_237 = arith.addf %mul3A_235, %mul3A_236 : vector<16xf32>
        %mul3A_238 = arith.mulf %get3A_231, %get3A_7 : vector<16xf32>
        %add3A_239 = arith.addf %add3A_237, %mul3A_238 : vector<16xf32>
        %mul3A_240 = arith.mulf %get3A_234, %get3A_9 : vector<16xf32>
        %add3A_241 = arith.addf %add3A_239, %mul3A_240 : vector<16xf32>
        %mul3A_242 = arith.mulf %get3A_225, %get3A_225 : vector<16xf32>
        %mul3A_243 = arith.mulf %get3A_228, %get3A_228 : vector<16xf32>
        %add3A_244 = arith.addf %mul3A_242, %mul3A_243 : vector<16xf32>
        %mul3A_245 = arith.mulf %get3A_231, %get3A_231 : vector<16xf32>
        %add3A_246 = arith.addf %add3A_244, %mul3A_245 : vector<16xf32>
        %mul3A_247 = arith.mulf %get3A_234, %get3A_234 : vector<16xf32>
        %add3A_248 = arith.addf %add3A_246, %mul3A_247 : vector<16xf32>
        %reduce_sum3A_249 = arith.constant true
        %reduce_sum3A_250 = vector.broadcast %reduce_sum3A_249 : i1 to vector<16xi1>
        %reduce_sum3A_251 = tpu.scan <sum>, %add3A_241 masked %reduce_sum3A_250 : vector<16xf32>, vector<16xi1> -> vector<16xf32>
        %reduce_sum3A_252 = vector.extract %reduce_sum3A_251[15] : f32 from vector<16xf32>
        %reduce_sum3A_253 = arith.constant true
        %reduce_sum3A_254 = vector.broadcast %reduce_sum3A_253 : i1 to vector<16xi1>
        %reduce_sum3A_255 = tpu.scan <sum>, %add3A_248 masked %reduce_sum3A_254 : vector<16xf32>, vector<16xi1> -> vector<16xf32>
        %reduce_sum3A_256 = vector.extract %reduce_sum3A_255[15] : f32 from vector<16xf32>
        %max3A_257 = arith.constant 1.000000e-30 : f32
        %max3A_258 = arith.maximumf %reduce_sum3A_256, %max3A_257 : f32
        %abs3A_259 = math.absf %reduce_sum3A_252 : f32
        %mul3A_260 = arith.mulf %reduce_sum3A_252, %abs3A_259 : f32
        %add3A_261 = arith.addi %add3A_158, %scan3A_222 : i32
        %mul3A_262 = arith.mulf %mul3A_260, %select_n3A_218 : f32
        %mul3A_263 = arith.mulf %select_n3A_217, %max3A_258 : f32
        %gt3A_264 = arith.cmpf ogt, %mul3A_262, %mul3A_263 : f32
        %eq3A_265 = arith.cmpf oeq, %mul3A_262, %mul3A_263 : f32
        %lt3A_266 = arith.cmpi slt, %add3A_261, %select_n3A_219 : i32
        %and3A_267 = arith.andi %eq3A_265, %lt3A_266 : i1
        %or3A_268 = arith.ori %gt3A_264, %and3A_267 : i1
        %select_n3A_269 = arith.select %or3A_268, %mul3A_260, %select_n3A_217 : f32
        %select_n3A_270 = arith.select %or3A_268, %max3A_258, %select_n3A_218 : f32
        %select_n3A_271 = arith.select %or3A_268, %add3A_261, %select_n3A_219 : i32
        %select_n3A_272 = arith.select %or3A_268, %reduce_sum3A_252, %select_n3A_220 : f32
        %scan3A_273 = arith.constant 2 : i32
        %scan3A_274 = arith.addi %scan3A_172, %scan3A_273 : i32
        %get3A_275 = arith.index_cast %scan3A_274 : i32 to index
        %get3A_276 = arith.constant 0 : index
        %get3A_277 = tpu.vector_load %arg7[%get3A_275, %get3A_276] {strides = array<i32>} : memref<496x64xf32, #tpu.memory_space<vmem>>, vector<16xf32>,
        %get3A_278 = arith.index_cast %scan3A_274 : i32 to index
        %get3A_279 = arith.constant 16 : index
        %get3A_280 = tpu.vector_load %arg7[%get3A_278, %get3A_279] {strides = array<i32>} : memref<496x64xf32, #tpu.memory_space<vmem>>, vector<16xf32>,
        %get3A_281 = arith.index_cast %scan3A_274 : i32 to index
        %get3A_282 = arith.constant 32 : index
        %get3A_283 = tpu.vector_load %arg7[%get3A_281, %get3A_282] {strides = array<i32>} : memref<496x64xf32, #tpu.memory_space<vmem>>, vector<16xf32>,
        %get3A_284 = arith.index_cast %scan3A_274 : i32 to index
        %get3A_285 = arith.constant 48 : index
        %get3A_286 = tpu.vector_load %arg7[%get3A_284, %get3A_285] {strides = array<i32>} : memref<496x64xf32, #tpu.memory_space<vmem>>, vector<16xf32>,
        %mul3A_287 = arith.mulf %get3A_277, %get3A_3 : vector<16xf32>
        %mul3A_288 = arith.mulf %get3A_280, %get3A_5 : vector<16xf32>
        %add3A_289 = arith.addf %mul3A_287, %mul3A_288 : vector<16xf32>
        %mul3A_290 = arith.mulf %get3A_283, %get3A_7 : vector<16xf32>
        %add3A_291 = arith.addf %add3A_289, %mul3A_290 : vector<16xf32>
        %mul3A_292 = arith.mulf %get3A_286, %get3A_9 : vector<16xf32>
        %add3A_293 = arith.addf %add3A_291, %mul3A_292 : vector<16xf32>
        %mul3A_294 = arith.mulf %get3A_277, %get3A_277 : vector<16xf32>
        %mul3A_295 = arith.mulf %get3A_280, %get3A_280 : vector<16xf32>
        %add3A_296 = arith.addf %mul3A_294, %mul3A_295 : vector<16xf32>
        %mul3A_297 = arith.mulf %get3A_283, %get3A_283 : vector<16xf32>
        %add3A_298 = arith.addf %add3A_296, %mul3A_297 : vector<16xf32>
        %mul3A_299 = arith.mulf %get3A_286, %get3A_286 : vector<16xf32>
        %add3A_300 = arith.addf %add3A_298, %mul3A_299 : vector<16xf32>
        %reduce_sum3A_301 = arith.constant true
        %reduce_sum3A_302 = vector.broadcast %reduce_sum3A_301 : i1 to vector<16xi1>
        %reduce_sum3A_303 = tpu.scan <sum>, %add3A_293 masked %reduce_sum3A_302 : vector<16xf32>, vector<16xi1> -> vector<16xf32>
        %reduce_sum3A_304 = vector.extract %reduce_sum3A_303[15] : f32 from vector<16xf32>
        %reduce_sum3A_305 = arith.constant true
        %reduce_sum3A_306 = vector.broadcast %reduce_sum3A_305 : i1 to vector<16xi1>
        %reduce_sum3A_307 = tpu.scan <sum>, %add3A_300 masked %reduce_sum3A_306 : vector<16xf32>, vector<16xi1> -> vector<16xf32>
        %reduce_sum3A_308 = vector.extract %reduce_sum3A_307[15] : f32 from vector<16xf32>
        %max3A_309 = arith.constant 1.000000e-30 : f32
        %max3A_310 = arith.maximumf %reduce_sum3A_308, %max3A_309 : f32
        %abs3A_311 = math.absf %reduce_sum3A_304 : f32
        %mul3A_312 = arith.mulf %reduce_sum3A_304, %abs3A_311 : f32
        %add3A_313 = arith.addi %add3A_158, %scan3A_274 : i32
        %mul3A_314 = arith.mulf %mul3A_312, %select_n3A_270 : f32
        %mul3A_315 = arith.mulf %select_n3A_269, %max3A_310 : f32
        %gt3A_316 = arith.cmpf ogt, %mul3A_314, %mul3A_315 : f32
        %eq3A_317 = arith.cmpf oeq, %mul3A_314, %mul3A_315 : f32
        %lt3A_318 = arith.cmpi slt, %add3A_313, %select_n3A_271 : i32
        %and3A_319 = arith.andi %eq3A_317, %lt3A_318 : i1
        %or3A_320 = arith.ori %gt3A_316, %and3A_319 : i1
        %select_n3A_321 = arith.select %or3A_320, %mul3A_312, %select_n3A_269 : f32
        %select_n3A_322 = arith.select %or3A_320, %max3A_310, %select_n3A_270 : f32
        %select_n3A_323 = arith.select %or3A_320, %add3A_313, %select_n3A_271 : i32
        %select_n3A_324 = arith.select %or3A_320, %reduce_sum3A_304, %select_n3A_272 : f32
        %scan3A_325 = arith.constant 3 : i32
        %scan3A_326 = arith.addi %scan3A_172, %scan3A_325 : i32
        %get3A_327 = arith.index_cast %scan3A_326 : i32 to index
        %get3A_328 = arith.constant 0 : index
        %get3A_329 = tpu.vector_load %arg7[%get3A_327, %get3A_328] {strides = array<i32>} : memref<496x64xf32, #tpu.memory_space<vmem>>, vector<16xf32>,
        %get3A_330 = arith.index_cast %scan3A_326 : i32 to index
        %get3A_331 = arith.constant 16 : index
        %get3A_332 = tpu.vector_load %arg7[%get3A_330, %get3A_331] {strides = array<i32>} : memref<496x64xf32, #tpu.memory_space<vmem>>, vector<16xf32>,
        %get3A_333 = arith.index_cast %scan3A_326 : i32 to index
        %get3A_334 = arith.constant 32 : index
        %get3A_335 = tpu.vector_load %arg7[%get3A_333, %get3A_334] {strides = array<i32>} : memref<496x64xf32, #tpu.memory_space<vmem>>, vector<16xf32>,
        %get3A_336 = arith.index_cast %scan3A_326 : i32 to index
        %get3A_337 = arith.constant 48 : index
        %get3A_338 = tpu.vector_load %arg7[%get3A_336, %get3A_337] {strides = array<i32>} : memref<496x64xf32, #tpu.memory_space<vmem>>, vector<16xf32>,
        %mul3A_339 = arith.mulf %get3A_329, %get3A_3 : vector<16xf32>
        %mul3A_340 = arith.mulf %get3A_332, %get3A_5 : vector<16xf32>
        %add3A_341 = arith.addf %mul3A_339, %mul3A_340 : vector<16xf32>
        %mul3A_342 = arith.mulf %get3A_335, %get3A_7 : vector<16xf32>
        %add3A_343 = arith.addf %add3A_341, %mul3A_342 : vector<16xf32>
        %mul3A_344 = arith.mulf %get3A_338, %get3A_9 : vector<16xf32>
        %add3A_345 = arith.addf %add3A_343, %mul3A_344 : vector<16xf32>
        %mul3A_346 = arith.mulf %get3A_329, %get3A_329 : vector<16xf32>
        %mul3A_347 = arith.mulf %get3A_332, %get3A_332 : vector<16xf32>
        %add3A_348 = arith.addf %mul3A_346, %mul3A_347 : vector<16xf32>
        %mul3A_349 = arith.mulf %get3A_335, %get3A_335 : vector<16xf32>
        %add3A_350 = arith.addf %add3A_348, %mul3A_349 : vector<16xf32>
        %mul3A_351 = arith.mulf %get3A_338, %get3A_338 : vector<16xf32>
        %add3A_352 = arith.addf %add3A_350, %mul3A_351 : vector<16xf32>
        %reduce_sum3A_353 = arith.constant true
        %reduce_sum3A_354 = vector.broadcast %reduce_sum3A_353 : i1 to vector<16xi1>
        %reduce_sum3A_355 = tpu.scan <sum>, %add3A_345 masked %reduce_sum3A_354 : vector<16xf32>, vector<16xi1> -> vector<16xf32>
        %reduce_sum3A_356 = vector.extract %reduce_sum3A_355[15] : f32 from vector<16xf32>
        %reduce_sum3A_357 = arith.constant true
        %reduce_sum3A_358 = vector.broadcast %reduce_sum3A_357 : i1 to vector<16xi1>
        %reduce_sum3A_359 = tpu.scan <sum>, %add3A_352 masked %reduce_sum3A_358 : vector<16xf32>, vector<16xi1> -> vector<16xf32>
        %reduce_sum3A_360 = vector.extract %reduce_sum3A_359[15] : f32 from vector<16xf32>
        %max3A_361 = arith.constant 1.000000e-30 : f32
        %max3A_362 = arith.maximumf %reduce_sum3A_360, %max3A_361 : f32
        %abs3A_363 = math.absf %reduce_sum3A_356 : f32
        %mul3A_364 = arith.mulf %reduce_sum3A_356, %abs3A_363 : f32
        %add3A_365 = arith.addi %add3A_158, %scan3A_326 : i32
        %mul3A_366 = arith.mulf %mul3A_364, %select_n3A_322 : f32
        %mul3A_367 = arith.mulf %select_n3A_321, %max3A_362 : f32
        %gt3A_368 = arith.cmpf ogt, %mul3A_366, %mul3A_367 : f32
        %eq3A_369 = arith.cmpf oeq, %mul3A_366, %mul3A_367 : f32
        %lt3A_370 = arith.cmpi slt, %add3A_365, %select_n3A_323 : i32
        %and3A_371 = arith.andi %eq3A_369, %lt3A_370 : i1
        %or3A_372 = arith.ori %gt3A_368, %and3A_371 : i1
        %select_n3A_373 = arith.select %or3A_372, %mul3A_364, %select_n3A_321 : f32
        %select_n3A_374 = arith.select %or3A_372, %max3A_362, %select_n3A_322 : f32
        %select_n3A_375 = arith.select %or3A_372, %add3A_365, %select_n3A_323 : i32
        %select_n3A_376 = arith.select %or3A_372, %reduce_sum3A_356, %select_n3A_324 : f32
        %scan3A_377 = arith.constant 4 : i32
        %scan3A_378 = arith.addi %scan3A_172, %scan3A_377 : i32
        %get3A_379 = arith.index_cast %scan3A_378 : i32 to index
        %get3A_380 = arith.constant 0 : index
        %get3A_381 = tpu.vector_load %arg7[%get3A_379, %get3A_380] {strides = array<i32>} : memref<496x64xf32, #tpu.memory_space<vmem>>, vector<16xf32>,
        %get3A_382 = arith.index_cast %scan3A_378 : i32 to index
        %get3A_383 = arith.constant 16 : index
        %get3A_384 = tpu.vector_load %arg7[%get3A_382, %get3A_383] {strides = array<i32>} : memref<496x64xf32, #tpu.memory_space<vmem>>, vector<16xf32>,
        %get3A_385 = arith.index_cast %scan3A_378 : i32 to index
        %get3A_386 = arith.constant 32 : index
        %get3A_387 = tpu.vector_load %arg7[%get3A_385, %get3A_386] {strides = array<i32>} : memref<496x64xf32, #tpu.memory_space<vmem>>, vector<16xf32>,
        %get3A_388 = arith.index_cast %scan3A_378 : i32 to index
        %get3A_389 = arith.constant 48 : index
        %get3A_390 = tpu.vector_load %arg7[%get3A_388, %get3A_389] {strides = array<i32>} : memref<496x64xf32, #tpu.memory_space<vmem>>, vector<16xf32>,
        %mul3A_391 = arith.mulf %get3A_381, %get3A_3 : vector<16xf32>
        %mul3A_392 = arith.mulf %get3A_384, %get3A_5 : vector<16xf32>
        %add3A_393 = arith.addf %mul3A_391, %mul3A_392 : vector<16xf32>
        %mul3A_394 = arith.mulf %get3A_387, %get3A_7 : vector<16xf32>
        %add3A_395 = arith.addf %add3A_393, %mul3A_394 : vector<16xf32>
        %mul3A_396 = arith.mulf %get3A_390, %get3A_9 : vector<16xf32>
        %add3A_397 = arith.addf %add3A_395, %mul3A_396 : vector<16xf32>
        %mul3A_398 = arith.mulf %get3A_381, %get3A_381 : vector<16xf32>
        %mul3A_399 = arith.mulf %get3A_384, %get3A_384 : vector<16xf32>
        %add3A_400 = arith.addf %mul3A_398, %mul3A_399 : vector<16xf32>
        %mul3A_401 = arith.mulf %get3A_387, %get3A_387 : vector<16xf32>
        %add3A_402 = arith.addf %add3A_400, %mul3A_401 : vector<16xf32>
        %mul3A_403 = arith.mulf %get3A_390, %get3A_390 : vector<16xf32>
        %add3A_404 = arith.addf %add3A_402, %mul3A_403 : vector<16xf32>
        %reduce_sum3A_405 = arith.constant true
        %reduce_sum3A_406 = vector.broadcast %reduce_sum3A_405 : i1 to vector<16xi1>
        %reduce_sum3A_407 = tpu.scan <sum>, %add3A_397 masked %reduce_sum3A_406 : vector<16xf32>, vector<16xi1> -> vector<16xf32>
        %reduce_sum3A_408 = vector.extract %reduce_sum3A_407[15] : f32 from vector<16xf32>
        %reduce_sum3A_409 = arith.constant true
        %reduce_sum3A_410 = vector.broadcast %reduce_sum3A_409 : i1 to vector<16xi1>
        %reduce_sum3A_411 = tpu.scan <sum>, %add3A_404 masked %reduce_sum3A_410 : vector<16xf32>, vector<16xi1> -> vector<16xf32>
        %reduce_sum3A_412 = vector.extract %reduce_sum3A_411[15] : f32 from vector<16xf32>
        %max3A_413 = arith.constant 1.000000e-30 : f32
        %max3A_414 = arith.maximumf %reduce_sum3A_412, %max3A_413 : f32
        %abs3A_415 = math.absf %reduce_sum3A_408 : f32
        %mul3A_416 = arith.mulf %reduce_sum3A_408, %abs3A_415 : f32
        %add3A_417 = arith.addi %add3A_158, %scan3A_378 : i32
        %mul3A_418 = arith.mulf %mul3A_416, %select_n3A_374 : f32
        %mul3A_419 = arith.mulf %select_n3A_373, %max3A_414 : f32
        %gt3A_420 = arith.cmpf ogt, %mul3A_418, %mul3A_419 : f32
        %eq3A_421 = arith.cmpf oeq, %mul3A_418, %mul3A_419 : f32
        %lt3A_422 = arith.cmpi slt, %add3A_417, %select_n3A_375 : i32
        %and3A_423 = arith.andi %eq3A_421, %lt3A_422 : i1
        %or3A_424 = arith.ori %gt3A_420, %and3A_423 : i1
        %select_n3A_425 = arith.select %or3A_424, %mul3A_416, %select_n3A_373 : f32
        %select_n3A_426 = arith.select %or3A_424, %max3A_414, %select_n3A_374 : f32
        %select_n3A_427 = arith.select %or3A_424, %add3A_417, %select_n3A_375 : i32
        %select_n3A_428 = arith.select %or3A_424, %reduce_sum3A_408, %select_n3A_376 : f32
        %scan3A_429 = arith.constant 5 : i32
        %scan3A_430 = arith.addi %scan3A_172, %scan3A_429 : i32
        %get3A_431 = arith.index_cast %scan3A_430 : i32 to index
        %get3A_432 = arith.constant 0 : index
        %get3A_433 = tpu.vector_load %arg7[%get3A_431, %get3A_432] {strides = array<i32>} : memref<496x64xf32, #tpu.memory_space<vmem>>, vector<16xf32>,
        %get3A_434 = arith.index_cast %scan3A_430 : i32 to index
        %get3A_435 = arith.constant 16 : index
        %get3A_436 = tpu.vector_load %arg7[%get3A_434, %get3A_435] {strides = array<i32>} : memref<496x64xf32, #tpu.memory_space<vmem>>, vector<16xf32>,
        %get3A_437 = arith.index_cast %scan3A_430 : i32 to index
        %get3A_438 = arith.constant 32 : index
        %get3A_439 = tpu.vector_load %arg7[%get3A_437, %get3A_438] {strides = array<i32>} : memref<496x64xf32, #tpu.memory_space<vmem>>, vector<16xf32>,
        %get3A_440 = arith.index_cast %scan3A_430 : i32 to index
        %get3A_441 = arith.constant 48 : index
        %get3A_442 = tpu.vector_load %arg7[%get3A_440, %get3A_441] {strides = array<i32>} : memref<496x64xf32, #tpu.memory_space<vmem>>, vector<16xf32>,
        %mul3A_443 = arith.mulf %get3A_433, %get3A_3 : vector<16xf32>
        %mul3A_444 = arith.mulf %get3A_436, %get3A_5 : vector<16xf32>
        %add3A_445 = arith.addf %mul3A_443, %mul3A_444 : vector<16xf32>
        %mul3A_446 = arith.mulf %get3A_439, %get3A_7 : vector<16xf32>
        %add3A_447 = arith.addf %add3A_445, %mul3A_446 : vector<16xf32>
        %mul3A_448 = arith.mulf %get3A_442, %get3A_9 : vector<16xf32>
        %add3A_449 = arith.addf %add3A_447, %mul3A_448 : vector<16xf32>
        %mul3A_450 = arith.mulf %get3A_433, %get3A_433 : vector<16xf32>
        %mul3A_451 = arith.mulf %get3A_436, %get3A_436 : vector<16xf32>
        %add3A_452 = arith.addf %mul3A_450, %mul3A_451 : vector<16xf32>
        %mul3A_453 = arith.mulf %get3A_439, %get3A_439 : vector<16xf32>
        %add3A_454 = arith.addf %add3A_452, %mul3A_453 : vector<16xf32>
        %mul3A_455 = arith.mulf %get3A_442, %get3A_442 : vector<16xf32>
        %add3A_456 = arith.addf %add3A_454, %mul3A_455 : vector<16xf32>
        %reduce_sum3A_457 = arith.constant true
        %reduce_sum3A_458 = vector.broadcast %reduce_sum3A_457 : i1 to vector<16xi1>
        %reduce_sum3A_459 = tpu.scan <sum>, %add3A_449 masked %reduce_sum3A_458 : vector<16xf32>, vector<16xi1> -> vector<16xf32>
        %reduce_sum3A_460 = vector.extract %reduce_sum3A_459[15] : f32 from vector<16xf32>
        %reduce_sum3A_461 = arith.constant true
        %reduce_sum3A_462 = vector.broadcast %reduce_sum3A_461 : i1 to vector<16xi1>
        %reduce_sum3A_463 = tpu.scan <sum>, %add3A_456 masked %reduce_sum3A_462 : vector<16xf32>, vector<16xi1> -> vector<16xf32>
        %reduce_sum3A_464 = vector.extract %reduce_sum3A_463[15] : f32 from vector<16xf32>
        %max3A_465 = arith.constant 1.000000e-30 : f32
        %max3A_466 = arith.maximumf %reduce_sum3A_464, %max3A_465 : f32
        %abs3A_467 = math.absf %reduce_sum3A_460 : f32
        %mul3A_468 = arith.mulf %reduce_sum3A_460, %abs3A_467 : f32
        %add3A_469 = arith.addi %add3A_158, %scan3A_430 : i32
        %mul3A_470 = arith.mulf %mul3A_468, %select_n3A_426 : f32
        %mul3A_471 = arith.mulf %select_n3A_425, %max3A_466 : f32
        %gt3A_472 = arith.cmpf ogt, %mul3A_470, %mul3A_471 : f32
        %eq3A_473 = arith.cmpf oeq, %mul3A_470, %mul3A_471 : f32
        %lt3A_474 = arith.cmpi slt, %add3A_469, %select_n3A_427 : i32
        %and3A_475 = arith.andi %eq3A_473, %lt3A_474 : i1
        %or3A_476 = arith.ori %gt3A_472, %and3A_475 : i1
        %select_n3A_477 = arith.select %or3A_476, %mul3A_468, %select_n3A_425 : f32
        %select_n3A_478 = arith.select %or3A_476, %max3A_466, %select_n3A_426 : f32
        %select_n3A_479 = arith.select %or3A_476, %add3A_469, %select_n3A_427 : i32
        %select_n3A_480 = arith.select %or3A_476, %reduce_sum3A_460, %select_n3A_428 : f32
        %scan3A_481 = arith.constant 6 : i32
        %scan3A_482 = arith.addi %scan3A_172, %scan3A_481 : i32
        %get3A_483 = arith.index_cast %scan3A_482 : i32 to index
        %get3A_484 = arith.constant 0 : index
        %get3A_485 = tpu.vector_load %arg7[%get3A_483, %get3A_484] {strides = array<i32>} : memref<496x64xf32, #tpu.memory_space<vmem>>, vector<16xf32>,
        %get3A_486 = arith.index_cast %scan3A_482 : i32 to index
        %get3A_487 = arith.constant 16 : index
        %get3A_488 = tpu.vector_load %arg7[%get3A_486, %get3A_487] {strides = array<i32>} : memref<496x64xf32, #tpu.memory_space<vmem>>, vector<16xf32>,
        %get3A_489 = arith.index_cast %scan3A_482 : i32 to index
        %get3A_490 = arith.constant 32 : index
        %get3A_491 = tpu.vector_load %arg7[%get3A_489, %get3A_490] {strides = array<i32>} : memref<496x64xf32, #tpu.memory_space<vmem>>, vector<16xf32>,
        %get3A_492 = arith.index_cast %scan3A_482 : i32 to index
        %get3A_493 = arith.constant 48 : index
        %get3A_494 = tpu.vector_load %arg7[%get3A_492, %get3A_493] {strides = array<i32>} : memref<496x64xf32, #tpu.memory_space<vmem>>, vector<16xf32>,
        %mul3A_495 = arith.mulf %get3A_485, %get3A_3 : vector<16xf32>
        %mul3A_496 = arith.mulf %get3A_488, %get3A_5 : vector<16xf32>
        %add3A_497 = arith.addf %mul3A_495, %mul3A_496 : vector<16xf32>
        %mul3A_498 = arith.mulf %get3A_491, %get3A_7 : vector<16xf32>
        %add3A_499 = arith.addf %add3A_497, %mul3A_498 : vector<16xf32>
        %mul3A_500 = arith.mulf %get3A_494, %get3A_9 : vector<16xf32>
        %add3A_501 = arith.addf %add3A_499, %mul3A_500 : vector<16xf32>
        %mul3A_502 = arith.mulf %get3A_485, %get3A_485 : vector<16xf32>
        %mul3A_503 = arith.mulf %get3A_488, %get3A_488 : vector<16xf32>
        %add3A_504 = arith.addf %mul3A_502, %mul3A_503 : vector<16xf32>
        %mul3A_505 = arith.mulf %get3A_491, %get3A_491 : vector<16xf32>
        %add3A_506 = arith.addf %add3A_504, %mul3A_505 : vector<16xf32>
        %mul3A_507 = arith.mulf %get3A_494, %get3A_494 : vector<16xf32>
        %add3A_508 = arith.addf %add3A_506, %mul3A_507 : vector<16xf32>
        %reduce_sum3A_509 = arith.constant true
        %reduce_sum3A_510 = vector.broadcast %reduce_sum3A_509 : i1 to vector<16xi1>
        %reduce_sum3A_511 = tpu.scan <sum>, %add3A_501 masked %reduce_sum3A_510 : vector<16xf32>, vector<16xi1> -> vector<16xf32>
        %reduce_sum3A_512 = vector.extract %reduce_sum3A_511[15] : f32 from vector<16xf32>
        %reduce_sum3A_513 = arith.constant true
        %reduce_sum3A_514 = vector.broadcast %reduce_sum3A_513 : i1 to vector<16xi1>
        %reduce_sum3A_515 = tpu.scan <sum>, %add3A_508 masked %reduce_sum3A_514 : vector<16xf32>, vector<16xi1> -> vector<16xf32>
        %reduce_sum3A_516 = vector.extract %reduce_sum3A_515[15] : f32 from vector<16xf32>
        %max3A_517 = arith.constant 1.000000e-30 : f32
        %max3A_518 = arith.maximumf %reduce_sum3A_516, %max3A_517 : f32
        %abs3A_519 = math.absf %reduce_sum3A_512 : f32
        %mul3A_520 = arith.mulf %reduce_sum3A_512, %abs3A_519 : f32
        %add3A_521 = arith.addi %add3A_158, %scan3A_482 : i32
        %mul3A_522 = arith.mulf %mul3A_520, %select_n3A_478 : f32
        %mul3A_523 = arith.mulf %select_n3A_477, %max3A_518 : f32
        %gt3A_524 = arith.cmpf ogt, %mul3A_522, %mul3A_523 : f32
        %eq3A_525 = arith.cmpf oeq, %mul3A_522, %mul3A_523 : f32
        %lt3A_526 = arith.cmpi slt, %add3A_521, %select_n3A_479 : i32
        %and3A_527 = arith.andi %eq3A_525, %lt3A_526 : i1
        %or3A_528 = arith.ori %gt3A_524, %and3A_527 : i1
        %select_n3A_529 = arith.select %or3A_528, %mul3A_520, %select_n3A_477 : f32
        %select_n3A_530 = arith.select %or3A_528, %max3A_518, %select_n3A_478 : f32
        %select_n3A_531 = arith.select %or3A_528, %add3A_521, %select_n3A_479 : i32
        %select_n3A_532 = arith.select %or3A_528, %reduce_sum3A_512, %select_n3A_480 : f32
        %scan3A_533 = arith.constant 7 : i32
        %scan3A_534 = arith.addi %scan3A_172, %scan3A_533 : i32
        %get3A_535 = arith.index_cast %scan3A_534 : i32 to index
        %get3A_536 = arith.constant 0 : index
        %get3A_537 = tpu.vector_load %arg7[%get3A_535, %get3A_536] {strides = array<i32>} : memref<496x64xf32, #tpu.memory_space<vmem>>, vector<16xf32>,
        %get3A_538 = arith.index_cast %scan3A_534 : i32 to index
        %get3A_539 = arith.constant 16 : index
        %get3A_540 = tpu.vector_load %arg7[%get3A_538, %get3A_539] {strides = array<i32>} : memref<496x64xf32, #tpu.memory_space<vmem>>, vector<16xf32>,
        %get3A_541 = arith.index_cast %scan3A_534 : i32 to index
        %get3A_542 = arith.constant 32 : index
        %get3A_543 = tpu.vector_load %arg7[%get3A_541, %get3A_542] {strides = array<i32>} : memref<496x64xf32, #tpu.memory_space<vmem>>, vector<16xf32>,
        %get3A_544 = arith.index_cast %scan3A_534 : i32 to index
        %get3A_545 = arith.constant 48 : index
        %get3A_546 = tpu.vector_load %arg7[%get3A_544, %get3A_545] {strides = array<i32>} : memref<496x64xf32, #tpu.memory_space<vmem>>, vector<16xf32>,
        %mul3A_547 = arith.mulf %get3A_537, %get3A_3 : vector<16xf32>
        %mul3A_548 = arith.mulf %get3A_540, %get3A_5 : vector<16xf32>
        %add3A_549 = arith.addf %mul3A_547, %mul3A_548 : vector<16xf32>
        %mul3A_550 = arith.mulf %get3A_543, %get3A_7 : vector<16xf32>
        %add3A_551 = arith.addf %add3A_549, %mul3A_550 : vector<16xf32>
        %mul3A_552 = arith.mulf %get3A_546, %get3A_9 : vector<16xf32>
        %add3A_553 = arith.addf %add3A_551, %mul3A_552 : vector<16xf32>
        %mul3A_554 = arith.mulf %get3A_537, %get3A_537 : vector<16xf32>
        %mul3A_555 = arith.mulf %get3A_540, %get3A_540 : vector<16xf32>
        %add3A_556 = arith.addf %mul3A_554, %mul3A_555 : vector<16xf32>
        %mul3A_557 = arith.mulf %get3A_543, %get3A_543 : vector<16xf32>
        %add3A_558 = arith.addf %add3A_556, %mul3A_557 : vector<16xf32>
        %mul3A_559 = arith.mulf %get3A_546, %get3A_546 : vector<16xf32>
        %add3A_560 = arith.addf %add3A_558, %mul3A_559 : vector<16xf32>
        %reduce_sum3A_561 = arith.constant true
        %reduce_sum3A_562 = vector.broadcast %reduce_sum3A_561 : i1 to vector<16xi1>
        %reduce_sum3A_563 = tpu.scan <sum>, %add3A_553 masked %reduce_sum3A_562 : vector<16xf32>, vector<16xi1> -> vector<16xf32>
        %reduce_sum3A_564 = vector.extract %reduce_sum3A_563[15] : f32 from vector<16xf32>
        %reduce_sum3A_565 = arith.constant true
        %reduce_sum3A_566 = vector.broadcast %reduce_sum3A_565 : i1 to vector<16xi1>
        %reduce_sum3A_567 = tpu.scan <sum>, %add3A_560 masked %reduce_sum3A_566 : vector<16xf32>, vector<16xi1> -> vector<16xf32>
        %reduce_sum3A_568 = vector.extract %reduce_sum3A_567[15] : f32 from vector<16xf32>
        %max3A_569 = arith.constant 1.000000e-30 : f32
        %max3A_570 = arith.maximumf %reduce_sum3A_568, %max3A_569 : f32
        %abs3A_571 = math.absf %reduce_sum3A_564 : f32
        %mul3A_572 = arith.mulf %reduce_sum3A_564, %abs3A_571 : f32
        %add3A_573 = arith.addi %add3A_158, %scan3A_534 : i32
        %mul3A_574 = arith.mulf %mul3A_572, %select_n3A_530 : f32
        %mul3A_575 = arith.mulf %select_n3A_529, %max3A_570 : f32
        %gt3A_576 = arith.cmpf ogt, %mul3A_574, %mul3A_575 : f32
        %eq3A_577 = arith.cmpf oeq, %mul3A_574, %mul3A_575 : f32
        %lt3A_578 = arith.cmpi slt, %add3A_573, %select_n3A_531 : i32
        %and3A_579 = arith.andi %eq3A_577, %lt3A_578 : i1
        %or3A_580 = arith.ori %gt3A_576, %and3A_579 : i1
        %select_n3A_581 = arith.select %or3A_580, %mul3A_572, %select_n3A_529 : f32
        %select_n3A_582 = arith.select %or3A_580, %max3A_570, %select_n3A_530 : f32
        %select_n3A_583 = arith.select %or3A_580, %add3A_573, %select_n3A_531 : i32
        %select_n3A_584 = arith.select %or3A_580, %reduce_sum3A_564, %select_n3A_532 : f32
        scf.yield %select_n3A_581, %select_n3A_582, %select_n3A_583, %select_n3A_584 : f32, f32, i32, f32
      }
      %scan3A_164 = arith.constant 496 : i32
      %add3A_165 = arith.constant 3 : i32
      %add3A_166 = arith.addi %mul3A_126, %add3A_165 : i32
      %lt3A_167 = arith.constant 63 : i32
      %lt3A_168 = arith.cmpi slt, %add3A_166, %lt3A_167 : i32
      %convert_element_type3A_169 = arith.extui %lt3A_168 : i1 to i32
      %cond3A_170 = arith.constant 0 : i32
      %cond3A_171 = arith.cmpi ne, %convert_element_type3A_169, %cond3A_170 : i32
      scf.if %cond3A_171 {
        %add3A_172 = arith.constant 3 : i32
        %add3A_173 = arith.addi %mul3A_126, %add3A_172 : i32
        %mul3A_174 = arith.constant 496 : i32
        %mul3A_175 = arith.muli %add3A_173, %mul3A_174 : i32
        %add3A_176 = arith.addi %mul3A_2, %mul3A_175 : i32
        %multiple_of3A_177 = tpu.assume_multiple %add3A_176, 8 : i32
        %dma_start3A_178 = arith.constant 0 : i32
        %dma_start3A_179 = tpu.memref_slice %arg3[%multiple_of3A_177, %dma_start3A_178] : memref<1000000x64xf32, #tpu.memory_space<hbm>> -> memref<496x64xf32, #tpu.memory_space<hbm>>
        %dma_start3A_180 = arith.constant 0 : i32
        %dma_start3A_181 = tpu.memref_slice %arg3[%multiple_of3A_177, %dma_start3A_180] : memref<1000000x64xf32, #tpu.memory_space<hbm>> -> memref<496x64xf32, #tpu.memory_space<hbm>>
        tpu.enqueue_dma source(%dma_start3A_181 : memref<496x64xf32, #tpu.memory_space<hbm>>) target(%arg7 : memref<496x64xf32, #tpu.memory_space<vmem>>) target_semaphore(%arg10 : memref<!tpu.dma_semaphore, #tpu.memory_space<semaphore_mem>>)
      } else {
      }
      scf.yield %scan3A_163#0, %scan3A_163#1, %scan3A_163#2, %scan3A_163#3 : f32, f32, i32, f32
    }
    %scan3A_30 = arith.constant 31 : i32
    %dma_wait3A = arith.constant 0 : i32
    %dma_wait3A_31 = arith.constant 0 : i32
    %dma_wait3A_32 = tpu.memref_slice %arg3[%dma_wait3A, %dma_wait3A_31] : memref<1000000x64xf32, #tpu.memory_space<hbm>> -> memref<496x64xf32, #tpu.memory_space<hbm>>
    %dma_wait3A_33 = arith.constant 0 : i32
    %dma_wait3A_34 = arith.constant 0 : i32
    %dma_wait3A_35 = tpu.memref_slice %arg3[%dma_wait3A_33, %dma_wait3A_34] : memref<1000000x64xf32, #tpu.memory_space<hbm>> -> memref<496x64xf32, #tpu.memory_space<hbm>>
    tpu.wait_dma2 semaphore(%arg9 : memref<!tpu.dma_semaphore, #tpu.memory_space<semaphore_mem>>) src(%dma_wait3A_35 : memref<496x64xf32, #tpu.memory_space<hbm>>) dst(%arg6 : memref<496x64xf32, #tpu.memory_space<vmem>>)
    %add3A_36 = arith.constant 30752 : i32
    %add3A_37 = arith.addi %mul3A_2, %add3A_36 : i32
    %scan3A_38 = arith.constant 0 : i32
    %scan3A_39 = arith.constant 496 : i32
    %scan3A_40 = arith.addi %scan3A_38, %scan3A_39 : i32
    %scan3A_41 = arith.constant 8 : i32
    %scan3A_42:4 = scf.for %scan3A_120 = %scan3A_38 to %scan3A_40 step %scan3A_41 iter_args(%scan3A_121 = %scan3A_29#0, %scan3A_122 = %scan3A_29#1, %scan3A_123 = %scan3A_29#2, %scan3A_124 = %scan3A_29#3) -> (f32, f32, i32, f32)  : i32 {
      %get3A_125 = arith.index_cast %scan3A_120 : i32 to index
      %get3A_126 = arith.constant 0 : index
      %get3A_127 = tpu.vector_load %arg6[%get3A_125, %get3A_126] {strides = array<i32>} : memref<496x64xf32, #tpu.memory_space<vmem>>, vector<16xf32>,
      %get3A_128 = arith.index_cast %scan3A_120 : i32 to index
      %get3A_129 = arith.constant 16 : index
      %get3A_130 = tpu.vector_load %arg6[%get3A_128, %get3A_129] {strides = array<i32>} : memref<496x64xf32, #tpu.memory_space<vmem>>, vector<16xf32>,
      %get3A_131 = arith.index_cast %scan3A_120 : i32 to index
      %get3A_132 = arith.constant 32 : index
      %get3A_133 = tpu.vector_load %arg6[%get3A_131, %get3A_132] {strides = array<i32>} : memref<496x64xf32, #tpu.memory_space<vmem>>, vector<16xf32>,
      %get3A_134 = arith.index_cast %scan3A_120 : i32 to index
      %get3A_135 = arith.constant 48 : index
      %get3A_136 = tpu.vector_load %arg6[%get3A_134, %get3A_135] {strides = array<i32>} : memref<496x64xf32, #tpu.memory_space<vmem>>, vector<16xf32>,
      %mul3A_137 = arith.mulf %get3A_127, %get3A_3 : vector<16xf32>
      %mul3A_138 = arith.mulf %get3A_130, %get3A_5 : vector<16xf32>
      %add3A_139 = arith.addf %mul3A_137, %mul3A_138 : vector<16xf32>
      %mul3A_140 = arith.mulf %get3A_133, %get3A_7 : vector<16xf32>
      %add3A_141 = arith.addf %add3A_139, %mul3A_140 : vector<16xf32>
      %mul3A_142 = arith.mulf %get3A_136, %get3A_9 : vector<16xf32>
      %add3A_143 = arith.addf %add3A_141, %mul3A_142 : vector<16xf32>
      %mul3A_144 = arith.mulf %get3A_127, %get3A_127 : vector<16xf32>
      %mul3A_145 = arith.mulf %get3A_130, %get3A_130 : vector<16xf32>
      %add3A_146 = arith.addf %mul3A_144, %mul3A_145 : vector<16xf32>
      %mul3A_147 = arith.mulf %get3A_133, %get3A_133 : vector<16xf32>
      %add3A_148 = arith.addf %add3A_146, %mul3A_147 : vector<16xf32>
      %mul3A_149 = arith.mulf %get3A_136, %get3A_136 : vector<16xf32>
      %add3A_150 = arith.addf %add3A_148, %mul3A_149 : vector<16xf32>
      %reduce_sum3A = arith.constant true
      %reduce_sum3A_151 = vector.broadcast %reduce_sum3A : i1 to vector<16xi1>
      %reduce_sum3A_152 = tpu.scan <sum>, %add3A_143 masked %reduce_sum3A_151 : vector<16xf32>, vector<16xi1> -> vector<16xf32>
      %reduce_sum3A_153 = vector.extract %reduce_sum3A_152[15] : f32 from vector<16xf32>
      %reduce_sum3A_154 = arith.constant true
      %reduce_sum3A_155 = vector.broadcast %reduce_sum3A_154 : i1 to vector<16xi1>
      %reduce_sum3A_156 = tpu.scan <sum>, %add3A_150 masked %reduce_sum3A_155 : vector<16xf32>, vector<16xi1> -> vector<16xf32>
      %reduce_sum3A_157 = vector.extract %reduce_sum3A_156[15] : f32 from vector<16xf32>
      %max3A = arith.constant 1.000000e-30 : f32
      %max3A_158 = arith.maximumf %reduce_sum3A_157, %max3A : f32
      %abs3A = math.absf %reduce_sum3A_153 : f32
      %mul3A_159 = arith.mulf %reduce_sum3A_153, %abs3A : f32
      %add3A_160 = arith.addi %add3A_37, %scan3A_120 : i32
      %mul3A_161 = arith.mulf %mul3A_159, %scan3A_122 : f32
      %mul3A_162 = arith.mulf %scan3A_121, %max3A_158 : f32
      %gt3A = arith.cmpf ogt, %mul3A_161, %mul3A_162 : f32
      %eq3A_163 = arith.cmpf oeq, %mul3A_161, %mul3A_162 : f32
      %lt3A = arith.cmpi slt, %add3A_160, %scan3A_123 : i32
      %and3A = arith.andi %eq3A_163, %lt3A : i1
      %or3A = arith.ori %gt3A, %and3A : i1
      %select_n3A_164 = arith.select %or3A, %mul3A_159, %scan3A_121 : f32
      %select_n3A_165 = arith.select %or3A, %max3A_158, %scan3A_122 : f32
      %select_n3A_166 = arith.select %or3A, %add3A_160, %scan3A_123 : i32
      %select_n3A_167 = arith.select %or3A, %reduce_sum3A_153, %scan3A_124 : f32
      %scan3A_168 = arith.constant 1 : i32
      %scan3A_169 = arith.addi %scan3A_120, %scan3A_168 : i32
      %get3A_170 = arith.index_cast %scan3A_169 : i32 to index
      %get3A_171 = arith.constant 0 : index
      %get3A_172 = tpu.vector_load %arg6[%get3A_170, %get3A_171] {strides = array<i32>} : memref<496x64xf32, #tpu.memory_space<vmem>>, vector<16xf32>,
      %get3A_173 = arith.index_cast %scan3A_169 : i32 to index
      %get3A_174 = arith.constant 16 : index
      %get3A_175 = tpu.vector_load %arg6[%get3A_173, %get3A_174] {strides = array<i32>} : memref<496x64xf32, #tpu.memory_space<vmem>>, vector<16xf32>,
      %get3A_176 = arith.index_cast %scan3A_169 : i32 to index
      %get3A_177 = arith.constant 32 : index
      %get3A_178 = tpu.vector_load %arg6[%get3A_176, %get3A_177] {strides = array<i32>} : memref<496x64xf32, #tpu.memory_space<vmem>>, vector<16xf32>,
      %get3A_179 = arith.index_cast %scan3A_169 : i32 to index
      %get3A_180 = arith.constant 48 : index
      %get3A_181 = tpu.vector_load %arg6[%get3A_179, %get3A_180] {strides = array<i32>} : memref<496x64xf32, #tpu.memory_space<vmem>>, vector<16xf32>,
      %mul3A_182 = arith.mulf %get3A_172, %get3A_3 : vector<16xf32>
      %mul3A_183 = arith.mulf %get3A_175, %get3A_5 : vector<16xf32>
      %add3A_184 = arith.addf %mul3A_182, %mul3A_183 : vector<16xf32>
      %mul3A_185 = arith.mulf %get3A_178, %get3A_7 : vector<16xf32>
      %add3A_186 = arith.addf %add3A_184, %mul3A_185 : vector<16xf32>
      %mul3A_187 = arith.mulf %get3A_181, %get3A_9 : vector<16xf32>
      %add3A_188 = arith.addf %add3A_186, %mul3A_187 : vector<16xf32>
      %mul3A_189 = arith.mulf %get3A_172, %get3A_172 : vector<16xf32>
      %mul3A_190 = arith.mulf %get3A_175, %get3A_175 : vector<16xf32>
      %add3A_191 = arith.addf %mul3A_189, %mul3A_190 : vector<16xf32>
      %mul3A_192 = arith.mulf %get3A_178, %get3A_178 : vector<16xf32>
      %add3A_193 = arith.addf %add3A_191, %mul3A_192 : vector<16xf32>
      %mul3A_194 = arith.mulf %get3A_181, %get3A_181 : vector<16xf32>
      %add3A_195 = arith.addf %add3A_193, %mul3A_194 : vector<16xf32>
      %reduce_sum3A_196 = arith.constant true
      %reduce_sum3A_197 = vector.broadcast %reduce_sum3A_196 : i1 to vector<16xi1>
      %reduce_sum3A_198 = tpu.scan <sum>, %add3A_188 masked %reduce_sum3A_197 : vector<16xf32>, vector<16xi1> -> vector<16xf32>
      %reduce_sum3A_199 = vector.extract %reduce_sum3A_198[15] : f32 from vector<16xf32>
      %reduce_sum3A_200 = arith.constant true
      %reduce_sum3A_201 = vector.broadcast %reduce_sum3A_200 : i1 to vector<16xi1>
      %reduce_sum3A_202 = tpu.scan <sum>, %add3A_195 masked %reduce_sum3A_201 : vector<16xf32>, vector<16xi1> -> vector<16xf32>
      %reduce_sum3A_203 = vector.extract %reduce_sum3A_202[15] : f32 from vector<16xf32>
      %max3A_204 = arith.constant 1.000000e-30 : f32
      %max3A_205 = arith.maximumf %reduce_sum3A_203, %max3A_204 : f32
      %abs3A_206 = math.absf %reduce_sum3A_199 : f32
      %mul3A_207 = arith.mulf %reduce_sum3A_199, %abs3A_206 : f32
      %add3A_208 = arith.addi %add3A_37, %scan3A_169 : i32
      %mul3A_209 = arith.mulf %mul3A_207, %select_n3A_165 : f32
      %mul3A_210 = arith.mulf %select_n3A_164, %max3A_205 : f32
      %gt3A_211 = arith.cmpf ogt, %mul3A_209, %mul3A_210 : f32
      %eq3A_212 = arith.cmpf oeq, %mul3A_209, %mul3A_210 : f32
      %lt3A_213 = arith.cmpi slt, %add3A_208, %select_n3A_166 : i32
      %and3A_214 = arith.andi %eq3A_212, %lt3A_213 : i1
      %or3A_215 = arith.ori %gt3A_211, %and3A_214 : i1
      %select_n3A_216 = arith.select %or3A_215, %mul3A_207, %select_n3A_164 : f32
      %select_n3A_217 = arith.select %or3A_215, %max3A_205, %select_n3A_165 : f32
      %select_n3A_218 = arith.select %or3A_215, %add3A_208, %select_n3A_166 : i32
      %select_n3A_219 = arith.select %or3A_215, %reduce_sum3A_199, %select_n3A_167 : f32
      %scan3A_220 = arith.constant 2 : i32
      %scan3A_221 = arith.addi %scan3A_120, %scan3A_220 : i32
      %get3A_222 = arith.index_cast %scan3A_221 : i32 to index
      %get3A_223 = arith.constant 0 : index
      %get3A_224 = tpu.vector_load %arg6[%get3A_222, %get3A_223] {strides = array<i32>} : memref<496x64xf32, #tpu.memory_space<vmem>>, vector<16xf32>,
      %get3A_225 = arith.index_cast %scan3A_221 : i32 to index
      %get3A_226 = arith.constant 16 : index
      %get3A_227 = tpu.vector_load %arg6[%get3A_225, %get3A_226] {strides = array<i32>} : memref<496x64xf32, #tpu.memory_space<vmem>>, vector<16xf32>,
      %get3A_228 = arith.index_cast %scan3A_221 : i32 to index
      %get3A_229 = arith.constant 32 : index
      %get3A_230 = tpu.vector_load %arg6[%get3A_228, %get3A_229] {strides = array<i32>} : memref<496x64xf32, #tpu.memory_space<vmem>>, vector<16xf32>,
      %get3A_231 = arith.index_cast %scan3A_221 : i32 to index
      %get3A_232 = arith.constant 48 : index
      %get3A_233 = tpu.vector_load %arg6[%get3A_231, %get3A_232] {strides = array<i32>} : memref<496x64xf32, #tpu.memory_space<vmem>>, vector<16xf32>,
      %mul3A_234 = arith.mulf %get3A_224, %get3A_3 : vector<16xf32>
      %mul3A_235 = arith.mulf %get3A_227, %get3A_5 : vector<16xf32>
      %add3A_236 = arith.addf %mul3A_234, %mul3A_235 : vector<16xf32>
      %mul3A_237 = arith.mulf %get3A_230, %get3A_7 : vector<16xf32>
      %add3A_238 = arith.addf %add3A_236, %mul3A_237 : vector<16xf32>
      %mul3A_239 = arith.mulf %get3A_233, %get3A_9 : vector<16xf32>
      %add3A_240 = arith.addf %add3A_238, %mul3A_239 : vector<16xf32>
      %mul3A_241 = arith.mulf %get3A_224, %get3A_224 : vector<16xf32>
      %mul3A_242 = arith.mulf %get3A_227, %get3A_227 : vector<16xf32>
      %add3A_243 = arith.addf %mul3A_241, %mul3A_242 : vector<16xf32>
      %mul3A_244 = arith.mulf %get3A_230, %get3A_230 : vector<16xf32>
      %add3A_245 = arith.addf %add3A_243, %mul3A_244 : vector<16xf32>
      %mul3A_246 = arith.mulf %get3A_233, %get3A_233 : vector<16xf32>
      %add3A_247 = arith.addf %add3A_245, %mul3A_246 : vector<16xf32>
      %reduce_sum3A_248 = arith.constant true
      %reduce_sum3A_249 = vector.broadcast %reduce_sum3A_248 : i1 to vector<16xi1>
      %reduce_sum3A_250 = tpu.scan <sum>, %add3A_240 masked %reduce_sum3A_249 : vector<16xf32>, vector<16xi1> -> vector<16xf32>
      %reduce_sum3A_251 = vector.extract %reduce_sum3A_250[15] : f32 from vector<16xf32>
      %reduce_sum3A_252 = arith.constant true
      %reduce_sum3A_253 = vector.broadcast %reduce_sum3A_252 : i1 to vector<16xi1>
      %reduce_sum3A_254 = tpu.scan <sum>, %add3A_247 masked %reduce_sum3A_253 : vector<16xf32>, vector<16xi1> -> vector<16xf32>
      %reduce_sum3A_255 = vector.extract %reduce_sum3A_254[15] : f32 from vector<16xf32>
      %max3A_256 = arith.constant 1.000000e-30 : f32
      %max3A_257 = arith.maximumf %reduce_sum3A_255, %max3A_256 : f32
      %abs3A_258 = math.absf %reduce_sum3A_251 : f32
      %mul3A_259 = arith.mulf %reduce_sum3A_251, %abs3A_258 : f32
      %add3A_260 = arith.addi %add3A_37, %scan3A_221 : i32
      %mul3A_261 = arith.mulf %mul3A_259, %select_n3A_217 : f32
      %mul3A_262 = arith.mulf %select_n3A_216, %max3A_257 : f32
      %gt3A_263 = arith.cmpf ogt, %mul3A_261, %mul3A_262 : f32
      %eq3A_264 = arith.cmpf oeq, %mul3A_261, %mul3A_262 : f32
      %lt3A_265 = arith.cmpi slt, %add3A_260, %select_n3A_218 : i32
      %and3A_266 = arith.andi %eq3A_264, %lt3A_265 : i1
      %or3A_267 = arith.ori %gt3A_263, %and3A_266 : i1
      %select_n3A_268 = arith.select %or3A_267, %mul3A_259, %select_n3A_216 : f32
      %select_n3A_269 = arith.select %or3A_267, %max3A_257, %select_n3A_217 : f32
      %select_n3A_270 = arith.select %or3A_267, %add3A_260, %select_n3A_218 : i32
      %select_n3A_271 = arith.select %or3A_267, %reduce_sum3A_251, %select_n3A_219 : f32
      %scan3A_272 = arith.constant 3 : i32
      %scan3A_273 = arith.addi %scan3A_120, %scan3A_272 : i32
      %get3A_274 = arith.index_cast %scan3A_273 : i32 to index
      %get3A_275 = arith.constant 0 : index
      %get3A_276 = tpu.vector_load %arg6[%get3A_274, %get3A_275] {strides = array<i32>} : memref<496x64xf32, #tpu.memory_space<vmem>>, vector<16xf32>,
      %get3A_277 = arith.index_cast %scan3A_273 : i32 to index
      %get3A_278 = arith.constant 16 : index
      %get3A_279 = tpu.vector_load %arg6[%get3A_277, %get3A_278] {strides = array<i32>} : memref<496x64xf32, #tpu.memory_space<vmem>>, vector<16xf32>,
      %get3A_280 = arith.index_cast %scan3A_273 : i32 to index
      %get3A_281 = arith.constant 32 : index
      %get3A_282 = tpu.vector_load %arg6[%get3A_280, %get3A_281] {strides = array<i32>} : memref<496x64xf32, #tpu.memory_space<vmem>>, vector<16xf32>,
      %get3A_283 = arith.index_cast %scan3A_273 : i32 to index
      %get3A_284 = arith.constant 48 : index
      %get3A_285 = tpu.vector_load %arg6[%get3A_283, %get3A_284] {strides = array<i32>} : memref<496x64xf32, #tpu.memory_space<vmem>>, vector<16xf32>,
      %mul3A_286 = arith.mulf %get3A_276, %get3A_3 : vector<16xf32>
      %mul3A_287 = arith.mulf %get3A_279, %get3A_5 : vector<16xf32>
      %add3A_288 = arith.addf %mul3A_286, %mul3A_287 : vector<16xf32>
      %mul3A_289 = arith.mulf %get3A_282, %get3A_7 : vector<16xf32>
      %add3A_290 = arith.addf %add3A_288, %mul3A_289 : vector<16xf32>
      %mul3A_291 = arith.mulf %get3A_285, %get3A_9 : vector<16xf32>
      %add3A_292 = arith.addf %add3A_290, %mul3A_291 : vector<16xf32>
      %mul3A_293 = arith.mulf %get3A_276, %get3A_276 : vector<16xf32>
      %mul3A_294 = arith.mulf %get3A_279, %get3A_279 : vector<16xf32>
      %add3A_295 = arith.addf %mul3A_293, %mul3A_294 : vector<16xf32>
      %mul3A_296 = arith.mulf %get3A_282, %get3A_282 : vector<16xf32>
      %add3A_297 = arith.addf %add3A_295, %mul3A_296 : vector<16xf32>
      %mul3A_298 = arith.mulf %get3A_285, %get3A_285 : vector<16xf32>
      %add3A_299 = arith.addf %add3A_297, %mul3A_298 : vector<16xf32>
      %reduce_sum3A_300 = arith.constant true
      %reduce_sum3A_301 = vector.broadcast %reduce_sum3A_300 : i1 to vector<16xi1>
      %reduce_sum3A_302 = tpu.scan <sum>, %add3A_292 masked %reduce_sum3A_301 : vector<16xf32>, vector<16xi1> -> vector<16xf32>
      %reduce_sum3A_303 = vector.extract %reduce_sum3A_302[15] : f32 from vector<16xf32>
      %reduce_sum3A_304 = arith.constant true
      %reduce_sum3A_305 = vector.broadcast %reduce_sum3A_304 : i1 to vector<16xi1>
      %reduce_sum3A_306 = tpu.scan <sum>, %add3A_299 masked %reduce_sum3A_305 : vector<16xf32>, vector<16xi1> -> vector<16xf32>
      %reduce_sum3A_307 = vector.extract %reduce_sum3A_306[15] : f32 from vector<16xf32>
      %max3A_308 = arith.constant 1.000000e-30 : f32
      %max3A_309 = arith.maximumf %reduce_sum3A_307, %max3A_308 : f32
      %abs3A_310 = math.absf %reduce_sum3A_303 : f32
      %mul3A_311 = arith.mulf %reduce_sum3A_303, %abs3A_310 : f32
      %add3A_312 = arith.addi %add3A_37, %scan3A_273 : i32
      %mul3A_313 = arith.mulf %mul3A_311, %select_n3A_269 : f32
      %mul3A_314 = arith.mulf %select_n3A_268, %max3A_309 : f32
      %gt3A_315 = arith.cmpf ogt, %mul3A_313, %mul3A_314 : f32
      %eq3A_316 = arith.cmpf oeq, %mul3A_313, %mul3A_314 : f32
      %lt3A_317 = arith.cmpi slt, %add3A_312, %select_n3A_270 : i32
      %and3A_318 = arith.andi %eq3A_316, %lt3A_317 : i1
      %or3A_319 = arith.ori %gt3A_315, %and3A_318 : i1
      %select_n3A_320 = arith.select %or3A_319, %mul3A_311, %select_n3A_268 : f32
      %select_n3A_321 = arith.select %or3A_319, %max3A_309, %select_n3A_269 : f32
      %select_n3A_322 = arith.select %or3A_319, %add3A_312, %select_n3A_270 : i32
      %select_n3A_323 = arith.select %or3A_319, %reduce_sum3A_303, %select_n3A_271 : f32
      %scan3A_324 = arith.constant 4 : i32
      %scan3A_325 = arith.addi %scan3A_120, %scan3A_324 : i32
      %get3A_326 = arith.index_cast %scan3A_325 : i32 to index
      %get3A_327 = arith.constant 0 : index
      %get3A_328 = tpu.vector_load %arg6[%get3A_326, %get3A_327] {strides = array<i32>} : memref<496x64xf32, #tpu.memory_space<vmem>>, vector<16xf32>,
      %get3A_329 = arith.index_cast %scan3A_325 : i32 to index
      %get3A_330 = arith.constant 16 : index
      %get3A_331 = tpu.vector_load %arg6[%get3A_329, %get3A_330] {strides = array<i32>} : memref<496x64xf32, #tpu.memory_space<vmem>>, vector<16xf32>,
      %get3A_332 = arith.index_cast %scan3A_325 : i32 to index
      %get3A_333 = arith.constant 32 : index
      %get3A_334 = tpu.vector_load %arg6[%get3A_332, %get3A_333] {strides = array<i32>} : memref<496x64xf32, #tpu.memory_space<vmem>>, vector<16xf32>,
      %get3A_335 = arith.index_cast %scan3A_325 : i32 to index
      %get3A_336 = arith.constant 48 : index
      %get3A_337 = tpu.vector_load %arg6[%get3A_335, %get3A_336] {strides = array<i32>} : memref<496x64xf32, #tpu.memory_space<vmem>>, vector<16xf32>,
      %mul3A_338 = arith.mulf %get3A_328, %get3A_3 : vector<16xf32>
      %mul3A_339 = arith.mulf %get3A_331, %get3A_5 : vector<16xf32>
      %add3A_340 = arith.addf %mul3A_338, %mul3A_339 : vector<16xf32>
      %mul3A_341 = arith.mulf %get3A_334, %get3A_7 : vector<16xf32>
      %add3A_342 = arith.addf %add3A_340, %mul3A_341 : vector<16xf32>
      %mul3A_343 = arith.mulf %get3A_337, %get3A_9 : vector<16xf32>
      %add3A_344 = arith.addf %add3A_342, %mul3A_343 : vector<16xf32>
      %mul3A_345 = arith.mulf %get3A_328, %get3A_328 : vector<16xf32>
      %mul3A_346 = arith.mulf %get3A_331, %get3A_331 : vector<16xf32>
      %add3A_347 = arith.addf %mul3A_345, %mul3A_346 : vector<16xf32>
      %mul3A_348 = arith.mulf %get3A_334, %get3A_334 : vector<16xf32>
      %add3A_349 = arith.addf %add3A_347, %mul3A_348 : vector<16xf32>
      %mul3A_350 = arith.mulf %get3A_337, %get3A_337 : vector<16xf32>
      %add3A_351 = arith.addf %add3A_349, %mul3A_350 : vector<16xf32>
      %reduce_sum3A_352 = arith.constant true
      %reduce_sum3A_353 = vector.broadcast %reduce_sum3A_352 : i1 to vector<16xi1>
      %reduce_sum3A_354 = tpu.scan <sum>, %add3A_344 masked %reduce_sum3A_353 : vector<16xf32>, vector<16xi1> -> vector<16xf32>
      %reduce_sum3A_355 = vector.extract %reduce_sum3A_354[15] : f32 from vector<16xf32>
      %reduce_sum3A_356 = arith.constant true
      %reduce_sum3A_357 = vector.broadcast %reduce_sum3A_356 : i1 to vector<16xi1>
      %reduce_sum3A_358 = tpu.scan <sum>, %add3A_351 masked %reduce_sum3A_357 : vector<16xf32>, vector<16xi1> -> vector<16xf32>
      %reduce_sum3A_359 = vector.extract %reduce_sum3A_358[15] : f32 from vector<16xf32>
      %max3A_360 = arith.constant 1.000000e-30 : f32
      %max3A_361 = arith.maximumf %reduce_sum3A_359, %max3A_360 : f32
      %abs3A_362 = math.absf %reduce_sum3A_355 : f32
      %mul3A_363 = arith.mulf %reduce_sum3A_355, %abs3A_362 : f32
      %add3A_364 = arith.addi %add3A_37, %scan3A_325 : i32
      %mul3A_365 = arith.mulf %mul3A_363, %select_n3A_321 : f32
      %mul3A_366 = arith.mulf %select_n3A_320, %max3A_361 : f32
      %gt3A_367 = arith.cmpf ogt, %mul3A_365, %mul3A_366 : f32
      %eq3A_368 = arith.cmpf oeq, %mul3A_365, %mul3A_366 : f32
      %lt3A_369 = arith.cmpi slt, %add3A_364, %select_n3A_322 : i32
      %and3A_370 = arith.andi %eq3A_368, %lt3A_369 : i1
      %or3A_371 = arith.ori %gt3A_367, %and3A_370 : i1
      %select_n3A_372 = arith.select %or3A_371, %mul3A_363, %select_n3A_320 : f32
      %select_n3A_373 = arith.select %or3A_371, %max3A_361, %select_n3A_321 : f32
      %select_n3A_374 = arith.select %or3A_371, %add3A_364, %select_n3A_322 : i32
      %select_n3A_375 = arith.select %or3A_371, %reduce_sum3A_355, %select_n3A_323 : f32
      %scan3A_376 = arith.constant 5 : i32
      %scan3A_377 = arith.addi %scan3A_120, %scan3A_376 : i32
      %get3A_378 = arith.index_cast %scan3A_377 : i32 to index
      %get3A_379 = arith.constant 0 : index
      %get3A_380 = tpu.vector_load %arg6[%get3A_378, %get3A_379] {strides = array<i32>} : memref<496x64xf32, #tpu.memory_space<vmem>>, vector<16xf32>,
      %get3A_381 = arith.index_cast %scan3A_377 : i32 to index
      %get3A_382 = arith.constant 16 : index
      %get3A_383 = tpu.vector_load %arg6[%get3A_381, %get3A_382] {strides = array<i32>} : memref<496x64xf32, #tpu.memory_space<vmem>>, vector<16xf32>,
      %get3A_384 = arith.index_cast %scan3A_377 : i32 to index
      %get3A_385 = arith.constant 32 : index
      %get3A_386 = tpu.vector_load %arg6[%get3A_384, %get3A_385] {strides = array<i32>} : memref<496x64xf32, #tpu.memory_space<vmem>>, vector<16xf32>,
      %get3A_387 = arith.index_cast %scan3A_377 : i32 to index
      %get3A_388 = arith.constant 48 : index
      %get3A_389 = tpu.vector_load %arg6[%get3A_387, %get3A_388] {strides = array<i32>} : memref<496x64xf32, #tpu.memory_space<vmem>>, vector<16xf32>,
      %mul3A_390 = arith.mulf %get3A_380, %get3A_3 : vector<16xf32>
      %mul3A_391 = arith.mulf %get3A_383, %get3A_5 : vector<16xf32>
      %add3A_392 = arith.addf %mul3A_390, %mul3A_391 : vector<16xf32>
      %mul3A_393 = arith.mulf %get3A_386, %get3A_7 : vector<16xf32>
      %add3A_394 = arith.addf %add3A_392, %mul3A_393 : vector<16xf32>
      %mul3A_395 = arith.mulf %get3A_389, %get3A_9 : vector<16xf32>
      %add3A_396 = arith.addf %add3A_394, %mul3A_395 : vector<16xf32>
      %mul3A_397 = arith.mulf %get3A_380, %get3A_380 : vector<16xf32>
      %mul3A_398 = arith.mulf %get3A_383, %get3A_383 : vector<16xf32>
      %add3A_399 = arith.addf %mul3A_397, %mul3A_398 : vector<16xf32>
      %mul3A_400 = arith.mulf %get3A_386, %get3A_386 : vector<16xf32>
      %add3A_401 = arith.addf %add3A_399, %mul3A_400 : vector<16xf32>
      %mul3A_402 = arith.mulf %get3A_389, %get3A_389 : vector<16xf32>
      %add3A_403 = arith.addf %add3A_401, %mul3A_402 : vector<16xf32>
      %reduce_sum3A_404 = arith.constant true
      %reduce_sum3A_405 = vector.broadcast %reduce_sum3A_404 : i1 to vector<16xi1>
      %reduce_sum3A_406 = tpu.scan <sum>, %add3A_396 masked %reduce_sum3A_405 : vector<16xf32>, vector<16xi1> -> vector<16xf32>
      %reduce_sum3A_407 = vector.extract %reduce_sum3A_406[15] : f32 from vector<16xf32>
      %reduce_sum3A_408 = arith.constant true
      %reduce_sum3A_409 = vector.broadcast %reduce_sum3A_408 : i1 to vector<16xi1>
      %reduce_sum3A_410 = tpu.scan <sum>, %add3A_403 masked %reduce_sum3A_409 : vector<16xf32>, vector<16xi1> -> vector<16xf32>
      %reduce_sum3A_411 = vector.extract %reduce_sum3A_410[15] : f32 from vector<16xf32>
      %max3A_412 = arith.constant 1.000000e-30 : f32
      %max3A_413 = arith.maximumf %reduce_sum3A_411, %max3A_412 : f32
      %abs3A_414 = math.absf %reduce_sum3A_407 : f32
      %mul3A_415 = arith.mulf %reduce_sum3A_407, %abs3A_414 : f32
      %add3A_416 = arith.addi %add3A_37, %scan3A_377 : i32
      %mul3A_417 = arith.mulf %mul3A_415, %select_n3A_373 : f32
      %mul3A_418 = arith.mulf %select_n3A_372, %max3A_413 : f32
      %gt3A_419 = arith.cmpf ogt, %mul3A_417, %mul3A_418 : f32
      %eq3A_420 = arith.cmpf oeq, %mul3A_417, %mul3A_418 : f32
      %lt3A_421 = arith.cmpi slt, %add3A_416, %select_n3A_374 : i32
      %and3A_422 = arith.andi %eq3A_420, %lt3A_421 : i1
      %or3A_423 = arith.ori %gt3A_419, %and3A_422 : i1
      %select_n3A_424 = arith.select %or3A_423, %mul3A_415, %select_n3A_372 : f32
      %select_n3A_425 = arith.select %or3A_423, %max3A_413, %select_n3A_373 : f32
      %select_n3A_426 = arith.select %or3A_423, %add3A_416, %select_n3A_374 : i32
      %select_n3A_427 = arith.select %or3A_423, %reduce_sum3A_407, %select_n3A_375 : f32
      %scan3A_428 = arith.constant 6 : i32
      %scan3A_429 = arith.addi %scan3A_120, %scan3A_428 : i32
      %get3A_430 = arith.index_cast %scan3A_429 : i32 to index
      %get3A_431 = arith.constant 0 : index
      %get3A_432 = tpu.vector_load %arg6[%get3A_430, %get3A_431] {strides = array<i32>} : memref<496x64xf32, #tpu.memory_space<vmem>>, vector<16xf32>,
      %get3A_433 = arith.index_cast %scan3A_429 : i32 to index
      %get3A_434 = arith.constant 16 : index
      %get3A_435 = tpu.vector_load %arg6[%get3A_433, %get3A_434] {strides = array<i32>} : memref<496x64xf32, #tpu.memory_space<vmem>>, vector<16xf32>,
      %get3A_436 = arith.index_cast %scan3A_429 : i32 to index
      %get3A_437 = arith.constant 32 : index
      %get3A_438 = tpu.vector_load %arg6[%get3A_436, %get3A_437] {strides = array<i32>} : memref<496x64xf32, #tpu.memory_space<vmem>>, vector<16xf32>,
      %get3A_439 = arith.index_cast %scan3A_429 : i32 to index
      %get3A_440 = arith.constant 48 : index
      %get3A_441 = tpu.vector_load %arg6[%get3A_439, %get3A_440] {strides = array<i32>} : memref<496x64xf32, #tpu.memory_space<vmem>>, vector<16xf32>,
      %mul3A_442 = arith.mulf %get3A_432, %get3A_3 : vector<16xf32>
      %mul3A_443 = arith.mulf %get3A_435, %get3A_5 : vector<16xf32>
      %add3A_444 = arith.addf %mul3A_442, %mul3A_443 : vector<16xf32>
      %mul3A_445 = arith.mulf %get3A_438, %get3A_7 : vector<16xf32>
      %add3A_446 = arith.addf %add3A_444, %mul3A_445 : vector<16xf32>
      %mul3A_447 = arith.mulf %get3A_441, %get3A_9 : vector<16xf32>
      %add3A_448 = arith.addf %add3A_446, %mul3A_447 : vector<16xf32>
      %mul3A_449 = arith.mulf %get3A_432, %get3A_432 : vector<16xf32>
      %mul3A_450 = arith.mulf %get3A_435, %get3A_435 : vector<16xf32>
      %add3A_451 = arith.addf %mul3A_449, %mul3A_450 : vector<16xf32>
      %mul3A_452 = arith.mulf %get3A_438, %get3A_438 : vector<16xf32>
      %add3A_453 = arith.addf %add3A_451, %mul3A_452 : vector<16xf32>
      %mul3A_454 = arith.mulf %get3A_441, %get3A_441 : vector<16xf32>
      %add3A_455 = arith.addf %add3A_453, %mul3A_454 : vector<16xf32>
      %reduce_sum3A_456 = arith.constant true
      %reduce_sum3A_457 = vector.broadcast %reduce_sum3A_456 : i1 to vector<16xi1>
      %reduce_sum3A_458 = tpu.scan <sum>, %add3A_448 masked %reduce_sum3A_457 : vector<16xf32>, vector<16xi1> -> vector<16xf32>
      %reduce_sum3A_459 = vector.extract %reduce_sum3A_458[15] : f32 from vector<16xf32>
      %reduce_sum3A_460 = arith.constant true
      %reduce_sum3A_461 = vector.broadcast %reduce_sum3A_460 : i1 to vector<16xi1>
      %reduce_sum3A_462 = tpu.scan <sum>, %add3A_455 masked %reduce_sum3A_461 : vector<16xf32>, vector<16xi1> -> vector<16xf32>
      %reduce_sum3A_463 = vector.extract %reduce_sum3A_462[15] : f32 from vector<16xf32>
      %max3A_464 = arith.constant 1.000000e-30 : f32
      %max3A_465 = arith.maximumf %reduce_sum3A_463, %max3A_464 : f32
      %abs3A_466 = math.absf %reduce_sum3A_459 : f32
      %mul3A_467 = arith.mulf %reduce_sum3A_459, %abs3A_466 : f32
      %add3A_468 = arith.addi %add3A_37, %scan3A_429 : i32
      %mul3A_469 = arith.mulf %mul3A_467, %select_n3A_425 : f32
      %mul3A_470 = arith.mulf %select_n3A_424, %max3A_465 : f32
      %gt3A_471 = arith.cmpf ogt, %mul3A_469, %mul3A_470 : f32
      %eq3A_472 = arith.cmpf oeq, %mul3A_469, %mul3A_470 : f32
      %lt3A_473 = arith.cmpi slt, %add3A_468, %select_n3A_426 : i32
      %and3A_474 = arith.andi %eq3A_472, %lt3A_473 : i1
      %or3A_475 = arith.ori %gt3A_471, %and3A_474 : i1
      %select_n3A_476 = arith.select %or3A_475, %mul3A_467, %select_n3A_424 : f32
      %select_n3A_477 = arith.select %or3A_475, %max3A_465, %select_n3A_425 : f32
      %select_n3A_478 = arith.select %or3A_475, %add3A_468, %select_n3A_426 : i32
      %select_n3A_479 = arith.select %or3A_475, %reduce_sum3A_459, %select_n3A_427 : f32
      %scan3A_480 = arith.constant 7 : i32
      %scan3A_481 = arith.addi %scan3A_120, %scan3A_480 : i32
      %get3A_482 = arith.index_cast %scan3A_481 : i32 to index
      %get3A_483 = arith.constant 0 : index
      %get3A_484 = tpu.vector_load %arg6[%get3A_482, %get3A_483] {strides = array<i32>} : memref<496x64xf32, #tpu.memory_space<vmem>>, vector<16xf32>,
      %get3A_485 = arith.index_cast %scan3A_481 : i32 to index
      %get3A_486 = arith.constant 16 : index
      %get3A_487 = tpu.vector_load %arg6[%get3A_485, %get3A_486] {strides = array<i32>} : memref<496x64xf32, #tpu.memory_space<vmem>>, vector<16xf32>,
      %get3A_488 = arith.index_cast %scan3A_481 : i32 to index
      %get3A_489 = arith.constant 32 : index
      %get3A_490 = tpu.vector_load %arg6[%get3A_488, %get3A_489] {strides = array<i32>} : memref<496x64xf32, #tpu.memory_space<vmem>>, vector<16xf32>,
      %get3A_491 = arith.index_cast %scan3A_481 : i32 to index
      %get3A_492 = arith.constant 48 : index
      %get3A_493 = tpu.vector_load %arg6[%get3A_491, %get3A_492] {strides = array<i32>} : memref<496x64xf32, #tpu.memory_space<vmem>>, vector<16xf32>,
      %mul3A_494 = arith.mulf %get3A_484, %get3A_3 : vector<16xf32>
      %mul3A_495 = arith.mulf %get3A_487, %get3A_5 : vector<16xf32>
      %add3A_496 = arith.addf %mul3A_494, %mul3A_495 : vector<16xf32>
      %mul3A_497 = arith.mulf %get3A_490, %get3A_7 : vector<16xf32>
      %add3A_498 = arith.addf %add3A_496, %mul3A_497 : vector<16xf32>
      %mul3A_499 = arith.mulf %get3A_493, %get3A_9 : vector<16xf32>
      %add3A_500 = arith.addf %add3A_498, %mul3A_499 : vector<16xf32>
      %mul3A_501 = arith.mulf %get3A_484, %get3A_484 : vector<16xf32>
      %mul3A_502 = arith.mulf %get3A_487, %get3A_487 : vector<16xf32>
      %add3A_503 = arith.addf %mul3A_501, %mul3A_502 : vector<16xf32>
      %mul3A_504 = arith.mulf %get3A_490, %get3A_490 : vector<16xf32>
      %add3A_505 = arith.addf %add3A_503, %mul3A_504 : vector<16xf32>
      %mul3A_506 = arith.mulf %get3A_493, %get3A_493 : vector<16xf32>
      %add3A_507 = arith.addf %add3A_505, %mul3A_506 : vector<16xf32>
      %reduce_sum3A_508 = arith.constant true
      %reduce_sum3A_509 = vector.broadcast %reduce_sum3A_508 : i1 to vector<16xi1>
      %reduce_sum3A_510 = tpu.scan <sum>, %add3A_500 masked %reduce_sum3A_509 : vector<16xf32>, vector<16xi1> -> vector<16xf32>
      %reduce_sum3A_511 = vector.extract %reduce_sum3A_510[15] : f32 from vector<16xf32>
      %reduce_sum3A_512 = arith.constant true
      %reduce_sum3A_513 = vector.broadcast %reduce_sum3A_512 : i1 to vector<16xi1>
      %reduce_sum3A_514 = tpu.scan <sum>, %add3A_507 masked %reduce_sum3A_513 : vector<16xf32>, vector<16xi1> -> vector<16xf32>
      %reduce_sum3A_515 = vector.extract %reduce_sum3A_514[15] : f32 from vector<16xf32>
      %max3A_516 = arith.constant 1.000000e-30 : f32
      %max3A_517 = arith.maximumf %reduce_sum3A_515, %max3A_516 : f32
      %abs3A_518 = math.absf %reduce_sum3A_511 : f32
      %mul3A_519 = arith.mulf %reduce_sum3A_511, %abs3A_518 : f32
      %add3A_520 = arith.addi %add3A_37, %scan3A_481 : i32
      %mul3A_521 = arith.mulf %mul3A_519, %select_n3A_477 : f32
      %mul3A_522 = arith.mulf %select_n3A_476, %max3A_517 : f32
      %gt3A_523 = arith.cmpf ogt, %mul3A_521, %mul3A_522 : f32
      %eq3A_524 = arith.cmpf oeq, %mul3A_521, %mul3A_522 : f32
      %lt3A_525 = arith.cmpi slt, %add3A_520, %select_n3A_478 : i32
      %and3A_526 = arith.andi %eq3A_524, %lt3A_525 : i1
      %or3A_527 = arith.ori %gt3A_523, %and3A_526 : i1
      %select_n3A_528 = arith.select %or3A_527, %mul3A_519, %select_n3A_476 : f32
      %select_n3A_529 = arith.select %or3A_527, %max3A_517, %select_n3A_477 : f32
      %select_n3A_530 = arith.select %or3A_527, %add3A_520, %select_n3A_478 : i32
      %select_n3A_531 = arith.select %or3A_527, %reduce_sum3A_511, %select_n3A_479 : f32
      scf.yield %select_n3A_528, %select_n3A_529, %select_n3A_530, %select_n3A_531 : f32, f32, i32, f32
    }
    %scan3A_43 = arith.constant 496 : i32
    "tpu.region"() ({
      %run_scoped3A = tpu.sem_alloc : memref<!tpu.dma_semaphore, #tpu.memory_space<semaphore_mem>>
      %dma_start3A_120 = arith.constant 0 : i32
      %dma_start3A_121 = arith.constant 0 : i32
      %dma_start3A_122 = tpu.memref_slice %arg7[%dma_start3A_120, %dma_start3A_121] : memref<496x64xf32, #tpu.memory_space<vmem>> -> memref<64x64xf32, #tpu.memory_space<vmem>>
      %dma_start3A_123 = arith.constant 999936 : i32
      %dma_start3A_124 = arith.constant 0 : i32
      %dma_start3A_125 = tpu.memref_slice %arg3[%dma_start3A_123, %dma_start3A_124] : memref<1000000x64xf32, #tpu.memory_space<hbm>> -> memref<64x64xf32, #tpu.memory_space<hbm>>
      %dma_start3A_126 = arith.constant 0 : i32
      %dma_start3A_127 = arith.constant 0 : i32
      %dma_start3A_128 = tpu.memref_slice %arg7[%dma_start3A_126, %dma_start3A_127] : memref<496x64xf32, #tpu.memory_space<vmem>> -> memref<64x64xf32, #tpu.memory_space<vmem>>
      %dma_start3A_129 = arith.constant 999936 : i32
      %dma_start3A_130 = arith.constant 0 : i32
      %dma_start3A_131 = tpu.memref_slice %arg3[%dma_start3A_129, %dma_start3A_130] : memref<1000000x64xf32, #tpu.memory_space<hbm>> -> memref<64x64xf32, #tpu.memory_space<hbm>>
      tpu.enqueue_dma source(%dma_start3A_131 : memref<64x64xf32, #tpu.memory_space<hbm>>) target(%dma_start3A_128 : memref<64x64xf32, #tpu.memory_space<vmem>>) target_semaphore(%run_scoped3A : memref<!tpu.dma_semaphore, #tpu.memory_space<semaphore_mem>>)
      %dma_wait3A_132 = arith.constant 0 : i32
      %dma_wait3A_133 = arith.constant 0 : i32
      %dma_wait3A_134 = tpu.memref_slice %arg7[%dma_wait3A_132, %dma_wait3A_133] : memref<496x64xf32, #tpu.memory_space<vmem>> -> memref<64x64xf32, #tpu.memory_space<vmem>>
      %dma_wait3A_135 = arith.constant 999936 : i32
      %dma_wait3A_136 = arith.constant 0 : i32
      %dma_wait3A_137 = tpu.memref_slice %arg3[%dma_wait3A_135, %dma_wait3A_136] : memref<1000000x64xf32, #tpu.memory_space<hbm>> -> memref<64x64xf32, #tpu.memory_space<hbm>>
      %dma_wait3A_138 = arith.constant 0 : i32
      %dma_wait3A_139 = arith.constant 0 : i32
      %dma_wait3A_140 = tpu.memref_slice %arg7[%dma_wait3A_138, %dma_wait3A_139] : memref<496x64xf32, #tpu.memory_space<vmem>> -> memref<64x64xf32, #tpu.memory_space<vmem>>
      %dma_wait3A_141 = arith.constant 999936 : i32
      %dma_wait3A_142 = arith.constant 0 : i32
      %dma_wait3A_143 = tpu.memref_slice %arg3[%dma_wait3A_141, %dma_wait3A_142] : memref<1000000x64xf32, #tpu.memory_space<hbm>> -> memref<64x64xf32, #tpu.memory_space<hbm>>
      tpu.wait_dma2 semaphore(%run_scoped3A : memref<!tpu.dma_semaphore, #tpu.memory_space<semaphore_mem>>) src(%dma_wait3A_143 : memref<64x64xf32, #tpu.memory_space<hbm>>) dst(%dma_wait3A_140 : memref<64x64xf32, #tpu.memory_space<vmem>>)
      tpu.yield
    }) : () -> ()
    %eq3A = arith.constant 31 : i32
    %eq3A_44 = arith.cmpi eq, %add3A, %eq3A : i32
    %convert_element_type3A = arith.extui %eq3A_44 : i1 to i32
    %cond3A = arith.constant 0 : i32
    %cond3A_45 = arith.cmpi ne, %convert_element_type3A, %cond3A : i32
    %cond3A_46:4 = scf.if %cond3A_45 -> (f32, f32, i32, f32) {
      %scan3A_120 = arith.constant 0 : i32
      %scan3A_121 = arith.constant 64 : i32
      %scan3A_122 = arith.addi %scan3A_120, %scan3A_121 : i32
      %scan3A_123 = arith.constant 1 : i32
      %scan3A_124:4 = scf.for %scan3A_126 = %scan3A_120 to %scan3A_122 step %scan3A_123 iter_args(%scan3A_127 = %scan3A_42#0, %scan3A_128 = %scan3A_42#1, %scan3A_129 = %scan3A_42#2, %scan3A_130 = %scan3A_42#3) -> (f32, f32, i32, f32)  : i32 {
        %get3A_131 = arith.index_cast %scan3A_126 : i32 to index
        %get3A_132 = arith.constant 0 : index
        %get3A_133 = tpu.vector_load %arg7[%get3A_131, %get3A_132] {strides = array<i32>} : memref<496x64xf32, #tpu.memory_space<vmem>>, vector<16xf32>,
        %get3A_134 = arith.index_cast %scan3A_126 : i32 to index
        %get3A_135 = arith.constant 16 : index
        %get3A_136 = tpu.vector_load %arg7[%get3A_134, %get3A_135] {strides = array<i32>} : memref<496x64xf32, #tpu.memory_space<vmem>>, vector<16xf32>,
        %get3A_137 = arith.index_cast %scan3A_126 : i32 to index
        %get3A_138 = arith.constant 32 : index
        %get3A_139 = tpu.vector_load %arg7[%get3A_137, %get3A_138] {strides = array<i32>} : memref<496x64xf32, #tpu.memory_space<vmem>>, vector<16xf32>,
        %get3A_140 = arith.index_cast %scan3A_126 : i32 to index
        %get3A_141 = arith.constant 48 : index
        %get3A_142 = tpu.vector_load %arg7[%get3A_140, %get3A_141] {strides = array<i32>} : memref<496x64xf32, #tpu.memory_space<vmem>>, vector<16xf32>,
        %mul3A_143 = arith.mulf %get3A_133, %get3A_3 : vector<16xf32>
        %mul3A_144 = arith.mulf %get3A_136, %get3A_5 : vector<16xf32>
        %add3A_145 = arith.addf %mul3A_143, %mul3A_144 : vector<16xf32>
        %mul3A_146 = arith.mulf %get3A_139, %get3A_7 : vector<16xf32>
        %add3A_147 = arith.addf %add3A_145, %mul3A_146 : vector<16xf32>
        %mul3A_148 = arith.mulf %get3A_142, %get3A_9 : vector<16xf32>
        %add3A_149 = arith.addf %add3A_147, %mul3A_148 : vector<16xf32>
        %mul3A_150 = arith.mulf %get3A_133, %get3A_133 : vector<16xf32>
        %mul3A_151 = arith.mulf %get3A_136, %get3A_136 : vector<16xf32>
        %add3A_152 = arith.addf %mul3A_150, %mul3A_151 : vector<16xf32>
        %mul3A_153 = arith.mulf %get3A_139, %get3A_139 : vector<16xf32>
        %add3A_154 = arith.addf %add3A_152, %mul3A_153 : vector<16xf32>
        %mul3A_155 = arith.mulf %get3A_142, %get3A_142 : vector<16xf32>
        %add3A_156 = arith.addf %add3A_154, %mul3A_155 : vector<16xf32>
        %reduce_sum3A = arith.constant true
        %reduce_sum3A_157 = vector.broadcast %reduce_sum3A : i1 to vector<16xi1>
        %reduce_sum3A_158 = tpu.scan <sum>, %add3A_149 masked %reduce_sum3A_157 : vector<16xf32>, vector<16xi1> -> vector<16xf32>
        %reduce_sum3A_159 = vector.extract %reduce_sum3A_158[15] : f32 from vector<16xf32>
        %reduce_sum3A_160 = arith.constant true
        %reduce_sum3A_161 = vector.broadcast %reduce_sum3A_160 : i1 to vector<16xi1>
        %reduce_sum3A_162 = tpu.scan <sum>, %add3A_156 masked %reduce_sum3A_161 : vector<16xf32>, vector<16xi1> -> vector<16xf32>
        %reduce_sum3A_163 = vector.extract %reduce_sum3A_162[15] : f32 from vector<16xf32>
        %max3A = arith.constant 1.000000e-30 : f32
        %max3A_164 = arith.maximumf %reduce_sum3A_163, %max3A : f32
        %abs3A = math.absf %reduce_sum3A_159 : f32
        %mul3A_165 = arith.mulf %reduce_sum3A_159, %abs3A : f32
        %add3A_166 = arith.constant 999936 : i32
        %add3A_167 = arith.addi %add3A_166, %scan3A_126 : i32
        %mul3A_168 = arith.mulf %mul3A_165, %scan3A_128 : f32
        %mul3A_169 = arith.mulf %scan3A_127, %max3A_164 : f32
        %gt3A = arith.cmpf ogt, %mul3A_168, %mul3A_169 : f32
        %eq3A_170 = arith.cmpf oeq, %mul3A_168, %mul3A_169 : f32
        %lt3A = arith.cmpi slt, %add3A_167, %scan3A_129 : i32
        %and3A = arith.andi %eq3A_170, %lt3A : i1
        %or3A = arith.ori %gt3A, %and3A : i1
        %select_n3A_171 = arith.select %or3A, %mul3A_165, %scan3A_127 : f32
        %select_n3A_172 = arith.select %or3A, %max3A_164, %scan3A_128 : f32
        %select_n3A_173 = arith.select %or3A, %add3A_167, %scan3A_129 : i32
        %select_n3A_174 = arith.select %or3A, %reduce_sum3A_159, %scan3A_130 : f32
        scf.yield %select_n3A_171, %select_n3A_172, %select_n3A_173, %select_n3A_174 : f32, f32, i32, f32
      }
      %scan3A_125 = arith.constant 64 : i32
      scf.yield %scan3A_124#0, %scan3A_124#1, %scan3A_124#2, %scan3A_124#3 : f32, f32, i32, f32
    } else {
      scf.yield %scan3A_42#0, %scan3A_42#1, %scan3A_42#2, %scan3A_42#3 : f32, f32, i32, f32
    }
    %iota3A = tpu.iota {dimensions = array<i32: 0>} : vector<16xi32>
    %eq3A_47 = arith.constant 0 : i32
    %eq3A_48 = vector.broadcast %eq3A_47 : i32 to vector<16xi32>
    %eq3A_49 = arith.cmpi eq, %iota3A, %eq3A_48 : vector<16xi32>
    %eq3A_50 = arith.constant 1 : i32
    %eq3A_51 = vector.broadcast %eq3A_50 : i32 to vector<16xi32>
    %eq3A_52 = arith.cmpi eq, %iota3A, %eq3A_51 : vector<16xi32>
    %convert_element_type3A_53 = arith.sitofp %cond3A_46#2 : i32 to f32
    %eq3A_54 = arith.constant 2 : i32
    %eq3A_55 = vector.broadcast %eq3A_54 : i32 to vector<16xi32>
    %eq3A_56 = arith.cmpi eq, %iota3A, %eq3A_55 : vector<16xi32>
    %eq3A_57 = arith.constant 3 : i32
    %eq3A_58 = vector.broadcast %eq3A_57 : i32 to vector<16xi32>
    %eq3A_59 = arith.cmpi eq, %iota3A, %eq3A_58 : vector<16xi32>
    %jit3A = arith.constant 0.000000e+00 : f32
    %broadcast_in_dim3A = vector.broadcast %cond3A_46#1 : f32 to vector<16xf32>
    %broadcast_in_dim3A_60 = vector.broadcast %jit3A : f32 to vector<16xf32>
    %select_n3A = arith.select %eq3A_59, %broadcast_in_dim3A, %broadcast_in_dim3A_60 : vector<16xi1>, vector<16xf32>
    %broadcast_in_dim3A_61 = vector.broadcast %cond3A_46#3 : f32 to vector<16xf32>
    %select_n3A_62 = arith.select %eq3A_56, %broadcast_in_dim3A_61, %select_n3A : vector<16xi1>, vector<16xf32>
    %broadcast_in_dim3A_63 = vector.broadcast %convert_element_type3A_53 : f32 to vector<16xf32>
    %select_n3A_64 = arith.select %eq3A_52, %broadcast_in_dim3A_63, %select_n3A_62 : vector<16xi1>, vector<16xf32>
    %broadcast_in_dim3A_65 = vector.broadcast %cond3A_46#0 : f32 to vector<16xf32>
    %select_n3A_66 = arith.select %eq3A_49, %broadcast_in_dim3A_65, %select_n3A_64 : vector<16xi1>, vector<16xf32>
    %eq3A_67 = arith.constant 0 : i32
    %eq3A_68 = vector.broadcast %eq3A_67 : i32 to vector<16xi32>
    %eq3A_69 = arith.cmpi eq, %iota3A, %eq3A_68 : vector<16xi32>
    %eq3A_70 = arith.constant 1 : i32
    %eq3A_71 = vector.broadcast %eq3A_70 : i32 to vector<16xi32>
    %eq3A_72 = arith.cmpi eq, %iota3A, %eq3A_71 : vector<16xi32>
    %eq3A_73 = arith.constant 3 : i32
    %eq3A_74 = vector.broadcast %eq3A_73 : i32 to vector<16xi32>
    %eq3A_75 = arith.cmpi eq, %iota3A, %eq3A_74 : vector<16xi32>
    %jit3A_76 = arith.constant 1.000000e+00 : f32
    %jit3A_77 = arith.constant 0.000000e+00 : f32
    %broadcast_in_dim3A_78 = vector.broadcast %jit3A_76 : f32 to vector<16xf32>
    %broadcast_in_dim3A_79 = vector.broadcast %jit3A_77 : f32 to vector<16xf32>
    %select_n3A_80 = arith.select %eq3A_75, %broadcast_in_dim3A_78, %broadcast_in_dim3A_79 : vector<16xi1>, vector<16xf32>
    %jit3A_81 = arith.constant 2.000000e+09 : f32
    %broadcast_in_dim3A_82 = vector.broadcast %jit3A_81 : f32 to vector<16xf32>
    %select_n3A_83 = arith.select %eq3A_72, %broadcast_in_dim3A_82, %select_n3A_80 : vector<16xi1>, vector<16xf32>
    %jit3A_84 = arith.constant 0xFF800000 : f32
    %broadcast_in_dim3A_85 = vector.broadcast %jit3A_84 : f32 to vector<16xf32>
    %select_n3A_86 = arith.select %eq3A_69, %broadcast_in_dim3A_85, %select_n3A_83 : vector<16xi1>, vector<16xf32>
    %swap3A = arith.constant 0 : i32
    %swap3A_87 = arith.index_cast %swap3A : i32 to index
    %swap3A_88 = arith.constant 0 : index
    %swap3A_89 = tpu.vector_load %arg8[%swap3A_87, %swap3A_88] {strides = array<i32>} : memref<8x16xf32, #tpu.memory_space<vmem>>, vector<16xf32>,
    tpu.vector_store %arg8[%swap3A_87, %swap3A_88], %select_n3A_66 {strides = array<i32>} : memref<8x16xf32, #tpu.memory_space<vmem>>, vector<16xf32>,
    %swap3A_90 = arith.constant 1 : i32
    %swap3A_91 = arith.index_cast %swap3A_90 : i32 to index
    %swap3A_92 = arith.constant 0 : index
    %swap3A_93 = tpu.vector_load %arg8[%swap3A_91, %swap3A_92] {strides = array<i32>} : memref<8x16xf32, #tpu.memory_space<vmem>>, vector<16xf32>,
    tpu.vector_store %arg8[%swap3A_91, %swap3A_92], %select_n3A_86 {strides = array<i32>} : memref<8x16xf32, #tpu.memory_space<vmem>>, vector<16xf32>,
    %swap3A_94 = arith.constant 2 : i32
    %swap3A_95 = arith.index_cast %swap3A_94 : i32 to index
    %swap3A_96 = arith.constant 0 : index
    %swap3A_97 = tpu.vector_load %arg8[%swap3A_95, %swap3A_96] {strides = array<i32>} : memref<8x16xf32, #tpu.memory_space<vmem>>, vector<16xf32>,
    tpu.vector_store %arg8[%swap3A_95, %swap3A_96], %select_n3A_86 {strides = array<i32>} : memref<8x16xf32, #tpu.memory_space<vmem>>, vector<16xf32>,
    %swap3A_98 = arith.constant 3 : i32
    %swap3A_99 = arith.index_cast %swap3A_98 : i32 to index
    %swap3A_100 = arith.constant 0 : index
    %swap3A_101 = tpu.vector_load %arg8[%swap3A_99, %swap3A_100] {strides = array<i32>} : memref<8x16xf32, #tpu.memory_space<vmem>>, vector<16xf32>,
    tpu.vector_store %arg8[%swap3A_99, %swap3A_100], %select_n3A_86 {strides = array<i32>} : memref<8x16xf32, #tpu.memory_space<vmem>>, vector<16xf32>,
    %swap3A_102 = arith.constant 4 : i32
    %swap3A_103 = arith.index_cast %swap3A_102 : i32 to index
    %swap3A_104 = arith.constant 0 : index
    %swap3A_105 = tpu.vector_load %arg8[%swap3A_103, %swap3A_104] {strides = array<i32>} : memref<8x16xf32, #tpu.memory_space<vmem>>, vector<16xf32>,
    tpu.vector_store %arg8[%swap3A_103, %swap3A_104], %select_n3A_86 {strides = array<i32>} : memref<8x16xf32, #tpu.memory_space<vmem>>, vector<16xf32>,
    %swap3A_106 = arith.constant 5 : i32
    %swap3A_107 = arith.index_cast %swap3A_106 : i32 to index
    %swap3A_108 = arith.constant 0 : index
    %swap3A_109 = tpu.vector_load %arg8[%swap3A_107, %swap3A_108] {strides = array<i32>} : memref<8x16xf32, #tpu.memory_space<vmem>>, vector<16xf32>,
    tpu.vector_store %arg8[%swap3A_107, %swap3A_108], %select_n3A_86 {strides = array<i32>} : memref<8x16xf32, #tpu.memory_space<vmem>>, vector<16xf32>,
    %swap3A_110 = arith.constant 6 : i32
    %swap3A_111 = arith.index_cast %swap3A_110 : i32 to index
    %swap3A_112 = arith.constant 0 : index
    %swap3A_113 = tpu.vector_load %arg8[%swap3A_111, %swap3A_112] {strides = array<i32>} : memref<8x16xf32, #tpu.memory_space<vmem>>, vector<16xf32>,
    tpu.vector_store %arg8[%swap3A_111, %swap3A_112], %select_n3A_86 {strides = array<i32>} : memref<8x16xf32, #tpu.memory_space<vmem>>, vector<16xf32>,
    %swap3A_114 = arith.constant 7 : i32
    %swap3A_115 = arith.index_cast %swap3A_114 : i32 to index
    %swap3A_116 = arith.constant 0 : index
    %swap3A_117 = tpu.vector_load %arg8[%swap3A_115, %swap3A_116] {strides = array<i32>} : memref<8x16xf32, #tpu.memory_space<vmem>>, vector<16xf32>,
    tpu.vector_store %arg8[%swap3A_115, %swap3A_116], %select_n3A_86 {strides = array<i32>} : memref<8x16xf32, #tpu.memory_space<vmem>>, vector<16xf32>,
    %mul3A_118 = arith.constant 8 : i32
    %mul3A_119 = arith.muli %add3A, %mul3A_118 : i32
    "tpu.region"() ({
      %run_scoped3A = tpu.sem_alloc : memref<!tpu.dma_semaphore, #tpu.memory_space<semaphore_mem>>
      %dma_start3A_120 = arith.constant 0 : i32
      %dma_start3A_121 = tpu.memref_slice %arg4[%mul3A_119, %dma_start3A_120] : memref<256x16xf32, #tpu.memory_space<hbm>> -> memref<8x16xf32, #tpu.memory_space<hbm>>
      %dma_start3A_122 = arith.constant 0 : i32
      %dma_start3A_123 = tpu.memref_slice %arg4[%mul3A_119, %dma_start3A_122] : memref<256x16xf32, #tpu.memory_space<hbm>> -> memref<8x16xf32, #tpu.memory_space<hbm>>
      tpu.enqueue_dma source(%arg8 : memref<8x16xf32, #tpu.memory_space<vmem>>) target(%dma_start3A_123 : memref<8x16xf32, #tpu.memory_space<hbm>>) target_semaphore(%run_scoped3A : memref<!tpu.dma_semaphore, #tpu.memory_space<semaphore_mem>>)
      %dma_wait3A_124 = arith.constant 0 : i32
      %dma_wait3A_125 = tpu.memref_slice %arg4[%mul3A_119, %dma_wait3A_124] : memref<256x16xf32, #tpu.memory_space<hbm>> -> memref<8x16xf32, #tpu.memory_space<hbm>>
      %dma_wait3A_126 = arith.constant 0 : i32
      %dma_wait3A_127 = tpu.memref_slice %arg4[%mul3A_119, %dma_wait3A_126] : memref<256x16xf32, #tpu.memory_space<hbm>> -> memref<8x16xf32, #tpu.memory_space<hbm>>
      tpu.wait_dma2 semaphore(%run_scoped3A : memref<!tpu.dma_semaphore, #tpu.memory_space<semaphore_mem>>) src(%arg8 : memref<8x16xf32, #tpu.memory_space<vmem>>) dst(%dma_wait3A_127 : memref<8x16xf32, #tpu.memory_space<hbm>>)
      tpu.yield
    }) : () -> ()
    return
  }
}

module attributes {stable_mosaic.version = 14 : i64} {
  func.func @_k2_body(%arg0: memref<256x16xf32, #tpu.memory_space<vmem>>, %arg1: memref<1x64xf32, #tpu.memory_space<vmem>>, %arg2: memref<15625x64xf32, #tpu.memory_space<vmem>>) attributes {dimension_semantics = [], scalar_prefetch = 0 : i64, scratch_operands = 0 : i64, tpu.core_type = #tpu.core_type<tc>} {
    %get3A = arith.constant 0 : index
    %get3A_0 = arith.constant 0 : index
    %get3A_1 = vector.load %arg0[%get3A, %get3A_0] : memref<256x16xf32, #tpu.memory_space<vmem>>, vector<256x16xf32>
    %get3A_2 = arith.constant 0 : index
    %get3A_3 = arith.constant 0 : index
    %get3A_4 = vector.load %arg1[%get3A_2, %get3A_3] : memref<1x64xf32, #tpu.memory_space<vmem>>, vector<1x64xf32>
    %mul3A = arith.mulf %get3A_4, %get3A_4 : vector<1x64xf32>
    %reduce_sum3A = vector.shape_cast %mul3A : vector<1x64xf32> to vector<1x1x64xf32>
    %reduce_sum3A_5 = arith.constant dense<0.000000e+00> : vector<1xf32>
    %reduce_sum3A_6 = vector.multi_reduction <add>, %reduce_sum3A, %reduce_sum3A_5 [1, 2] : vector<1x1x64xf32> to vector<1xf32>
    %reduce_sum3A_7 = vector.shape_cast %reduce_sum3A_6 : vector<1xf32> to vector<1x1x1xf32>
    %reduce_sum3A_8 = vector.extract %reduce_sum3A_7[0, 0, 0] : f32 from vector<1x1x1xf32>
    %sqrt3A = math.sqrt %reduce_sum3A_8 : f32
    %slice3A = vector.extract_strided_slice %get3A_1 {offsets = [0, 0], sizes = [256, 1], strides = [1, 1]} : vector<256x16xf32> to vector<256x1xf32>
    %squeeze3A = vector.shape_cast %slice3A : vector<256x1xf32> to vector<256xf32>
    %slice3A_9 = vector.extract_strided_slice %get3A_1 {offsets = [0, 1], sizes = [256, 1], strides = [1, 1]} : vector<256x16xf32> to vector<256x1xf32>
    %squeeze3A_10 = vector.shape_cast %slice3A_9 : vector<256x1xf32> to vector<256xf32>
    %slice3A_11 = vector.extract_strided_slice %get3A_1 {offsets = [0, 2], sizes = [256, 1], strides = [1, 1]} : vector<256x16xf32> to vector<256x1xf32>
    %squeeze3A_12 = vector.shape_cast %slice3A_11 : vector<256x1xf32> to vector<256xf32>
    %slice3A_13 = vector.extract_strided_slice %get3A_1 {offsets = [0, 3], sizes = [256, 1], strides = [1, 1]} : vector<256x16xf32> to vector<256x1xf32>
    %squeeze3A_14 = vector.shape_cast %slice3A_13 : vector<256x1xf32> to vector<256xf32>
    %div3A = arith.divf %squeeze3A, %squeeze3A_14 : vector<256xf32>
    %reduce_max3A = vector.shape_cast %div3A : vector<256xf32> to vector<1x256xf32>
    %reduce_max3A_15 = arith.constant dense<0xFF800000> : vector<1xf32>
    %reduce_max3A_16 = vector.multi_reduction <maximumf>, %reduce_max3A, %reduce_max3A_15 [1] : vector<1x256xf32> to vector<1xf32>
    %reduce_max3A_17 = vector.shape_cast %reduce_max3A_16 : vector<1xf32> to vector<1x1xf32>
    %reduce_max3A_18 = vector.extract %reduce_max3A_17[0, 0] : f32 from vector<1x1xf32>
    %eq3A = vector.broadcast %reduce_max3A_18 : f32 to vector<256xf32>
    %eq3A_19 = arith.cmpf oeq, %div3A, %eq3A : vector<256xf32>
    %jit3A = arith.constant 2.14748365E+9 : f32
    %broadcast_in_dim3A = vector.broadcast %jit3A : f32 to vector<256xf32>
    %select_n3A = arith.select %eq3A_19, %squeeze3A_10, %broadcast_in_dim3A : vector<256xi1>, vector<256xf32>
    %reduce_min3A = vector.shape_cast %select_n3A : vector<256xf32> to vector<1x256xf32>
    %reduce_min3A_20 = arith.constant dense<0x7F800000> : vector<1xf32>
    %reduce_min3A_21 = vector.multi_reduction <minimumf>, %reduce_min3A, %reduce_min3A_20 [1] : vector<1x256xf32> to vector<1xf32>
    %reduce_min3A_22 = vector.shape_cast %reduce_min3A_21 : vector<1xf32> to vector<1x1xf32>
    %reduce_min3A_23 = vector.extract %reduce_min3A_22[0, 0] : f32 from vector<1x1xf32>
    %eq3A_24 = vector.broadcast %reduce_min3A_23 : f32 to vector<256xf32>
    %eq3A_25 = arith.cmpf oeq, %squeeze3A_10, %eq3A_24 : vector<256xf32>
    %and3A = arith.andi %eq3A_19, %eq3A_25 : vector<256xi1>
    %jit3A_26 = arith.constant 0.000000e+00 : f32
    %broadcast_in_dim3A_27 = vector.broadcast %jit3A_26 : f32 to vector<256xf32>
    %select_n3A_28 = arith.select %and3A, %squeeze3A_12, %broadcast_in_dim3A_27 : vector<256xi1>, vector<256xf32>
    %reduce_sum3A_29 = vector.shape_cast %select_n3A_28 : vector<256xf32> to vector<1x256xf32>
    %reduce_sum3A_30 = arith.constant dense<0.000000e+00> : vector<1xf32>
    %reduce_sum3A_31 = vector.multi_reduction <add>, %reduce_sum3A_29, %reduce_sum3A_30 [1] : vector<1x256xf32> to vector<1xf32>
    %reduce_sum3A_32 = vector.shape_cast %reduce_sum3A_31 : vector<1xf32> to vector<1x1xf32>
    %reduce_sum3A_33 = vector.extract %reduce_sum3A_32[0, 0] : f32 from vector<1x1xf32>
    %jit3A_34 = arith.constant 0.000000e+00 : f32
    %broadcast_in_dim3A_35 = vector.broadcast %jit3A_34 : f32 to vector<256xf32>
    %select_n3A_36 = arith.select %and3A, %squeeze3A_14, %broadcast_in_dim3A_35 : vector<256xi1>, vector<256xf32>
    %reduce_sum3A_37 = vector.shape_cast %select_n3A_36 : vector<256xf32> to vector<1x256xf32>
    %reduce_sum3A_38 = arith.constant dense<0.000000e+00> : vector<1xf32>
    %reduce_sum3A_39 = vector.multi_reduction <add>, %reduce_sum3A_37, %reduce_sum3A_38 [1] : vector<1x256xf32> to vector<1xf32>
    %reduce_sum3A_40 = vector.shape_cast %reduce_sum3A_39 : vector<1xf32> to vector<1x1xf32>
    %reduce_sum3A_41 = vector.extract %reduce_sum3A_40[0, 0] : f32 from vector<1x1xf32>
    %sqrt3A_42 = math.sqrt %reduce_sum3A_41 : f32
    %mul3A_43 = arith.mulf %sqrt3A_42, %sqrt3A : f32
    %max3A = arith.constant 9.99999993E-9 : f32
    %max3A_44 = arith.maximumf %mul3A_43, %max3A : f32
    %div3A_45 = arith.divf %reduce_sum3A_33, %max3A_44 : f32
    %convert_element_type3A = arith.fptosi %reduce_min3A_23 : f32 to i32
    %iota3A = tpu.iota {dimensions = array<i32: 0>} : vector<15625x64xi32>
    %iota3A_46 = tpu.iota {dimensions = array<i32: 1>} : vector<15625x64xi32>
    %shift_right_logical3A = arith.constant 6 : i32
    %shift_right_logical3A_47 = arith.shrui %convert_element_type3A, %shift_right_logical3A : i32
    %eq3A_48 = vector.broadcast %shift_right_logical3A_47 : i32 to vector<15625x64xi32>
    %eq3A_49 = arith.cmpi eq, %iota3A, %eq3A_48 : vector<15625x64xi32>
    %and3A_50 = arith.constant 63 : i32
    %and3A_51 = arith.andi %convert_element_type3A, %and3A_50 : i32
    %eq3A_52 = vector.broadcast %and3A_51 : i32 to vector<15625x64xi32>
    %eq3A_53 = arith.cmpi eq, %iota3A_46, %eq3A_52 : vector<15625x64xi32>
    %and3A_54 = arith.andi %eq3A_49, %eq3A_53 : vector<15625x64xi1>
    %jit3A_55 = arith.constant 0.000000e+00 : f32
    %broadcast_in_dim3A_56 = vector.broadcast %div3A_45 : f32 to vector<15625x64xf32>
    %broadcast_in_dim3A_57 = vector.broadcast %jit3A_55 : f32 to vector<15625x64xf32>
    %select_n3A_58 = arith.select %and3A_54, %broadcast_in_dim3A_56, %broadcast_in_dim3A_57 : vector<15625x64xi1>, vector<15625x64xf32>
    %swap3A = arith.constant 0 : index
    %swap3A_59 = arith.constant 0 : index
    %swap3A_60 = vector.load %arg2[%swap3A, %swap3A_59] : memref<15625x64xf32, #tpu.memory_space<vmem>>, vector<15625x64xf32>
    tpu.vector_store %arg2[%swap3A, %swap3A_59], %select_n3A_58 {strides = array<i32>} : memref<15625x64xf32, #tpu.memory_space<vmem>>, vector<15625x64xf32>,
    return
  }
}

</mosaic_0001>

<sc_bundles>
// kernel: kernel.4.cloned.1.call-start
scs
__scs_entry_jumppad:
0x0: {  	(pc) =	sbr.rel $0x88, $3  }
0x1: {  	(tag) =	ssettag $0x0;
	lr =	simm.s32 $0x1  }
0x2: {  	[smem:$0x3F9F] =	sst lr;
	_ =	strace $0xD0000000  }
0x3: {  	_ = 	snop  }
0x4: {  	_ = 	snop  }
0x5: {  	_ = 	snop  }
0x6: {  	_ = 	snop  }
0x7: {  	_ = 	snop  }
__scs_overlays_trampoline_lowered:
0x8: {  	[smem:$0x3FAE] =	sst s0  }
0x9: {  	[smem:$0x3FAF] =	sst s1  }
0xa: {  	[smem:$0x3FB0] =	sst s2  }
0xb: {  	[smem:$0x3FB1] =	sst s3  }
0xc: {  	[smem:$0x3FB2] =	sst s4  }
0xd: {  	[smem:$0x3FB3] =	sst s5  }
0xe: {  	[smem:$0x3FB4] =	sst s6  }
0xf: {  	[smem:$0x3FB5] =	sst s7  }
0x10: {  	[smem:$0x3FB6] =	sst s8  }
0x11: {  	[smem:$0x3FB7] =	sst s9;
	s0 =	simm.s32 @!p0 $0x0  }
0x12: {  	s1 =	sld [smem:$0x3F9D];
	s0 =	simm.s32 @p0 $0x1  }
0x13: {  	[smem:$0x3FB8] =	sst s0;
	s0 =	simm.s32 @!p1 $0x0  }
0x14: {  	s2 =	sld [smem:$0x3F9C];
	s0 =	simm.s32 @p1 $0x1  }
0x15: {  	[smem:$0x3FB9] =	sst s0;
	s0 =	simm.s32 @!p2 $0x0  }
0x16: {  	s3 =	sld [smem:$0x3FDB];
	s0 =	simm.s32 @p2 $0x1  }
0x17: {  	s4 =	simm.s32 $0x1BF5;
	[smem:$0x3FBB] =	sst s0  }
0x18: {  	s0 =	sld [smem:$0x3F9E];
	_ =	swait.ge [sflag:s4], $0x0  }
0x19: {  	s7 =	sld [smem:$0x3F9F]  }
0x1a: {  	s8 =	sadd.s32 $0xFFFFE003, lr  }
0x1b: {  	s9 =	sadd.s32 $0xFFFFFEF7, lr;
	s5 =	simm.s32 $0xFFFFFFFF;
	p2 =	slt.u32 s8, $0xFFFFF086  }
0x1c: {  	p1 =	slt.u32 s9, $0xF7A;
	s5 =	simm.s32 @!p2 $0x0  }
0x1d: {  	s5 =	simm.s32 @p1 $0x1;
	p0 =	seq.s32 s7, s2  }
0x1e: {  	s7 =	smul.u32 @!p0 $0xF7A, s2;
	p2 =	seq.s32 @!p0 s5, $0x0  }
0x1f: {  	s9 =	smul.u32 $0xF7A, s1;
	s8 =	simm.s32 @!p0 $0x1BF5;
	p2 =	por !p2, p0  }
0x20: {  	[sflag:s8] =	ssyncset.s32 @!p0 $0xFFFFF086;
	s6 =	sadd.s32 @!p0 s3, s7;
	s7 =	simm.s32 @!p0 $0x108  }
0x21: {  	s3 =	sadd.s32 s3, s9;
	s6 =	sadd.s32 @!p0 $0x88, s6;
	s7 =	simm.s32 @p2 $0x1082  }
0x22: {  	[simem:s7], [sflag:s8] =	dma.local @!p0 [hbm:s6], $0xF7A  }
0x23: {  	s9 =	sor.u32 $0xD0000000, s2;
	s6 =	simm.s32 $0x108;
	_ =	swait.ge @!p0 [sflag:s8], $0x0  }
0x24: {  	s3 =	sadd.s32 $0x88, s3;
	s6 =	simm.s32 @!p1 $0x1082;
	[sflag:s4] =	ssyncset.s32 $0xFFFFF086  }
0x25: {  	[simem:s6], [sflag:s4] =	dma.local [hbm:s3], $0xF7A  }
0x26: {  	[smem:$0x3F9F] =	sst s1;
	(tag) =	ssettag s2;
	_ =	strace s9  }
0x27: {  	s1 =	sld [smem:$0x3FAF]  }
0x28: {  	s2 =	sld [smem:$0x3FB0]  }
0x29: {  	s4 =	sld [smem:$0x3FB2]  }
0x2a: {  	p0 =	seq.s32 s5, $0x0;
	s5 =	sld [smem:$0x3FB3]  }
0x2b: {  	s6 =	sld [smem:$0x3FB4]  }
0x2c: {  	s7 =	sld [smem:$0x3FB5]  }
0x2d: {  	s3 =	simm.s32 $0x108;
	s8 =	sld [smem:$0x3FB6]  }
0x2e: {  	s3 =	simm.s32 @!p0 $0x1082;
	s9 =	sld [smem:$0x3FB7]  }
0x2f: {  	lr =	sadd.s32 s0, s3;
	s0 =	sld [smem:$0x3FAE]  }
0x30: {  	s3 =	sld [smem:$0x3FB1]  }
0x31: {  	[smem:$0x3FBA] =	sst s10  }
0x32: {  	s10 =	sld [smem:$0x3FB8];
	_ =	sdelay $0x3  }
0x33: {  	p0 =	seq.s32 s10, $0x1;
	s10 =	sld [smem:$0x3FBA];
	_ =	sdelay $0x3  }
0x34: {  	[smem:$0x3FBA] =	sst s10  }
0x35: {  	s10 =	sld [smem:$0x3FB9];
	_ =	sdelay $0x3  }
0x36: {  	p1 =	seq.s32 s10, $0x1;
	s10 =	sld [smem:$0x3FBA];
	_ =	sdelay $0x3  }
0x37: {  	[smem:$0x3FBA] =	sst s10  }
0x38: {  	s10 =	sld [smem:$0x3FBB]  }
0x39: {  	_ = 	snop;
	(pc) =	sbr.ind lr, $3  }
0x3a: {  	_ = 	snop  }
0x3b: {  	_ = 	snop  }
0x3c: {  	p2 =	seq.s32 s10, $0x1;
	s10 =	sld [smem:$0x3FBA]  }
0x3d: {  	_ =	shalt  }
0x3e: {  	_ =	shalt  }
0x3f: {  	_ =	shalt  }
0x40: {  	_ =	shalt  }
0x41: {  	_ =	shalt  }
0x42: {  	_ =	shalt  }
0x43: {  	_ =	shalt  }
0x44: {  	_ =	shalt  }
0x45: {  	_ =	shalt  }
0x46: {  	_ =	shalt  }
0x47: {  	_ =	shalt  }
0x48: {  	_ =	shalt  }
0x49: {  	_ =	shalt  }
0x4a: {  	_ =	shalt  }
0x4b: {  	_ =	shalt  }
0x4c: {  	_ =	shalt  }
0x4d: {  	_ =	shalt  }
0x4e: {  	_ =	shalt  }
0x4f: {  	_ =	shalt  }
0x50: {  	_ =	shalt  }
0x51: {  	_ =	shalt  }
0x52: {  	_ =	shalt  }
0x53: {  	_ =	shalt  }
0x54: {  	_ =	shalt  }
0x55: {  	_ =	shalt  }
0x56: {  	_ =	shalt  }
0x57: {  	_ =	shalt  }
0x58: {  	_ =	shalt  }
0x59: {  	_ =	shalt  }
0x5a: {  	_ =	shalt  }
0x5b: {  	_ =	shalt  }
0x5c: {  	_ =	shalt  }
0x5d: {  	_ =	shalt  }
0x5e: {  	_ =	shalt  }
0x5f: {  	_ =	shalt  }
0x60: {  	_ =	shalt  }
0x61: {  	_ =	shalt  }
0x62: {  	_ =	shalt  }
0x63: {  	_ =	shalt  }
0x64: {  	_ =	shalt  }
0x65: {  	_ =	shalt  }
0x66: {  	_ =	shalt  }
0x67: {  	_ =	shalt  }
0x68: {  	_ =	shalt  }
0x69: {  	_ =	shalt  }
0x6a: {  	_ =	shalt  }
0x6b: {  	_ =	shalt  }
0x6c: {  	_ =	shalt  }
0x6d: {  	_ =	shalt  }
0x6e: {  	_ =	shalt  }
0x6f: {  	_ =	shalt  }
0x70: {  	_ =	shalt  }
0x71: {  	_ =	shalt  }
0x72: {  	_ =	shalt  }
0x73: {  	_ =	shalt  }
0x74: {  	_ =	shalt  }
0x75: {  	_ =	shalt  }
0x76: {  	_ =	shalt  }
0x77: {  	_ =	shalt  }
0x78: {  	_ =	shalt  }
0x79: {  	_ =	shalt  }
0x7a: {  	_ =	shalt  }
0x7b: {  	_ =	shalt  }
0x7c: {  	_ =	shalt  }
0x7d: {  	_ =	shalt  }
0x7e: {  	_ =	shalt  }
0x7f: {  	_ =	shalt  }
0x80: {  	_ =	shalt  }
0x81: {  	_ =	shalt  }
0x82: {  	_ =	shalt  }
0x83: {  	_ =	shalt  }
0x84: {  	_ =	shalt  }
0x85: {  	_ =	shalt  }
0x86: {  	_ =	shalt  }
0x87: {  	_ =	shalt  }
.Lfunc_end0:
.L_simem_size_0:
called_computation_lowered:
.L_overlay_start_0:
0x88: {  	s2 =	sld [smem:$0x3FD9]  }
0x89: {  	s3 =	sld [smem:$0x3FFE];
	_ =	sdelay $0x1  }
0x8a: {  	s1 =	srdreg.scid  }
0x8b: {  	s0 =	sand.u32 $0x1, s1  }
0x8c: {  	s17 =	sshll.u32 s0, $0xA;
	s2 =	sadd.s32 s3, s2  }
0x8d: {  	s2 =	sadd.s32 s2, s17  }
0x8e: {  	[smem:$0x3FC6] =	sst s2  }
0x8f: {  	_ = 	snop  }
0x90: {  	s2 =	sld [smem:$0x3FC9]  }
0x91: {  	s18 =	sld [smem:$0x3FD0];
	(tm) =	ssettm $0x1  }
0x92: {  	s4 =	sld [smem:$0x3FFB];
	_ =	sdelay $0x3  }
0x93: {  	_ =	strace s4  }
0x94: {  	s4 =	sld [smem:$0x3FFC];
	_ =	sdelay $0x3  }
0x95: {  	_ =	strace s4  }
0x96: {  	s4 =	sld [smem:$0x3FFD];
	_ =	sdelay $0x3  }
0x97: {  	_ =	strace s4  }
0x98: {  	_ =	strace $0x8FFFFFFF  }
0x99: {  	s19 =	sld [smem:$0x3FDB];
	_ =	sdelay $0x1  }
0x9a: {  	s5 =	simm.s32 $_scs_section_size  }
0x9b: {  	s6 =	simm.s32 $_size__tile_overlayer_lowered;
	s7 =	simm.s32 $_tile_overlayer_lowered  }
0x9c: {  	s22 =	simm.s32 $0x1BFF;
	s21 =	sshll.u32 s7, $0x1;
	s4 =	sadd.s32 s5, s19  }
0x9d: {  	s8 =	simm.s32 $0x0;
	s20 =	sshll.u32 s6, $0x1;
	s6 =	sadd.s32 s21, s4  }
0x9e: {  	[timem:s8], [sflag:s22] =	dma.local [hbm:s6], s20  }
0x9f: {  	_ =	swait.ge [sflag:s22], s20  }
0xa0: {  	s5 =	ssub.s32 $0x0, s20;
	[sflag:s22] =	ssyncset.done $0x0  }
0xa1: {  	[sflag:s22] =	ssyncadd.s32 s5;
	_ =	sdelay $0x1  }
0xa2: {  	s23 =	simm.s32 $0x1B8B  }
0xa3: {  	_ =	swait.ge [sflag:s23], $0x1  }
0xa4: {  	[sflag:s23] =	ssyncset.done $0x0  }
0xa5: {  	s25 =	simm.s32 $0x1B8E;
	s24 =	sld [smem:$0x3FFE];
	[sflag:s23] =	ssyncadd.s32 $0xFFFFFFFF  }
0xa6: {  	s26 =	simm.s32 $execute0_lowered;
	[smem:$0x3FD2] =	sst s25  }
0xa7: {  	s6 =	sshll.u32 s26, $0x1;
	_ =	strace $0x80000046;
	[dreg:$0x1] =	wrdreg $0xFFFFFFFF  }
0xa8: {  	s28 =	simm.s32 $_size_execute0_lowered;
	s4 =	sadd.s32 s4, s6;
	[dreg:$0x0] =	wrdreg $0x0  }
0xa9: {  	s6 =	sshll.u32 s28, $0x1;
	[dreg:$0x2] =	wrdreg s4  }
0xaa: {  	[dreg:$0x3] =	wrdreg s6  }
0xab: {  	[dreg:$0x4] =	wrdreg $0xC0  }
0xac: {  	_ =	task [dreg:s8], $0x5FFFF  }
0xad: {  	[dreg:$0x1] =	wrdreg $0xFFFFFFFF  }
0xae: {  	[dreg:$0x0] =	wrdreg $0x60  }
0xaf: {  	[dreg:$0x2] =	wrdreg s2  }
0xb0: {  	[dreg:$0x3] =	wrdreg s24  }
0xb1: {  	[dreg:$0x4] =	wrdreg s18  }
0xb2: {  	[dreg:$0x5] =	wrdreg $0x9  }
0xb3: {  	_ =	task.clear_ibuf [dreg:s8], $0x6FFFF;
	_ =	strace $0x90000046  }
0xb4: {  	s29 =	simm.s32 $0x9;
	_ =	strace $0x80000048  }
0xb5: {  	_ =	swait.ge [sflag:s29], $0x1  }
0xb6: {  	[sflag:s29] =	ssyncadd.s32 $0xFFFFFFFF  }
0xb7: {  	_ =	strace $0x90000048  }
0xb8: {  	_ =	sfence  }
0xb9: {  	s30 =	sld [smem:$0x0];
	_ =	sdelay $0x2  }
0xba: {  	s31 =	sshll.u32 s1, $0xD;
	s1 =	sshrl.u32 s1, $0x2  }
0xbb: {  	s3 =	sand.u32 $0x4000, s31;
	s1 =	sadd.s32 s1, s30  }
0xbc: {  	s0 =	sor.u32 s3, s0;
	s1 =	sshll.u32 s1, $0x11  }
0xbd: {  	s0 =	sor.u32 s1, s0  }
0xbe: {  	s0 =	sadd.s32 $0x8F2B, s0  }
0xbf: {  	[sflag:s0] =	ssyncadd.remote.s32 $0x1  }
0xc0: {  	_ =	sfence.sel $0xFFFF  }
0xc1: {  	[dreg:$0x0] =	wrdreg $0xFFFFFFFF;
	(pc) =	sbr.abs _section_cstart, $3  }
0xc2: {  	[dreg:$0x1] =	wrdreg $0xFFFFFFFF  }
0xc3: {  	_ =	task.clear_ibuf [dreg:s8], $0x2FFFF;
	_ =	strace $0x9FFFFFFF  }
0xc4: {  	(tm) =	ssettm $0x7FFFFFFF  }
0xc5: {  	_ =	shalt  }
tec
execute0_lowered:
.L_overlay_start_1:
0x0: {  	(tag) =	ssettag $0x1  }
0x1: {  	s0 =	rddreg [dreg:$0x1];
	s1 =	srdreg.scid  }
0x2: {  	s3 =	stileid.u32;
	s2 =	rddreg [dreg:$0x2]  }
0x3: {  	s16 =	simm.s32 $0x0;
	s1 =	sand.u32 $0x1, s1;
	s4 =	sshll.u32 s3, $0x1  }
0x4: {  	[smem:$0x7FF] =	sst s16;
	s9 =	sadd.s32 $0x800, s0;
	s25 =	smul.u32 $0xF420, s3  }
0x5: {  	s0 =	sadd.s32 $0xF42800, s0;
	s5 =	sor.u32 s1, s4;
	_ =	strace $0x80000047  }
0x6: {  	s6 =	ssub.s32 $0x2, s1;
	[dreg:$0x5] =	wrdreg s9;
	s1 =	smul.u32 $0x7A10, s1  }
0x7: {  	[dreg:$0xa] =	wrdreg s0;
	s4 =	smul.u32 $0x3D0800, s5  }
0x8: {  	s7 =	sshrl.u32 s6, $0x1;
	s8 =	smul.u32 $0x7A100, s5;
	s28 =	sshll.u32 s5, $0x7  }
0x9: {  	s24 =	smul.u32 $0x7A10, s5;
	[dreg:$0x4] =	wrdreg s5;
	s30 =	sadd.s32 s2, s28  }
0xa: {  	s6 =	ssub.s32 s6, s7;
	s8 =	sadd.s32 s9, s8;
	[dreg:$0xb] =	wrdreg s30  }
.Ltmp0:
0xb: {  	s26 =	sadd.s32 $0x3E0, s24;
	[dreg:$0x6] =	wrdreg s8;
	(pc) =	sbr.rel .LBB2_1-.Ltmp0, $4  }
0xc: {  	vm0 =	vcmask $0x300;
	v0 =	vimm.f32 $0.0e+00;
	s4 =	sshrl.u32 s4, $0x3;
	s29 =	sadd.s32 $0x5D0, s24;
	[dreg:$0x8] =	wrdreg s26  }
0xd: {  	vm1 =	vcmask $0x704;
	v0 =	vsel vm0, $0xFF800000, v0;
	s31 =	smax.u32 s6, $0x1;
	s4 =	sadd.s32 s9, s4;
	[dreg:$0x9] =	wrdreg s29  }
0xe: {  	s17 =	simm.s32 $0x3;
	vm2 =	vcmask $0xF0C;
	v0 =	vsel vm1, $0x4EEE6B28, v0;
	[dreg:$0xc] =	wrdreg s31;
	s4 =	sadd.s32 $0x1F00, s4  }
0xf: {  	vm3 =	vcmask $0xB08;
	v0 =	vsel vm2, $0x3F800000, v0;
	s13 =	sadd.s32 s1, s25;
	s2 =	simm.s32 $0x0;
	[dreg:$0x7] =	wrdreg s4  }
.LBB2_11:
0x10: {  	s2 =	rddreg [dreg:$0xd]  }
.LBB2_15:
0x11: {  	[tilespmem:$0x1F100] =	vst v0  }
0x12: {  	[tilespmem:$0x1F180] =	vst v0  }
0x13: {  	s0 =	scvt.s32.f32 s24;
	v1 =	vmov s23;
	[tilespmem:$0x1F200] =	vst v0  }
0x14: {  	[tilespmem:$0x1F280] =	vst v0;
	v1 =	vnsel vm0, $0x0, v1  }
0x15: {  	[tilespmem:$0x1F300] =	vst v0;
	v1 =	vsel vm1, s0, v1  }
0x16: {  	[tilespmem:$0x1F380] =	vst v0;
	v1 =	vsel vm3, s22, v1  }
0x17: {  	[tilespmem:$0x1F400] =	vst v0;
	v1 =	vsel vm2, s21, v1  }
0x18: {  	s30 =	rddreg [dreg:$0xb];
	s1 =	simm.s32 $0x1F080;
	[tilespmem:$0x1F080] =	vst v1  }
0x19: {  	[hbm4b:s30+s16] =	stream.linear.scatter [tilespmem:s1], [sflag:$0x3], $0x400, $0x38;
	[tilespmem:$0x1F480] =	vst v63  }
0x1a: {  	_ =	swait.ge [sflag:s17], $0x400  }
0x1b: {  	s2 =	sadd.s32 $0x1, s2;
	s31 =	rddreg [dreg:$0xc]  }
0x1c: {  	p0 =	sne.s32 s2, s31  }
.Ltmp1:
0x1d: {  	_ = 	snop;
	(pc) =	sbr.rel @!p0 .LBB2_16-.Ltmp1, $3  }
0x1e: {  	_ =	sdelay $0x1  }
0x1f: {  	[sflag:s17] =	ssyncset.done $0x0  }
0x20: {  	[sflag:s17] =	ssyncadd.s32 $0xFFFFFC00  }
.LBB2_1:
0x21: {  	[dreg:$0xd] =	wrdreg s2  }
0x22: {  	s0 =	rddreg [dreg:$0x0]  }
0x23: {  	[tilespmem:s16], [sflag:$0x3] =	stream.linear.gather [hbm4b:s0+s16], $0x80, $0x38;
	[tilespmem:$0x1F480] =	vst v63  }
0x24: {  	_ =	swait.ge [sflag:s17], $0x80  }
0x25: {  	[sflag:s17] =	ssyncset.done $0x0  }
0x26: {  	[sflag:s17] =	ssyncadd.s32 $0xFFFFFF80  }
0x27: {  	s1 =	simm.s32 $0x80;
	v3 =	vld [tilespmem:$0x0]  }
0x28: {  	s31 =	simm.s32 $0xF880;
	s23 =	simm.f32 $-Inf;
	s21 =	simm.f32 $1.000000000e+00;
	v4 =	vld [tilespmem:$0x10]  }
0x29: {  	s22 =	simm.f32 $0.0e+00;
	s25 =	smov.u32 s13;
	s29 =	rddreg [dreg:$0x6];
	v2 =	vld [tilespmem:$0x20]  }
0x2a: {  	v1 =	vld [tilespmem:$0x30];
	[tilespmem:s1], [sflag:$0x1] =	stream.linear.gather [hbm4b:s29+s16], $0xF800, $0x38  }
0x2b: {  	s24 =	simm.s32 $0x0;
	s3 =	simm.s32 $0x0;
	s30 =	rddreg [dreg:$0x7]  }
0x2c: {  	[tilespmem:s31], [sflag:$0x2] =	stream.linear.gather [hbm4b:s30+s16], $0xF800, $0x38;
	[tilespmem:$0x1F480] =	vst v63  }
.LBB2_2:
0x2d: {  	s0 =	simm.s32 $0x1  }
0x2e: {  	_ =	swait.ge [sflag:s0], $0xF800  }
0x2f: {  	[sflag:s0] =	ssyncset.done $0x0  }
0x30: {  	s4 =	simm.s32 $0x280;
	[sflag:s0] =	ssyncadd.s32 $0xFFFF0800  }
0x31: {  	v5 =	vld [tilespmem:s4+$0xFFFFFE10]  }
0x32: {  	v6 =	vld [tilespmem:s4+$0xFFFFFE00]  }
0x33: {  	v7 =	vld [tilespmem:s4+$0x110]  }
0x34: {  	v8 =	vld [tilespmem:s4+$0xFFFFFE20]  }
0x35: {  	v9 =	vld [tilespmem:s4+$0x100]  }
0x36: {  	v10 =	vld [tilespmem:s4+$0xFFFFFE30]  }
0x37: {  	v11 =	vmul.f32 v5, v5;
	v12 =	vmul.f32 v6, v3  }
0x38: {  	v20 =	vld [tilespmem:s4+$0xFFFFFE80];
	v5 =	vmul.f32 v5, v4;
	v6 =	vmul.f32 v6, v6  }
0x39: {  	v13 =	vld [tilespmem:s4+$0x120];
	v14 =	vmul.f32 v8, v2;
	v16 =	vmul.f32 v7, v4  }
0x3a: {  	v17 =	vld [tilespmem:s4+$0xFFFFFE90];
	v18 =	vmul.f32 v9, v9;
	v9 =	vmul.f32 v9, v3  }
0x3b: {  	v15 =	vld [tilespmem:s4+$0x130];
	v8 =	vmul.f32 v8, v8;
	v19 =	vmul.f32 v10, v1;
	v5 =	vadd.f32 v5, v12  }
0x3c: {  	v7 =	vmul.f32 v7, v7;
	v6 =	vadd.f32 v11, v6;
	v9 =	vadd.f32 v16, v9;
	v16 =	vld [tilespmem:s4+$0xFFFFFF00]  }
0x3d: {  	v10 =	vmul.f32 v10, v10;
	v21 =	vmul.f32 v20, v3;
	v11 =	vld [tilespmem:s4+$0xFFFFFEA0];
	v5 =	vadd.f32 v14, v5  }
0x3e: {  	v12 =	vmul.f32 v13, v2;
	v7 =	vadd.f32 v7, v18;
	v6 =	vadd.f32 v8, v6;
	v8 =	vld [tilespmem:s4+$0xFFFFFF10]  }
0x3f: {  	v18 =	vld [tilespmem:s4+$0xFFFFFEB0];
	v13 =	vmul.f32 v13, v13;
	v5 =	vadd.f32 v19, v5;
	v19 =	vmul.f32 v17, v4  }
0x40: {  	v55 =	vld [tilespmem:s4+$0xFFFFFF20];
	v6 =	vadd.f32 v10, v6;
	v10 =	vmul.f32 v17, v17;
	v17 =	vmul.f32 v20, v20  }
0x41: {  	v14 =	vmul.f32 v15, v1;
	v9 =	vadd.f32 v12, v9;
	v56 =	vmul.f32 v16, v3  }
0x42: {  	v12 =	vadd.f32 v19, v21;
	v19 =	vmul.f32 v11, v2;
	v10 =	vadd.f32 v10, v17;
	v17 =	vld [tilespmem:s4+$0xFFFFFF30]  }
0x43: {  	v9 =	vadd.f32 v14, v9;
	v11 =	vmul.f32 v11, v11;
	v14 =	vmul.f32 v8, v4  }
0x44: {  	(xrf2) =	vadd.scan.msk.f32 $0xffff, v5;
	v5 =	vmul.f32 v18, v18;
	v12 =	vadd.f32 v19, v12;
	v19 =	vmul.f32 v18, v1  }
0x45: {  	v10 =	vadd.f32 v11, v10;
	v11 =	vadd.f32 v14, v56;
	v14 =	vmul.f32 v55, v2  }
0x46: {  	v7 =	vadd.f32 v13, v7;
	v13 =	vmul.f32 v15, v15;
	(xrf2) =	vadd.scan.msk.f32 $0xffff, v6;
	v6 =	vadd.f32 v19, v12  }
0x47: {  	(xrf2) =	vadd.scan.msk.f32 $0xffff, v9;
	v5 =	vadd.f32 v5, v10;
	v9 =	vadd.f32 v14, v11;
	v10 =	vmul.f32 v17, v1  }
0x48: {  	v7 =	vadd.f32 v13, v7;
	(xrf2) =	vadd.scan.msk.f32 $0xffff, v6  }
0x49: {  	(xrf2) =	vadd.scan.msk.f32 $0xffff, v5;
	v5 =	vadd.f32 v10, v9  }
0x4a: {  	(xrf2) =	vadd.scan.msk.f32 $0xffff, v7  }
0x4b: {  	v6 =	vld [tilespmem:s4+$0x180];
	(xrf2) =	vadd.scan.msk.f32 $0xffff, v5  }
0x4c: {  	v7 =	vld [tilespmem:s4+$0x190]  }
0x4d: {  	v9 =	vld [tilespmem:s4+$0x1A0];
	_ =	sdelay $0x1  }
0x4e: {  	v10, _, _ =	vpop (xrf2)  }
0x4f: {  	v12 =	vld [tilespmem:s4+$0x1B0];
	v11, _, _ =	vpop (xrf2);
	v13 =	vmul.f32 v6, v3;
	v6 =	vmul.f32 v6, v6  }
0x50: {  	v5, _, _ =	vpop (xrf2);
	v14 =	vmul.f32 v7, v4;
	v7 =	vmul.f32 v7, v7  }
0x51: {  	v8 =	vmul.f32 v8, v8;
	(v2sf) =	vpush v10, $0xF;
	v15 =	vmul.f32 v9, v2;
	v10, _, _ =	vpop (xrf2)  }
0x52: {  	v6 =	vadd.f32 v7, v6;
	v7 =	vmul.f32 v9, v9;
	v9 =	vld [tilespmem:s4+$0xFFFFFF90];
	(v2sf) =	vpush v10, $0xF;
	v10, _, _ =	vpop (xrf2)  }
0x53: {  	v13 =	vadd.f32 v14, v13;
	v14 =	vmul.f32 v16, v16;
	v16 =	vld [tilespmem:s4+$0xFFFFFF80];
	(v2sf) =	vpush v10, $0xF;
	v10, _, _ =	vpop (xrf2)  }
0x54: {  	v18 =	vld [tilespmem:s4+$0xFFFFFFA0];
	v6 =	vadd.f32 v7, v6;
	v7 =	vmul.f32 v12, v12;
	(v2sf) =	vpush v10, $0xF;
	v10, _, _ =	vpop (xrf2)  }
0x55: {  	v8 =	vadd.f32 v8, v14;
	v14 =	vld [tilespmem:s4+$0xFFFFFFB0];
	(v2sf) =	vpush v10, $0xF;
	v10 =	vmul.f32 v55, v55  }
0x56: {  	(v2sf) =	vpush v11, $0xF;
	v11 =	vmul.f32 v12, v1;
	v12 =	vadd.f32 v15, v13;
	v13 =	vld [tilespmem:s4+$0x10]  }
0x57: {  	v6 =	vadd.f32 v7, v6;
	v7 =	vadd.f32 v10, v8;
	v8 =	vmul.f32 v17, v17;
	v10 =	vld [tilespmem:s4+$0x0]  }
0x58: {  	v15 =	vmul.f32 v16, v3;
	v11 =	vadd.f32 v11, v12;
	v12 =	vmul.f32 v9, v4  }
0x59: {  	v7 =	vadd.f32 v8, v7;
	v8 =	vmul.f32 v9, v9;
	v9 =	vmul.f32 v16, v16;
	v16 =	vld [tilespmem:s4+$0x20]  }
0x5a: {  	v17 =	vmul.f32 v18, v18;
	v12 =	vadd.f32 v12, v15;
	v15 =	vmul.f32 v18, v2  }
0x5b: {  	(xrf2) =	vadd.scan.msk.f32 $0xffff, v7;
	v7 =	vadd.f32 v8, v9;
	v8 =	vmul.f32 v14, v1;
	v9 =	vmul.f32 v14, v14;
	v14 =	vld [tilespmem:s4+$0x30]  }
0x5c: {  	v12 =	vadd.f32 v15, v12;
	v15 =	vmul.f32 v13, v13;
	v18 =	vmul.f32 v10, v10  }
0x5d: {  	v13 =	vmul.f32 v13, v4;
	v10 =	vmul.f32 v10, v3;
	v7 =	vadd.f32 v17, v7  }
0x5e: {  	(xrf2) =	vadd.scan.msk.f32 $0xffff, v11;
	v8 =	vadd.f32 v8, v12;
	v12 =	vadd.f32 v15, v18;
	v15 =	vmul.f32 v16, v16  }
0x5f: {  	(xrf2) =	vadd.scan.msk.f32 $0xffff, v6;
	v6 =	vmul.f32 v16, v2;
	v7 =	vadd.f32 v9, v7;
	v9 =	vadd.f32 v13, v10  }
0x60: {  	v10 =	vadd.f32 v15, v12;
	v11 =	vmul.f32 v14, v14;
	(xrf2) =	vadd.scan.msk.f32 $0xffff, v8  }
0x61: {  	(xrf2) =	vadd.scan.msk.f32 $0xffff, v7;
	v6 =	vadd.f32 v6, v9;
	v7 =	vmul.f32 v14, v1  }
0x62: {  	s1 =	spop (v2sf);
	v8 =	vadd.f32 v11, v10  }
0x63: {  	s31 =	simm.s32 $0x680;
	s0 =	spop (v2sf);
	v6 =	vadd.f32 v7, v6  }
0x64: {  	v58 =	vld [tilespmem:s31+$0x120];
	s6 =	spop (v2sf);
	(xrf2) =	vadd.scan.msk.f32 $0xffff, v8  }
0x65: {  	v24 =	vld [tilespmem:s31+$0x130];
	s2 =	spop (v2sf);
	v7, _, _ =	vpop (xrf2);
	(xrf2) =	vadd.scan.msk.f32 $0xffff, v6  }
0x66: {  	s7 =	sand.u32 $0x7FFFFFFF, s1;
	s8 =	spop (v2sf);
	v8 =	vld [tilespmem:s4+$0x80]  }
0x67: {  	s7 =	smul.f32 s7, s1;
	s9 =	spop (v2sf);
	(v2sf) =	vpush v7, $0xF;
	v7 =	vld [tilespmem:s4+$0x90]  }
0x68: {  	v12 =	vld [tilespmem:s31+$0xFFFFFE10]  }
0x69: {  	s10 =	smul.f32 s7, s21;
	v9 =	vld [tilespmem:s4+$0xB0];
	s9 =	smax.f32 s9, $1.000000000e-30;
	v6, _, _ =	vpop (xrf2)  }
0x6a: {  	v60 =	vmul.f32 v24, v24;
	v11 =	vld [tilespmem:s4+$0xA0];
	s11 =	smul.f32 s9, s23;
	v10, _, _ =	vpop (xrf2)  }
0x6b: {  	s29 =	sadd.s32 $0xFFFFFFF8, s25;
	v17 =	vld [tilespmem:s31+$0xFFFFFE20];
	(v2sf) =	vpush v10, $0xF;
	v15 =	vmul.f32 v8, v3;
	v8 =	vmul.f32 v8, v8;
	v10, _, _ =	vpop (xrf2)  }
0x6c: {  	s12 =	sadd.s32 $0x8, s29;
	v21 =	vmul.f32 v58, v58;
	v14 =	vld [tilespmem:s31+$0xFFFFFE00];
	p0 =	seq.f32 s10, s11;
	(v2sf) =	vpush v10, $0xF;
	v10, _, _ =	vpop (xrf2);
	v13 =	vmul.f32 v7, v4  }
0x6d: {  	p1 =	slt.s32 s12, s24;
	v19 =	vmul.f32 v12, v12;
	v7 =	vmul.f32 v7, v7;
	(v2sf) =	vpush v10, $0xF;
	v10 =	vld [tilespmem:s31+$0x110]  }
0x6e: {  	v12 =	vmul.f32 v12, v4;
	v57 =	vmul.f32 v9, v9;
	p2 =	sgt.f32 s10, s11;
	p0 =	por !p1, !p0;
	v13 =	vadd.f32 v13, v15;
	v15 =	vld [tilespmem:s31+$0x100];
	v16, _, _ =	vpop (xrf2)  }
0x6f: {  	s11 =	sand.u32 $0x7FFFFFFF, s0;
	p0 =	por !p0, !p0;
	v7 =	vadd.f32 v7, v8;
	(v2sf) =	vpush v16, $0xF;
	v16 =	vmul.f32 v11, v2;
	v8, _, _ =	vpop (xrf2)  }
0x70: {  	v9 =	vmul.f32 v9, v1;
	s10 =	smul.f32 s11, s0;
	p0 =	por p2, p0;
	v11 =	vmul.f32 v11, v11;
	(v2sf) =	vpush v8, $0xF  }
0x71: {  	v18 =	vld [tilespmem:s31+$0xFFFFFE30];
	s21 =	smov.u32 @p0 s9;
	v8 =	vmul.f32 v14, v3;
	v14 =	vmul.f32 v14, v14;
	v13 =	vadd.f32 v16, v13  }
0x72: {  	v23 =	vld [tilespmem:s31+$0x190];
	s6 =	smax.f32 s6, $1.000000000e-30;
	s23 =	smov.u32 @p0 s7;
	s4 =	smul.f32 s21, s10;
	v7 =	vadd.f32 v11, v7;
	v11 =	vmul.f32 v17, v2;
	v22 =	vmul.f32 v10, v4  }
0x73: {  	s7 =	smul.f32 s23, s6;
	v16 =	vld [tilespmem:s31+$0x180];
	v17 =	vmul.f32 v17, v17;
	v25 =	vmul.f32 v15, v15  }
0x74: {  	v15 =	vmul.f32 v15, v3;
	v14 =	vadd.f32 v19, v14;
	v9 =	vadd.f32 v9, v13  }
0x75: {  	s9 =	sadd.s32 $0x9, s29;
	s24 =	smov.u32 @p0 s12;
	p5 =	seq.f32 s4, s7;
	v8 =	vadd.f32 v12, v8;
	v12 =	vmul.f32 v58, v2;
	v7 =	vadd.f32 v57, v7  }
0x76: {  	p6 =	slt.s32 s9, s24;
	v19 =	vld [tilespmem:s31+$0x1A0];
	v13 =	vmul.f32 v18, v1;
	v18 =	vmul.f32 v18, v18;
	(xrf2) =	vadd.scan.msk.f32 $0xffff, v9  }
0x77: {  	p3 =	sgt.f32 s4, s7;
	p1 =	por !p6, !p5;
	v14 =	vadd.f32 v17, v14;
	v8 =	vadd.f32 v11, v8;
	v11 =	vld [tilespmem:s31+$0xFFFFFE90];
	v9 =	vmul.f32 v10, v10;
	(xrf2) =	vadd.scan.msk.f32 $0xffff, v7  }
0x78: {  	s14 =	sand.u32 $0x7FFFFFFF, s8;
	p1 =	por !p1, !p1;
	v17 =	vmul.f32 v23, v4;
	v15 =	vadd.f32 v22, v15;
	v59 =	vmul.f32 v16, v16;
	v7 =	vld [tilespmem:s31+$0xFFFFFE80]  }
0x79: {  	s4 =	smul.f32 s14, s8;
	p1 =	por p3, p1;
	v10 =	vmul.f32 v16, v3;
	v8 =	vadd.f32 v13, v8;
	v9 =	vadd.f32 v9, v25  }
0x7a: {  	s15 =	spop (v2sf);
	s21 =	smov.u32 @p1 s6;
	v16 =	vmul.f32 v24, v1;
	v13 =	vadd.f32 v18, v14;
	v18 =	vld [tilespmem:s31+$0xFFFFFEA0];
	v12 =	vadd.f32 v12, v15  }
0x7b: {  	v61 =	vmul.f32 v23, v23;
	s12 =	smax.f32 s15, $1.000000000e-30;
	s23 =	smov.u32 @p1 s10;
	s6 =	smul.f32 s21, s4;
	v14 =	vmul.f32 v19, v2;
	(xrf2) =	vadd.scan.msk.f32 $0xffff, v8;
	v9 =	vadd.f32 v21, v9  }
0x7c: {  	s7 =	smul.f32 s23, s12;
	v8 =	vadd.f32 v17, v10;
	v17 =	vld [tilespmem:s31+$0xFFFFFEB0];
	v12 =	vadd.f32 v16, v12;
	v16 =	vmul.f32 v19, v19  }
0x7d: {  	s26 =	smul.u32 $0x3E0, s3;
	v62 =	vmul.f32 v11, v4;
	v10 =	vadd.f32 v60, v9;
	v9 =	vmul.f32 v7, v3  }
0x7e: {  	s24 =	smov.u32 @p1 s9;
	s9 =	sadd.s32 $0xA, s29;
	v15 =	vld [tilespmem:s31+$0x1B0];
	p4 =	seq.f32 s6, s7;
	v11 =	vmul.f32 v11, v11;
	(xrf2) =	vadd.scan.msk.f32 $0xffff, v13;
	v7 =	vmul.f32 v7, v7  }
0x7f: {  	[dreg:$0xe] =	wrdreg s3;
	p5 =	slt.s32 s9, s24;
	s19 =	spop (v2sf);
	v8 =	vadd.f32 v14, v8;
	v14 =	vmul.f32 v18, v2;
	v9 =	vadd.f32 v62, v9  }
0x80: {  	p6 =	sgt.f32 s6, s7;
	v13 =	vadd.f32 v61, v59;
	s30 =	spop (v2sf);
	p2 =	por !p5, !p4;
	v7 =	vadd.f32 v11, v7;
	v11 =	vmul.f32 v18, v18;
	v18, _, _ =	vpop (xrf2)  }
0x81: {  	s16 =	sand.u32 $0x7FFFFFFF, s30;
	s17 =	spop (v2sf);
	p2 =	por !p2, !p2;
	v9 =	vadd.f32 v14, v9;
	v14 =	vmul.f32 v17, v1;
	(xrf2) =	vadd.scan.msk.f32 $0xffff, v12;
	(v2sf) =	vpush v18, $0xF;
	v18, _, _ =	vpop (xrf2)  }
0x82: {  	s22 =	smov.u32 @p0 s1;
	v13 =	vadd.f32 v16, v13;
	v16 =	vld [tilespmem:s31+$0xFFFFFF10];
	s11 =	smul.f32 s16, s30;
	p3 =	por p6, p2;
	(v2sf) =	vpush v18, $0xF  }
0x83: {  	v63 =	vld [tilespmem:s31+$0xFFFFFF00];
	s1 =	simm.s32 $0x0;
	s22 =	smov.u32 @p1 s0;
	v19 =	vmul.f32 v15, v15;
	v15 =	vmul.f32 v15, v1;
	s21 =	smov.u32 @p3 s12;
	v9 =	vadd.f32 v14, v9  }
0x84: {  	s7 =	smax.f32 s17, $1.000000000e-30;
	s23 =	smov.u32 @p3 s4;
	s18 =	smul.f32 s21, s11;
	v11 =	vadd.f32 v11, v7;
	v17 =	vmul.f32 v17, v17  }
0x85: {  	s6 =	simm.s32 $0x8;
	v8 =	vadd.f32 v15, v8;
	s28 =	spop (v2sf);
	s20 =	smul.f32 s23, s7;
	v12 =	vld [tilespmem:s31+$0xFFFFFF20];
	v14, _, _ =	vpop (xrf2);
	(xrf2) =	vadd.scan.msk.f32 $0xffff, v9  }
0x86: {  	s24 =	smov.u32 @p3 s9;
	s12 =	sadd.s32 $0xB, s29;
	s4 =	smax.f32 s28, $1.000000000e-30;
	v7 =	vadd.f32 v19, v13;
	v17 =	vadd.f32 v17, v11  }
0x87: {  	s22 =	smov.u32 @p3 s8;
	s0 =	spop (v2sf);
	v15 =	vmul.f32 v16, v4;
	v13 =	vmul.f32 v16, v16;
	p4 =	seq.f32 s18, s20;
	v11 =	vld [tilespmem:s31+$0xFFFFFF30];
	(v2sf) =	vpush v14, $0xF  }
0x88: {  	p1 =	slt.s32 s12, s24;
	s8 =	sand.u32 $0x7FFFFFFF, s0;
	v16 =	vmul.f32 v63, v3;
	p2 =	sgt.f32 s18, s20;
	v14 =	vmul.f32 v63, v63;
	v9, _, _ =	vpop (xrf2);
	(xrf2) =	vadd.scan.msk.f32 $0xffff, v17  }
.LBB2_3:
0x89: {  	p1 =	por !p1, !p4;
	s9 =	smov.u32 s6;
	s6 =	sadd.s32 $0x8, s6  }
0x8a: {  	p0 =	slt.u32 s6, $0x1E8;
	v15 =	vadd.f32 v15, v16;
	v16 =	vmul.f32 v12, v2;
	v13 =	vadd.f32 v13, v14;
	p1 =	por !p1, !p1  }
0x8b: {  	s10 =	smul.f32 s8, s0;
	v12 =	vmul.f32 v12, v12;
	v14, _, _ =	vpop (xrf2);
	(xrf2) =	vadd.scan.msk.f32 $0xffff, v10;
	p1 =	por p2, p1  }
0x8c: {  	v10 =	vadd.f32 v16, v15;
	v15 =	vmul.f32 v11, v1;
	s21 =	smov.u32 @p1 s7;
	s24 =	smov.u32 @p1 s12  }
0x8d: {  	v13 =	vadd.f32 v12, v13;
	v11 =	vmul.f32 v11, v11;
	s23 =	smov.u32 @p1 s11;
	s7 =	smul.f32 s21, s10;
	(v2sf) =	vpush v5, $0xF;
	v5 =	vmovc v14  }
0x8e: {  	s22 =	smov.u32 @p1 s30;
	s12 =	sadd.s32 $0xC, s29;
	s11 =	smul.f32 s23, s4;
	v10 =	vadd.f32 v15, v10  }
0x8f: {  	p2 =	slt.s32 s12, s24;
	v11 =	vadd.f32 v11, v13;
	v12, _, _ =	vpop (xrf2)  }
0x90: {  	p3 =	seq.f32 s7, s11;
	(xrf2) =	vadd.scan.msk.f32 $0xffff, v10;
	s8 =	spop (v2sf)  }
0x91: {  	p1 =	sgt.f32 s7, s11;
	(v2sf) =	vpush v12, $0xF;
	s11 =	sand.u32 $0x7FFFFFFF, s8;
	s7 =	spop (v2sf)  }
0x92: {  	p2 =	por !p2, !p3;
	v10 =	vld [tilespmem:s31+$0xFFFFFF90];
	v12, _, _ =	vpop (xrf2);
	s7 =	smax.f32 s7, $1.000000000e-30;
	s11 =	smul.f32 s11, s8  }
0x93: {  	p2 =	por !p2, !p2;
	v13 =	vld [tilespmem:s31+$0xFFFFFF80];
	(v2sf) =	vpush v12, $0xF;
	(xrf2) =	vadd.scan.msk.f32 $0xffff, v11  }
0x94: {  	p1 =	por p1, p2  }
0x95: {  	s23 =	smov.u32 @p1 s10;
	s21 =	smov.u32 @p1 s4;
	v11 =	vld [tilespmem:s31+$0xFFFFFFA0];
	v12, _, _ =	vpop (xrf2);
	(v2sf) =	vpush v6, $0xF  }
0x96: {  	s10 =	smul.f32 s21, s11;
	s4 =	spop (v2sf);
	(v2sf) =	vpush v12, $0xF;
	(xrf2) =	vadd.scan.msk.f32 $0xffff, v8  }
0x97: {  	s14 =	sadd.s32 $0xD, s29;
	s24 =	smov.u32 @p1 s12;
	s15 =	smul.f32 s23, s7;
	v6 =	vld [tilespmem:s31+$0xFFFFFFB0];
	v8 =	vmul.f32 v10, v4;
	v10 =	vmul.f32 v10, v10  }
0x98: {  	s22 =	smov.u32 @p1 s0;
	s12 =	sand.u32 $0x7FFFFFFF, s4;
	v14 =	vmul.f32 v13, v3;
	v13 =	vmul.f32 v13, v13  }
0x99: {  	p1 =	sgt.f32 s10, s15;
	p2 =	seq.f32 s10, s15;
	(xrf2) =	vadd.scan.msk.f32 $0xffff, v7  }
0x9a: {  	p3 =	slt.s32 s14, s24;
	v7 =	vadd.f32 v8, v14;
	v8 =	vmul.f32 v11, v2;
	v10 =	vadd.f32 v10, v13;
	v12, _, _ =	vpop (xrf2)  }
0x9b: {  	p2 =	por !p3, !p2;
	v13 =	vmul.f32 v11, v11;
	(v2sf) =	vpush v12, $0xF  }
0x9c: {  	p2 =	por !p2, !p2;
	v7 =	vadd.f32 v8, v7;
	v8 =	vmul.f32 v6, v1;
	(v2sf) =	vpush v9, $0xF;
	s10 =	spop (v2sf)  }
0x9d: {  	s16 =	smax.f32 s2, $1.000000000e-30;
	p1 =	por p1, p2;
	v9 =	vadd.f32 v13, v10;
	v12 =	vmul.f32 v6, v6;
	v10 =	vld [tilespmem:s31+$0x10];
	v11, _, _ =	vpop (xrf2);
	s0 =	sand.u32 $0x7FFFFFFF, s10  }
0x9e: {  	s23 =	smov.u32 @p1 s11;
	v7 =	vadd.f32 v8, v7;
	v8 =	vld [tilespmem:s31+$0x0];
	(v2sf) =	vpush v11, $0xF;
	s11 =	smul.f32 s0, s10  }
0x9f: {  	s21 =	smov.u32 @p1 s7;
	s2 =	smul.f32 s23, s16;
	v9 =	vadd.f32 v12, v9  }
0xa0: {  	s20 =	sadd.s32 $0xE, s29;
	v11 =	vld [tilespmem:s31+$0x20];
	s0 =	spop (v2sf);
	(xrf2) =	vadd.scan.msk.f32 $0xffff, v7;
	v6, _, _ =	vpop (xrf2);
	s15 =	smul.f32 s21, s11  }
0xa1: {  	s24 =	smov.u32 @p1 s14;
	s22 =	smov.u32 @p1 s8;
	s7 =	sand.u32 $0x7FFFFFFF, s0  }
0xa2: {  	v7 =	vld [tilespmem:s31+$0x30];
	v12 =	vmul.f32 v10, v4;
	v10 =	vmul.f32 v10, v10;
	s8 =	spop (v2sf);
	p1 =	seq.f32 s15, s2  }
0xa3: {  	p2 =	slt.s32 s20, s24;
	s8 =	smax.f32 s8, $1.000000000e-30;
	v13 =	vmul.f32 v8, v3;
	v8 =	vmul.f32 v8, v8;
	(xrf2) =	vadd.scan.msk.f32 $0xffff, v9;
	v9, _, _ =	vpop (xrf2)  }
0xa4: {  	p3 =	sgt.f32 s15, s2;
	p1 =	por !p2, !p1;
	s15 =	spop (v2sf)  }
0xa5: {  	v12 =	vadd.f32 v12, v13;
	v8 =	vadd.f32 v10, v8;
	v10 =	vmul.f32 v11, v11;
	s2 =	spop (v2sf);
	p1 =	por !p1, !p1;
	s14 =	sand.u32 $0x7FFFFFFF, s15  }
0xa6: {  	s19 =	smax.f32 s19, $1.000000000e-30;
	v11 =	vmul.f32 v11, v2;
	(v2sf) =	vpush v9, $0xF;
	p1 =	por p3, p1;
	s30 =	smul.f32 s14, s15  }
0xa7: {  	v8 =	vadd.f32 v10, v8;
	v13 =	vmul.f32 v7, v7;
	s23 =	smov.u32 @p1 s11;
	s21 =	smov.u32 @p1 s16  }
0xa8: {  	v10 =	vadd.f32 v11, v12;
	v7 =	vmul.f32 v7, v1;
	s24 =	smov.u32 @p1 s20;
	s14 =	smul.f32 s21, s30  }
0xa9: {  	s22 =	smov.u32 @p1 s10;
	s16 =	sadd.s32 $0xF, s29;
	s20 =	smul.f32 s23, s19;
	v8 =	vadd.f32 v13, v8  }
0xaa: {  	v7 =	vadd.f32 v7, v10;
	s10 =	spop (v2sf);
	v9, _, _ =	vpop (xrf2)  }
0xab: {  	p2 =	seq.f32 s14, s20;
	s11 =	sand.u32 $0x7FFFFFFF, s10;
	s3 =	spop (v2sf);
	(xrf2) =	vadd.scan.msk.f32 $0xffff, v8  }
0xac: {  	s12 =	smul.f32 s12, s4;
	p3 =	slt.s32 s16, s24;
	p1 =	sgt.f32 s14, s20;
	(v2sf) =	vpush v9, $0xF  }
0xad: {  	s29 =	sadd.s32 s1, s25;
	p2 =	por !p3, !p2;
	s20 =	spop (v2sf);
	v8, _, _ =	vpop (xrf2)  }
0xae: {  	s1 =	smov.u32 s9;
	s14 =	sadd.s32 $0x8, s29;
	p2 =	por !p2, !p2;
	(v2sf) =	vpush v8, $0xF;
	(xrf2) =	vadd.scan.msk.f32 $0xffff, v7  }
0xaf: {  	p1 =	por p1, p2;
	v7 =	vld [tilespmem:s31+$0x90]  }
0xb0: {  	s3 =	smax.f32 s3, $1.000000000e-30;
	s21 =	smov.u32 @p1 s19;
	v8 =	vld [tilespmem:s31+$0x80]  }
0xb1: {  	s23 =	smov.u32 @p1 s30;
	s24 =	smov.u32 @p1 s16  }
0xb2: {  	s22 =	smov.u32 @p1 s15;
	v9 =	vld [tilespmem:s31+$0xB0]  }
0xb3: {  	s9 =	smax.f32 s20, $1.000000000e-30;
	s15 =	smul.f32 s12, s21;
	v10 =	vld [tilespmem:s31+$0xA0];
	s31 =	sadd.s32 $0x400, s31  }
0xb4: {  	s16 =	smul.f32 s3, s23;
	v11 =	vld [tilespmem:s31+$0xFFFFFE10];
	v12 =	vmul.f32 v7, v4  }
0xb5: {  	v13 =	vld [tilespmem:s31+$0xFFFFFE00];
	v14 =	vmul.f32 v8, v3;
	v8 =	vmul.f32 v8, v8;
	v15, _, _ =	vpop (xrf2);
	s19 =	spop (v2sf)  }
0xb6: {  	p3 =	slt.s32 s14, s24;
	p1 =	sgt.f32 s15, s16;
	p2 =	seq.f32 s15, s16;
	v7 =	vmul.f32 v7, v7;
	v16 =	vld [tilespmem:s31+$0x110]  }
0xb7: {  	v17 =	vld [tilespmem:s31+$0xFFFFFE20];
	v12 =	vadd.f32 v12, v14;
	(v2sf) =	vpush v15, $0xF  }
0xb8: {  	p2 =	por !p3, !p2;
	v7 =	vadd.f32 v7, v8;
	v14 =	vld [tilespmem:s31+$0x100];
	v15 =	vmul.f32 v10, v2;
	v8 =	vmul.f32 v10, v10;
	v10, _, _ =	vpop (xrf2)  }
0xb9: {  	p2 =	por !p2, !p2;
	v20 =	vmul.f32 v9, v9;
	v18 =	vld [tilespmem:s31+$0xFFFFFE30];
	v19 =	vmul.f32 v11, v11;
	(v2sf) =	vpush v10, $0xF  }
0xba: {  	s16 =	smul.f32 s7, s0;
	p1 =	por p1, p2;
	v11 =	vmul.f32 v11, v4;
	v10 =	vmul.f32 v13, v3;
	v21 =	vld [tilespmem:s31+$0x120];
	v12 =	vadd.f32 v15, v12  }
0xbb: {  	s15 =	sadd.s32 $0x9, s29;
	s21 =	smov.u32 @p1 s3;
	v9 =	vmul.f32 v9, v1;
	v13 =	vmul.f32 v13, v13;
	v7 =	vadd.f32 v8, v7;
	v15 =	vld [tilespmem:s31+$0x180];
	s30 =	spop (v2sf)  }
0xbc: {  	s23 =	smov.u32 @p1 s12;
	s3 =	smul.f32 s21, s16;
	v22 =	vmul.f32 v16, v4;
	v8 =	vmul.f32 v17, v2;
	v23 =	vld [tilespmem:s31+$0x190];
	s12 =	sand.u32 $0x7FFFFFFF, s30  }
0xbd: {  	s20 =	smul.f32 s23, s8;
	v17 =	vmul.f32 v17, v17;
	v9 =	vadd.f32 v9, v12;
	v24 =	vld [tilespmem:s31+$0x130];
	v25 =	vmul.f32 v14, v14;
	s7 =	spop (v2sf)  }
0xbe: {  	s24 =	smov.u32 @p1 s14;
	v7 =	vadd.f32 v20, v7;
	v14 =	vmul.f32 v14, v3;
	v12 =	vmul.f32 v18, v1;
	v26 =	vld [tilespmem:s31+$0x1A0];
	s7 =	smax.f32 s7, $1.000000000e-30  }
0xbf: {  	p4 =	slt.s32 s15, s24;
	p2 =	sgt.f32 s3, s20;
	p3 =	seq.f32 s3, s20;
	v13 =	vadd.f32 v19, v13;
	v18 =	vmul.f32 v18, v18;
	v19 =	vld [tilespmem:s31+$0x1B0];
	(xrf2) =	vadd.scan.msk.f32 $0xffff, v9  }
0xc0: {  	s22 =	smov.u32 @p1 s4;
	v9 =	vadd.f32 v11, v10;
	v10 =	vmul.f32 v21, v2;
	v11 =	vmul.f32 v15, v15  }
0xc1: {  	s14 =	smul.f32 s11, s10;
	v16 =	vmul.f32 v16, v16;
	p1 =	por !p4, !p3;
	v13 =	vadd.f32 v17, v13;
	v15 =	vmul.f32 v15, v3  }
0xc2: {  	p1 =	por !p1, !p1;
	v8 =	vadd.f32 v8, v9;
	v20 =	vmul.f32 v23, v4;
	v9 =	vld [tilespmem:s31+$0xFFFFFE90];
	v17 =	vmul.f32 v24, v1;
	(xrf2) =	vadd.scan.msk.f32 $0xffff, v7  }
0xc3: {  	p1 =	por p2, p1;
	v14 =	vadd.f32 v22, v14;
	v16 =	vadd.f32 v16, v25;
	v21 =	vmul.f32 v21, v21;
	v7 =	vld [tilespmem:s31+$0xFFFFFE80]  }
0xc4: {  	s23 =	smov.u32 @p1 s16;
	s21 =	smov.u32 @p1 s8;
	v8 =	vadd.f32 v12, v8;
	v12 =	vadd.f32 v18, v13;
	v13 =	vmul.f32 v26, v2  }
0xc5: {  	s3 =	sadd.s32 $0xA, s29;
	s24 =	smov.u32 @p1 s15;
	s8 =	smul.f32 s21, s14;
	v14 =	vadd.f32 v10, v14;
	v10 =	vadd.f32 v21, v16;
	v16 =	vmul.f32 v24, v24;
	v18 =	vld [tilespmem:s31+$0xFFFFFEA0]  }
0xc6: {  	s11 =	smul.f32 s23, s9;
	v21 =	vmul.f32 v23, v23;
	v15 =	vadd.f32 v20, v15;
	v20 =	vmul.f32 v19, v1;
	(xrf2) =	vadd.scan.msk.f32 $0xffff, v8;
	s4 =	spop (v2sf)  }
0xc7: {  	s22 =	smov.u32 @p1 s0;
	v10 =	vadd.f32 v16, v10;
	v8 =	vld [tilespmem:s31+$0xFFFFFEB0];
	v22 =	vmul.f32 v9, v4;
	v9 =	vmul.f32 v9, v9;
	s4 =	smax.f32 s4, $1.000000000e-30  }
0xc8: {  	p2 =	seq.f32 s8, s11;
	v14 =	vadd.f32 v17, v14;
	v16 =	vmul.f32 v7, v3;
	v7 =	vmul.f32 v7, v7;
	s0 =	spop (v2sf)  }
0xc9: {  	p3 =	slt.s32 s3, s24;
	p1 =	sgt.f32 s8, s11;
	v11 =	vadd.f32 v21, v11;
	v13 =	vadd.f32 v13, v15;
	v15 =	vmul.f32 v26, v26;
	(xrf2) =	vadd.scan.msk.f32 $0xffff, v12;
	s8 =	sand.u32 $0x7FFFFFFF, s0;
	v12, _, _ =	vpop (xrf2)  }
0xca: {  	p2 =	por !p3, !p2;
	v16 =	vadd.f32 v22, v16;
	v17 =	vmul.f32 v18, v2;
	v7 =	vadd.f32 v9, v7  }
0xcb: {  	p2 =	por !p2, !p2;
	v11 =	vadd.f32 v15, v11;
	v15 =	vmul.f32 v19, v19;
	v9 =	vmul.f32 v18, v18  }
0xcc: {  	s11 =	smul.f32 s12, s30;
	p1 =	por p1, p2;
	v16 =	vadd.f32 v17, v16;
	v17 =	vmul.f32 v8, v1;
	(xrf2) =	vadd.scan.msk.f32 $0xffff, v14;
	(v2sf) =	vpush v12, $0xF;
	v12, _, _ =	vpop (xrf2)  }
0xcd: {  	s23 =	smov.u32 @p1 s14;
	s21 =	smov.u32 @p1 s9;
	v19 =	vadd.f32 v9, v7;
	v8 =	vmul.f32 v8, v8;
	v14 =	vld [tilespmem:s31+$0xFFFFFF10];
	(v2sf) =	vpush v12, $0xF  }
0xce: {  	s12 =	sadd.s32 $0xB, s29;
	s24 =	smov.u32 @p1 s3;
	s3 =	smul.f32 s21, s11;
	v7 =	vadd.f32 v15, v11;
	v16 =	vadd.f32 v17, v16;
	v17 =	vld [tilespmem:s31+$0xFFFFFF00]  }
.Ltmp2:
0xcf: {  	s22 =	smov.u32 @p1 s10;
	v18 =	vadd.f32 v8, v19;
	v8 =	vadd.f32 v20, v13;
	(pc) =	sbr.rel @p0 .LBB2_3-.Ltmp2, $4  }
0xd0: {  	s9 =	smul.f32 s23, s7;
	v12 =	vld [tilespmem:s31+$0xFFFFFF20];
	v9, _, _ =	vpop (xrf2);
	(xrf2) =	vadd.scan.msk.f32 $0xffff, v16  }
0xd1: {  	p1 =	slt.s32 s12, s24  }
0xd2: {  	p2 =	sgt.f32 s3, s9;
	p4 =	seq.f32 s3, s9;
	v11 =	vld [tilespmem:s31+$0xFFFFFF30];
	v15 =	vmul.f32 v14, v4;
	v13 =	vmul.f32 v14, v14;
	(v2sf) =	vpush v9, $0xF  }
0xd3: {  	v16 =	vmul.f32 v17, v3;
	v14 =	vmul.f32 v17, v17;
	v9, _, _ =	vpop (xrf2);
	(xrf2) =	vadd.scan.msk.f32 $0xffff, v18  }
0xd4: {  	p0 =	por !p1, !p4  }
0xd5: {  	p0 =	por !p0, !p0  }
0xd6: {  	s3 =	smul.f32 s8, s0;
	p0 =	por p2, p0  }
0xd7: {  	s21 =	smov.u32 @p0 s7  }
0xd8: {  	(v2sf) =	vpush v5, $0xF;
	v15 =	vadd.f32 v15, v16;
	s23 =	smov.u32 @p0 s11;
	s7 =	smul.f32 s21, s3  }
0xd9: {  	v16 =	vmul.f32 v12, v2;
	v13 =	vadd.f32 v13, v14;
	v12 =	vmul.f32 v12, v12;
	s10 =	smul.f32 s23, s4  }
0xda: {  	s9 =	sadd.s32 $0xC, s29  }
0xdb: {  	v15 =	vadd.f32 v16, v15;
	v16 =	vmul.f32 v11, v1;
	s5 =	simm.s32 @!p0 $0x0;
	s24 =	smov.u32 @p0 s12;
	v12 =	vadd.f32 v12, v13;
	p4 =	seq.f32 s7, s10  }
0xdc: {  	s5 =	simm.s32 @p0 $0x1;
	p5 =	slt.s32 s9, s24  }
0xdd: {  	(xrf2) =	vadd.scan.msk.f32 $0xffff, v10;
	v5, _, _ =	vpop (xrf2);
	v11 =	vmul.f32 v11, v11;
	v15 =	vadd.f32 v16, v15;
	p6 =	sgt.f32 s7, s10;
	s11 =	spop (v2sf);
	p0 =	por !p5, !p4  }
0xde: {  	v13, _, _ =	vpop (xrf2);
	s12 =	sand.u32 $0x7FFFFFFF, s11;
	p0 =	por !p0, !p0  }
0xdf: {  	v11 =	vadd.f32 v11, v12;
	(xrf2) =	vadd.scan.msk.f32 $0xffff, v15;
	(v2sf) =	vpush v13, $0xF;
	[dreg:$0x10] =	wrdreg s11;
	v12, _, _ =	vpop (xrf2);
	s11 =	smul.f32 s12, s11;
	p0 =	por p6, p0  }
0xe0: {  	s14 =	spop (v2sf);
	(v2sf) =	vpush v12, $0xF;
	s21 =	smov.u32 @p0 s4  }
0xe1: {  	v10 =	vld [tilespmem:s31+$0xFFFFFF90];
	s8 =	smax.f32 s14, $1.000000000e-30;
	(v2sf) =	vpush v6, $0xF;
	s23 =	smov.u32 @p0 s3;
	s15 =	smul.f32 s21, s11  }
0xe2: {  	v14 =	vld [tilespmem:s31+$0xFFFFFF80];
	s16 =	smul.f32 s23, s8  }
0xe3: {  	s3 =	simm.s32 @!p0 $0x0  }
0xe4: {  	v15 =	vld [tilespmem:s31+$0xFFFFFFA0];
	s24 =	smov.u32 @p0 s9;
	s9 =	sadd.s32 $0xD, s29;
	p1 =	seq.f32 s15, s16  }
0xe5: {  	v18 =	vld [tilespmem:s31+$0x0];
	s3 =	simm.s32 @p0 $0x1;
	p2 =	slt.s32 s9, s24  }
0xe6: {  	v13 =	vld [tilespmem:s31+$0xFFFFFFB0];
	s7 =	spop (v2sf);
	p3 =	sgt.f32 s15, s16;
	p0 =	por !p2, !p1  }
0xe7: {  	v16 =	vld [tilespmem:s31+$0x10];
	v17 =	vmul.f32 v14, v3;
	v12 =	vmul.f32 v10, v4;
	v19, _, _ =	vpop (xrf2);
	s10 =	spop (v2sf);
	p0 =	por !p0, !p0  }
0xe8: {  	v20 =	vld [tilespmem:s31+$0x30];
	s2 =	smax.f32 s2, $1.000000000e-30;
	v6 =	vmul.f32 v10, v10;
	v10 =	vmul.f32 v14, v14;
	(v2sf) =	vpush v19, $0xF;
	s17 =	sand.u32 $0x7FFFFFFF, s10;
	p0 =	por p3, p0  }
0xe9: {  	v14 =	vld [tilespmem:s31+$0x20];
	v12 =	vadd.f32 v12, v17;
	v17 =	vmul.f32 v15, v2;
	[smem:$0x7F5] =	sst s3;
	v19, _, _ =	vpop (xrf2);
	s3 =	smul.f32 s17, s10;
	s23 =	smov.u32 @p0 s11  }
0xea: {  	v6 =	vadd.f32 v6, v10;
	v10 =	vmul.f32 v15, v15;
	v15 =	vld [tilespmem:s31+$0x90];
	(v2sf) =	vpush v19, $0xF;
	s21 =	smov.u32 @p0 s8;
	s18 =	smul.f32 s23, s2  }
0xeb: {  	v12 =	vadd.f32 v17, v12;
	v17 =	vmul.f32 v13, v1;
	(v2sf) =	vpush v9, $0xF;
	v9 =	vld [tilespmem:s31+$0x80];
	s20 =	smul.f32 s21, s3  }
0xec: {  	s15 =	sadd.s32 $0xE, s29;
	v6 =	vadd.f32 v10, v6;
	v10 =	vmul.f32 v13, v13;
	v13 =	vmul.f32 v16, v4;
	s4 =	simm.s32 @!p0 $0x0  }
0xed: {  	v16 =	vmul.f32 v16, v16;
	v12 =	vadd.f32 v17, v12;
	v17 =	vmul.f32 v18, v18;
	v19 =	vld [tilespmem:s31+$0xA0];
	s24 =	smov.u32 @p0 s9;
	s4 =	simm.s32 @p0 $0x1;
	p4 =	seq.f32 s20, s18  }
0xee: {  	v6 =	vadd.f32 v10, v6;
	v10 =	vmul.f32 v18, v3;
	v18 =	vmul.f32 v14, v14;
	p5 =	slt.s32 s15, s24;
	[smem:$0x7F6] =	sst s4;
	s11 =	spop (v2sf)  }
0xef: {  	(xrf2) =	vadd.scan.msk.f32 $0xffff, v11;
	v14 =	vmul.f32 v14, v2;
	v11 =	vadd.f32 v16, v17;
	v16 =	vmul.f32 v20, v20;
	v17 =	vld [tilespmem:s31+$0xB0];
	p6 =	sgt.f32 s20, s18;
	p0 =	por !p5, !p4;
	s4 =	spop (v2sf)  }
0xf0: {  	(xrf2) =	vadd.scan.msk.f32 $0xffff, v8;
	v8 =	vadd.f32 v13, v10;
	v10 =	vmul.f32 v15, v4;
	v13 =	vmul.f32 v9, v3;
	p0 =	por !p0, !p0;
	s14 =	spop (v2sf)  }
0xf1: {  	(xrf2) =	vadd.scan.msk.f32 $0xffff, v7;
	v7 =	vadd.f32 v18, v11;
	v11 =	vmul.f32 v15, v15;
	v9 =	vmul.f32 v9, v9;
	p0 =	por p6, p0;
	s28 =	sand.u32 $0x7FFFFFFF, s14  }
0xf2: {  	s9 =	smax.f32 s19, $1.000000000e-30;
	v8 =	vadd.f32 v14, v8;
	v10 =	vadd.f32 v10, v13;
	v13 =	vmul.f32 v19, v2;
	s23 =	smov.u32 @p0 s3;
	s8 =	smul.f32 s28, s14  }
0xf3: {  	v14 =	vmul.f32 v20, v1;
	v9 =	vadd.f32 v11, v9;
	v11 =	vmul.f32 v19, v19;
	s21 =	smov.u32 @p0 s2;
	s3 =	smul.f32 s23, s9  }
0xf4: {  	(xrf2) =	vadd.scan.msk.f32 $0xffff, v12;
	v7 =	vadd.f32 v16, v7;
	v12 =	vmul.f32 v17, v1;
	v10 =	vadd.f32 v13, v10;
	s2 =	smul.f32 s21, s8  }
0xf5: {  	[smem:$0x7F4] =	sst s5;
	s12 =	sadd.s32 $0xF, s29;
	(xrf2) =	vadd.scan.msk.f32 $0xffff, v6;
	v6 =	vadd.f32 v14, v8;
	v8 =	vmul.f32 v17, v17;
	v9 =	vadd.f32 v11, v9  }
0xf6: {  	(xrf2) =	vadd.scan.msk.f32 $0xffff, v7;
	s5 =	simm.s32 @!p0 $0x0;
	s24 =	smov.u32 @p0 s15;
	v7 =	vadd.f32 v12, v10;
	p1 =	seq.f32 s2, s3  }
0xf7: {  	(xrf2) =	vadd.scan.msk.f32 $0xffff, v6;
	s16 =	spop (v2sf);
	s5 =	simm.s32 @p0 $0x1;
	p2 =	slt.s32 s12, s24;
	v6 =	vadd.f32 v8, v9  }
0xf8: {  	[smem:$0x7F7] =	sst s5;
	p3 =	sgt.f32 s2, s3;
	p0 =	por !p2, !p1  }
0xf9: {  	s5 =	sand.u32 $0x7FFFFFFF, s7;
	(xrf2) =	vadd.scan.msk.f32 $0xffff, v7;
	s19 =	spop (v2sf);
	p0 =	por !p0, !p0  }
0xfa: {  	s15 =	smul.f32 s5, s7;
	v7, _, _ =	vpop (xrf2);
	(xrf2) =	vadd.scan.msk.f32 $0xffff, v6;
	s6 =	spop (v2sf);
	p0 =	por p3, p0  }
0xfb: {  	v6, _, _ =	vpop (xrf2);
	s3 =	smax.f32 s6, $1.000000000e-30;
	s21 =	smov.u32 @p0 s9  }
0xfc: {  	(v2sf) =	vpush v7, $0xF;
	v7, _, _ =	vpop (xrf2);
	s2 =	simm.s32 @!p0 $0x0;
	s23 =	smov.u32 @p0 s8;
	s17 =	smul.f32 s15, s21  }
0xfd: {  	(v2sf) =	vpush v7, $0xF;
	s2 =	simm.s32 @p0 $0x1;
	s18 =	smul.f32 s3, s23  }
0xfe: {  	[smem:$0x7F8] =	sst s2;
	s2 =	sadd.s32 s1, s25  }
0xff: {  	v7, _, _ =	vpop (xrf2);
	s24 =	smov.u32 @p0 s12;
	s1 =	sadd.s32 $0x8, s2;
	p4 =	seq.f32 s17, s18  }
0x100: {  	(v2sf) =	vpush v7, $0xF;
	v7, _, _ =	vpop (xrf2);
	p5 =	slt.s32 s1, s24  }
0x101: {  	(v2sf) =	vpush v7, $0xF;
	v7, _, _ =	vpop (xrf2);
	p6 =	sgt.f32 s17, s18;
	p0 =	por !p5, !p4  }
0x102: {  	s20 =	sand.u32 $0x7FFFFFFF, s11;
	(v2sf) =	vpush v7, $0xF;
	v7, _, _ =	vpop (xrf2);
	p0 =	por !p0, !p0  }
0x103: {  	s18 =	smul.f32 s20, s11;
	(v2sf) =	vpush v7, $0xF;
	v7, _, _ =	vpop (xrf2);
	p0 =	por p6, p0  }
0x104: {  	(v2sf) =	vpush v7, $0xF;
	v7, _, _ =	vpop (xrf2);
	s21 =	smov.u32 @p0 s3  }
0x105: {  	s17 =	smax.f32 s4, $1.000000000e-30;
	(v2sf) =	vpush v7, $0xF;
	s23 =	smov.u32 @p0 s15;
	s3 =	smul.f32 s21, s18  }
0x106: {  	(v2sf) =	vpush v5, $0xF;
	s4 =	smul.f32 s23, s17  }
0x107: {  	(v2sf) =	vpush v6, $0xF  }
0x108: {  	p1 =	seq.f32 s3, s4  }
0x109: {  	p3 =	sgt.f32 s3, s4;
	s4 =	rddreg [dreg:$0x8]  }
0x10a: {  	s31 =	simm.s32 $0x80;
	s6 =	rddreg [dreg:$0x5];
	s3 =	sadd.s32 s26, s4  }
0x10b: {  	s5 =	simm.s32 @!p0 $0x0;
	s29 =	spop (v2sf);
	s3 =	sshll.u32 s3, $0x4  }
0x10c: {  	s3 =	sadd.s32 s6, s3;
	s6 =	simm.s32 $0x0;
	s28 =	spop (v2sf)  }
0x10d: {  	[tilespmem:s31], [sflag:$0x1] =	stream.linear.gather [hbm4b:s3+s6], $0xF800, $0x38;
	[tilespmem:$0x1F480] =	vst v63  }
0x10e: {  	s24 =	smov.u32 @p0 s1;
	[dreg:$0x11] =	wrdreg s28;
	s28 =	sadd.s32 $0x9, s2  }
0x10f: {  	s5 =	simm.s32 @p0 $0x1;
	s15 =	spop (v2sf);
	p2 =	slt.s32 s28, s24  }
0x110: {  	[smem:$0x7F9] =	sst s5;
	s5 =	spop (v2sf);
	p0 =	por !p2, !p1  }
0x111: {  	s9 =	spop (v2sf);
	p0 =	por !p0, !p0  }
0x112: {  	s1 =	spop (v2sf);
	p0 =	por p3, p0  }
0x113: {  	s20 =	spop (v2sf);
	s4 =	simm.s32 @!p0 $0x0  }
0x114: {  	[dreg:$0xf] =	wrdreg s26;
	s4 =	simm.s32 @p0 $0x1;
	s8 =	spop (v2sf)  }
0x115: {  	[smem:$0x7FA] =	sst s4;
	s4 =	spop (v2sf)  }
0x116: {  	s26 =	sand.u32 $0x7FFFFFFF, s19;
	s6 =	simm.s32 $0x2;
	s12 =	spop (v2sf)  }
0x117: {  	s26 =	smul.f32 s26, s19;
	s3 =	smax.f32 s29, $1.000000000e-30;
	_ =	swait.ge [sflag:s6], $0xF800  }
0x118: {  	s29 =	simm.s32 $0xFA80;
	s21 =	smov.u32 @p0 s17;
	[sflag:s6] =	ssyncset.done $0x0  }
0x119: {  	s23 =	smov.u32 @p0 s18;
	s17 =	smul.f32 s21, s26;
	[sflag:s6] =	ssyncadd.s32 $0xFFFF0800  }
0x11a: {  	s18 =	smul.f32 s23, s3;
	v5 =	vld [tilespmem:s29+$0xFFFFFE10]  }
0x11b: {  	v6 =	vld [tilespmem:s29+$0xFFFFFE00]  }
0x11c: {  	s24 =	smov.u32 @p0 s28;
	s28 =	sadd.s32 $0xA, s2;
	p4 =	seq.f32 s17, s18;
	v7 =	vld [tilespmem:s29+$0x110]  }
0x11d: {  	p5 =	slt.s32 s28, s24;
	v8 =	vld [tilespmem:s29+$0xFFFFFE20]  }
0x11e: {  	p6 =	sgt.f32 s17, s18;
	p0 =	por !p5, !p4;
	v9 =	vld [tilespmem:s29+$0x100]  }
0x11f: {  	p0 =	por !p0, !p0;
	v10 =	vld [tilespmem:s29+$0xFFFFFE30]  }
0x120: {  	s6 =	sand.u32 $0x7FFFFFFF, s15;
	p0 =	por p6, p0;
	v11 =	vmul.f32 v5, v5;
	v12 =	vmul.f32 v6, v3  }
0x121: {  	s5 =	smax.f32 s5, $1.000000000e-30;
	s17 =	smul.f32 s6, s15;
	s23 =	smov.u32 @p0 s26;
	v55 =	vld [tilespmem:s29+$0xFFFFFE80];
	v5 =	vmul.f32 v5, v4;
	v6 =	vmul.f32 v6, v6  }
0x122: {  	s21 =	smov.u32 @p0 s3;
	v13 =	vld [tilespmem:s29+$0x120];
	s6 =	smul.f32 s23, s5;
	v14 =	vmul.f32 v8, v2;
	v16 =	vmul.f32 v7, v4  }
0x123: {  	v17 =	vld [tilespmem:s29+$0xFFFFFE90];
	s18 =	smul.f32 s21, s17;
	v18 =	vmul.f32 v9, v9;
	v9 =	vmul.f32 v9, v3  }
0x124: {  	v15 =	vld [tilespmem:s29+$0x130];
	v8 =	vmul.f32 v8, v8;
	v19 =	vmul.f32 v10, v1;
	v5 =	vadd.f32 v5, v12  }
0x125: {  	s24 =	smov.u32 @p0 s28;
	s26 =	sadd.s32 $0xB, s2;
	p2 =	seq.f32 s18, s6;
	v7 =	vmul.f32 v7, v7;
	v6 =	vadd.f32 v11, v6;
	v9 =	vadd.f32 v16, v9;
	v16 =	vld [tilespmem:s29+$0xFFFFFF00]  }
0x126: {  	s3 =	simm.s32 @!p0 $0x0;
	p3 =	slt.s32 s26, s24;
	v10 =	vmul.f32 v10, v10;
	v21 =	vmul.f32 v55, v3;
	v11 =	vld [tilespmem:s29+$0xFFFFFEA0];
	v5 =	vadd.f32 v14, v5  }
0x127: {  	s3 =	simm.s32 @p0 $0x1;
	p4 =	sgt.f32 s18, s6;
	p0 =	por !p3, !p2;
	v12 =	vmul.f32 v13, v2;
	v7 =	vadd.f32 v7, v18;
	v6 =	vadd.f32 v8, v6;
	v8 =	vld [tilespmem:s29+$0xFFFFFF10]  }
0x128: {  	s28 =	sand.u32 $0x7FFFFFFF, s1;
	p0 =	por !p0, !p0;
	v18 =	vld [tilespmem:s29+$0xFFFFFEB0];
	v13 =	vmul.f32 v13, v13;
	v5 =	vadd.f32 v19, v5;
	v19 =	vmul.f32 v17, v4  }
0x129: {  	v56 =	vld [tilespmem:s29+$0xFFFFFF20];
	[smem:$0x7FB] =	sst s3;
	s3 =	smul.f32 s28, s1;
	p0 =	por p4, p0;
	v6 =	vadd.f32 v10, v6;
	v10 =	vmul.f32 v17, v17;
	v17 =	vmul.f32 v55, v55  }
0x12a: {  	v14 =	vmul.f32 v15, v1;
	s21 =	smov.u32 @p0 s5;
	v9 =	vadd.f32 v12, v9;
	v57 =	vmul.f32 v16, v3  }
0x12b: {  	s9 =	smax.f32 s9, $1.000000000e-30;
	s23 =	smov.u32 @p0 s17;
	s6 =	smul.f32 s21, s3;
	v12 =	vadd.f32 v19, v21;
	v19 =	vmul.f32 v11, v2;
	v10 =	vadd.f32 v10, v17;
	v17 =	vld [tilespmem:s29+$0xFFFFFF30]  }
0x12c: {  	s17 =	smul.f32 s23, s9;
	v9 =	vadd.f32 v14, v9;
	v11 =	vmul.f32 v11, v11;
	v14 =	vmul.f32 v8, v4  }
0x12d: {  	(xrf2) =	vadd.scan.msk.f32 $0xffff, v5;
	v5 =	vmul.f32 v18, v18;
	v12 =	vadd.f32 v19, v12;
	v19 =	vmul.f32 v18, v1  }
0x12e: {  	s18 =	sadd.s32 $0xC, s2;
	s24 =	smov.u32 @p0 s26;
	p5 =	seq.f32 s6, s17;
	v10 =	vadd.f32 v11, v10;
	v11 =	vadd.f32 v14, v57;
	v14 =	vmul.f32 v56, v2  }
0x12f: {  	s5 =	simm.s32 @!p0 $0x0;
	v7 =	vadd.f32 v13, v7;
	v13 =	vmul.f32 v15, v15;
	p6 =	slt.s32 s18, s24;
	(xrf2) =	vadd.scan.msk.f32 $0xffff, v6;
	v6 =	vadd.f32 v19, v12  }
0x130: {  	s5 =	simm.s32 @p0 $0x1;
	p2 =	sgt.f32 s6, s17;
	p0 =	por !p6, !p5;
	(xrf2) =	vadd.scan.msk.f32 $0xffff, v9;
	v5 =	vadd.f32 v5, v10;
	v9 =	vadd.f32 v14, v11;
	v10 =	vmul.f32 v17, v1  }
0x131: {  	s26 =	sand.u32 $0x7FFFFFFF, s20;
	v7 =	vadd.f32 v13, v7;
	p0 =	por !p0, !p0;
	(xrf2) =	vadd.scan.msk.f32 $0xffff, v6  }
0x132: {  	[smem:$0x7FC] =	sst s5;
	s5 =	smul.f32 s26, s20;
	p5 =	por p2, p0;
	(xrf2) =	vadd.scan.msk.f32 $0xffff, v5;
	v5 =	vadd.f32 v10, v9  }
0x133: {  	s21 =	smov.u32 @p5 s9;
	(xrf2) =	vadd.scan.msk.f32 $0xffff, v7  }
0x134: {  	s8 =	smax.f32 s8, $1.000000000e-30;
	s23 =	smov.u32 @p5 s3;
	s28 =	smul.f32 s21, s5;
	(xrf2) =	vadd.scan.msk.f32 $0xffff, v5  }
0x135: {  	s6 =	smul.f32 s23, s8;
	_ =	sdelay $0x1  }
0x136: {  	s17 =	sadd.s32 $0xD, s2;
	s24 =	smov.u32 @p5 s18;
	p3 =	seq.f32 s28, s6  }
0x137: {  	p4 =	slt.s32 s17, s24;
	v6 =	vld [tilespmem:s29+$0x180];
	v10, _, _ =	vpop (xrf2)  }
0x138: {  	p6 =	sgt.f32 s28, s6;
	v7 =	vld [tilespmem:s29+$0x190];
	p0 =	por !p4, !p3;
	v11, _, _ =	vpop (xrf2)  }
0x139: {  	v9 =	vld [tilespmem:s29+$0x1A0];
	p0 =	por !p0, !p0;
	v5, _, _ =	vpop (xrf2)  }
0x13a: {  	s3 =	smax.f32 s16, $1.000000000e-30;
	s16 =	sand.u32 $0x7FFFFFFF, s4;
	p4 =	por p6, p0;
	(v2sf) =	vpush v10, $0xF;
	v10, _, _ =	vpop (xrf2)  }
0x13b: {  	s23 =	smov.u32 @p4 s5;
	s5 =	smul.f32 s16, s4;
	(v2sf) =	vpush v10, $0xF;
	v10, _, _ =	vpop (xrf2)  }
0x13c: {  	v13 =	vmul.f32 v6, v3;
	v6 =	vmul.f32 v6, v6;
	s21 =	smov.u32 @p4 s8;
	s18 =	smul.f32 s23, s3;
	(v2sf) =	vpush v10, $0xF;
	v10, _, _ =	vpop (xrf2)  }
0x13d: {  	v12 =	vld [tilespmem:s29+$0x1B0];
	v14 =	vmul.f32 v7, v4;
	v7 =	vmul.f32 v7, v7;
	s9 =	smul.f32 s21, s5;
	(v2sf) =	vpush v10, $0xF;
	v10, _, _ =	vpop (xrf2)  }
0x13e: {  	v15 =	vmul.f32 v9, v2;
	(v2sf) =	vpush v10, $0xF  }
0x13f: {  	s16 =	sadd.s32 $0xE, s2;
	s24 =	smov.u32 @p4 s17;
	v6 =	vadd.f32 v7, v6;
	v7 =	vmul.f32 v9, v9;
	v9 =	vld [tilespmem:s29+$0xFFFFFF90];
	p2 =	seq.f32 s9, s18;
	(v2sf) =	vpush v11, $0xF  }
0x140: {  	v8 =	vmul.f32 v8, v8;
	p3 =	slt.s32 s16, s24;
	v13 =	vadd.f32 v14, v13;
	v14 =	vmul.f32 v16, v16;
	v16 =	vld [tilespmem:s29+$0xFFFFFF80]  }
0x141: {  	p6 =	sgt.f32 s9, s18;
	v6 =	vadd.f32 v7, v6;
	p0 =	por !p3, !p2  }
0x142: {  	s26 =	sand.u32 $0x7FFFFFFF, s12;
	v18 =	vld [tilespmem:s29+$0xFFFFFFA0];
	v7 =	vmul.f32 v12, v12;
	v8 =	vadd.f32 v8, v14;
	p0 =	por !p0, !p0;
	v10 =	vmul.f32 v56, v56  }
0x143: {  	s17 =	smul.f32 s26, s12;
	p0 =	por p6, p0;
	v11 =	vmul.f32 v12, v1;
	v12 =	vadd.f32 v15, v13  }
0x144: {  	s28 =	rddreg [dreg:$0x11];
	v14 =	vld [tilespmem:s29+$0xFFFFFFB0];
	v6 =	vadd.f32 v7, v6;
	s21 =	smov.u32 @p0 s3;
	v7 =	vadd.f32 v10, v8;
	v8 =	vmul.f32 v17, v17  }
0x145: {  	s9 =	smax.f32 s28, $1.000000000e-30;
	v13 =	vld [tilespmem:s29+$0x10];
	v15 =	vmul.f32 v16, v3;
	s23 =	smov.u32 @p0 s5;
	s6 =	smul.f32 s21, s17;
	v11 =	vadd.f32 v11, v12;
	v12 =	vmul.f32 v9, v4  }
0x146: {  	v10 =	vld [tilespmem:s29+$0x0];
	s5 =	smul.f32 s23, s9;
	v7 =	vadd.f32 v8, v7;
	v8 =	vmul.f32 v9, v9;
	v9 =	vmul.f32 v16, v16  }
0x147: {  	s18 =	sadd.s32 $0xF, s2;
	v12 =	vadd.f32 v12, v15;
	v15 =	vmul.f32 v18, v2  }
0x148: {  	s3 =	simm.s32 @!p0 $0x0;
	s24 =	smov.u32 @p0 s16;
	v17 =	vmul.f32 v18, v18;
	v16 =	vld [tilespmem:s29+$0x20];
	p2 =	seq.f32 s6, s5;
	(xrf2) =	vadd.scan.msk.f32 $0xffff, v7;
	v7 =	vadd.f32 v8, v9  }
0x149: {  	s3 =	simm.s32 @p0 $0x1;
	p3 =	slt.s32 s18, s24;
	v8 =	vmul.f32 v14, v1;
	v9 =	vmul.f32 v14, v14;
	v14 =	vld [tilespmem:s29+$0x30];
	s8 =	spop (v2sf);
	v12 =	vadd.f32 v15, v12  }
0x14a: {  	p6 =	sgt.f32 s6, s5;
	p0 =	por !p3, !p2;
	v7 =	vadd.f32 v17, v7;
	s16 =	spop (v2sf)  }
0x14b: {  	[smem:$0x7FD] =	sst s3;
	v15 =	vmul.f32 v13, v13;
	v18 =	vmul.f32 v10, v10;
	(xrf2) =	vadd.scan.msk.f32 $0xffff, v11;
	p0 =	por !p0, !p0;
	v8 =	vadd.f32 v8, v12;
	s3 =	spop (v2sf)  }
0x14c: {  	v13 =	vmul.f32 v13, v4;
	v10 =	vmul.f32 v10, v3;
	s26 =	sand.u32 $0x7FFFFFFF, s8;
	(xrf2) =	vadd.scan.msk.f32 $0xffff, v6;
	p3 =	por p6, p0;
	v7 =	vadd.f32 v9, v7;
	s2 =	spop (v2sf)  }
0x14d: {  	s5 =	smul.f32 s26, s8;
	v12 =	vadd.f32 v15, v18;
	v15 =	vmul.f32 v16, v16;
	s21 =	smov.u32 @p3 s9;
	(xrf2) =	vadd.scan.msk.f32 $0xffff, v8;
	s9 =	spop (v2sf)  }
0x14e: {  	v6 =	vmul.f32 v16, v2;
	v9 =	vadd.f32 v13, v10;
	(xrf2) =	vadd.scan.msk.f32 $0xffff, v7;
	v7 =	vmul.f32 v14, v1;
	s28 =	spop (v2sf)  }
0x14f: {  	s23 =	smov.u32 @p3 s17;
	s26 =	smul.f32 s5, s21;
	v10 =	vadd.f32 v15, v12;
	v11 =	vmul.f32 v14, v14;
	s17 =	smax.f32 s28, $1.000000000e-30  }
0x150: {  	v6 =	vadd.f32 v6, v9;
	s6 =	smul.f32 s17, s23  }
0x151: {  	v8 =	vadd.f32 v11, v10  }
0x152: {  	v6 =	vadd.f32 v7, v6;
	v7, _, _ =	vpop (xrf2);
	p1 =	seq.f32 s26, s6  }
0x153: {  	s31 =	sadd.s32 $0xFFFFFFF8, s25;
	(xrf2) =	vadd.scan.msk.f32 $0xffff, v8;
	(v2sf) =	vpush v7, $0xF;
	p6 =	sgt.f32 s26, s6;
	s26 =	sld [smem:$0x7F4]  }
0x154: {  	s24 =	smov.u32 @p3 s18;
	s18 =	sadd.s32 $0x1F8, s31;
	v9 =	vld [tilespmem:s29+$0xB0]  }
0x155: {  	p2 =	slt.s32 s18, s24;
	v11 =	vld [tilespmem:s29+$0xA0]  }
0x156: {  	v8 =	vld [tilespmem:s29+$0x80];
	(xrf2) =	vadd.scan.msk.f32 $0xffff, v6;
	p0 =	por !p2, !p1;
	p2 =	seq.s32 s26, $0x1  }
0x157: {  	v7 =	vld [tilespmem:s29+$0x90];
	s29 =	simm.s32 $0xFE80;
	s22 =	smov.u32 @p2 s30;
	s30 =	sld [smem:$0x7F5]  }
0x158: {  	v12 =	vld [tilespmem:s29+$0xFFFFFE10]  }
0x159: {  	v6, _, _ =	vpop (xrf2)  }
0x15a: {  	s3 =	smax.f32 s3, $1.000000000e-30;
	v58 =	vmul.f32 v9, v9;
	v59 =	vld [tilespmem:s29+$0x120];
	v10, _, _ =	vpop (xrf2);
	p0 =	por !p0, !p0;
	p2 =	seq.s32 s30, $0x1  }
0x15b: {  	v9 =	vmul.f32 v9, v1;
	v23 =	vld [tilespmem:s29+$0x190];
	(v2sf) =	vpush v10, $0xF;
	v15 =	vmul.f32 v8, v3;
	v10, _, _ =	vpop (xrf2);
	s26 =	sld [smem:$0x7F7];
	s22 =	smov.u32 @p2 s0;
	p2 =	por p6, p0  }
0x15c: {  	s28 =	sand.u32 $0x7FFFFFFF, s16;
	v14 =	vld [tilespmem:s29+$0xFFFFFE00];
	v8 =	vmul.f32 v8, v8;
	(v2sf) =	vpush v10, $0xF;
	v10, _, _ =	vpop (xrf2);
	v13 =	vmul.f32 v7, v4;
	s21 =	smov.u32 @p2 s17;
	s17 =	sld [smem:$0x7F6]  }
0x15d: {  	v17 =	vld [tilespmem:s29+$0xFFFFFE20];
	s6 =	sadd.s32 $0x1F9, s31;
	v7 =	vmul.f32 v7, v7;
	(v2sf) =	vpush v10, $0xF;
	v19 =	vmul.f32 v12, v12;
	v16, _, _ =	vpop (xrf2);
	s30 =	smul.f32 s28, s16;
	s28 =	sld [smem:$0x7F8]  }
0x15e: {  	v10 =	vld [tilespmem:s29+$0x110];
	v13 =	vadd.f32 v13, v15;
	(v2sf) =	vpush v16, $0xF;
	v16 =	vmul.f32 v11, v2;
	s23 =	smov.u32 @p2 s5;
	s5 =	rddreg [dreg:$0x10];
	s24 =	smov.u32 @p2 s18  }
0x15f: {  	v12 =	vmul.f32 v12, v4;
	v15 =	vld [tilespmem:s29+$0x100];
	v7 =	vadd.f32 v7, v8;
	v11 =	vmul.f32 v11, v11;
	s18 =	sld [smem:$0x7FA];
	s0 =	smul.f32 s21, s30;
	p0 =	seq.s32 s17, $0x1  }
0x160: {  	v21 =	vmul.f32 v59, v59;
	v62 =	vmul.f32 v23, v23;
	v8, _, _ =	vpop (xrf2);
	v13 =	vadd.f32 v16, v13;
	s17 =	sld [smem:$0x7F9];
	s22 =	smov.u32 @p0 s5;
	p0 =	seq.s32 s26, $0x1  }
0x161: {  	v18 =	vld [tilespmem:s29+$0xFFFFFE30];
	(v2sf) =	vpush v8, $0xF;
	v8 =	vmul.f32 v14, v3;
	v7 =	vadd.f32 v11, v7;
	s5 =	smul.f32 s23, s3;
	s26 =	sand.u32 $0x7FFFFFFF, s9;
	s22 =	smov.u32 @p0 s10  }
0x162: {  	v24 =	vld [tilespmem:s29+$0x130];
	v14 =	vmul.f32 v14, v14;
	v11 =	vmul.f32 v17, v2;
	v9 =	vadd.f32 v9, v13;
	p0 =	seq.s32 s28, $0x1;
	s28 =	spop (v2sf);
	s10 =	sadd.s32 $0x1FA, s31  }
0x163: {  	v16 =	vld [tilespmem:s29+$0x180];
	v22 =	vmul.f32 v10, v4;
	v8 =	vadd.f32 v12, v8;
	v7 =	vadd.f32 v58, v7;
	p1 =	seq.f32 s0, s5;
	s22 =	smov.u32 @p0 s14;
	p6 =	seq.s32 s17, $0x1  }
0x164: {  	v17 =	vmul.f32 v17, v17;
	v25 =	vmul.f32 v15, v15;
	v14 =	vadd.f32 v19, v14;
	v19 =	vld [tilespmem:s29+$0x1A0];
	(xrf2) =	vadd.scan.msk.f32 $0xffff, v9;
	p0 =	slt.s32 s6, s24;
	s17 =	sld [smem:$0x7FC];
	s22 =	smov.u32 @p6 s7  }
0x165: {  	v15 =	vmul.f32 v15, v3;
	v12 =	vmul.f32 v59, v2;
	v8 =	vadd.f32 v11, v8;
	v11 =	vld [tilespmem:s29+$0xFFFFFE90];
	(xrf2) =	vadd.scan.msk.f32 $0xffff, v7;
	p6 =	seq.s32 s18, $0x1;
	p0 =	por !p0, !p1;
	p1 =	sgt.f32 s0, s5  }
0x166: {  	v13 =	vmul.f32 v18, v1;
	v18 =	vmul.f32 v18, v18;
	v14 =	vadd.f32 v17, v14;
	v7 =	vld [tilespmem:s29+$0xFFFFFE80];
	s22 =	smov.u32 @p6 s11;
	s11 =	sld [smem:$0x7FB];
	p0 =	por !p0, !p0  }
0x167: {  	v17 =	vmul.f32 v23, v4;
	v15 =	vadd.f32 v22, v15;
	v9 =	vmul.f32 v10, v10;
	s7 =	simm.s32 $0x8;
	s0 =	smul.f32 s26, s9;
	p0 =	por p1, p0  }
0x168: {  	v10 =	vmul.f32 v16, v3;
	v8 =	vadd.f32 v13, v8;
	v13 =	vadd.f32 v18, v14;
	v18 =	vld [tilespmem:s29+$0xFFFFFEA0];
	s26 =	sld [smem:$0x7FD];
	s21 =	smov.u32 @p0 s3;
	s3 =	smax.f32 s28, $1.000000000e-30  }
0x169: {  	v60 =	vmul.f32 v16, v16;
	v16 =	vmul.f32 v24, v1;
	s23 =	smov.u32 @p0 s30;
	p1 =	seq.s32 s11, $0x1;
	s30 =	smul.f32 s21, s0  }
0x16a: {  	v12 =	vadd.f32 v12, v15;
	v14 =	vmul.f32 v19, v2;
	(xrf2) =	vadd.scan.msk.f32 $0xffff, v8;
	v8 =	vadd.f32 v17, v10;
	v10 =	vld [tilespmem:s29+$0xFFFFFEB0];
	s22 =	smov.u32 @p1 s19;
	s14 =	smul.f32 s23, s3;
	p1 =	seq.s32 s17, $0x1  }
0x16b: {  	v9 =	vadd.f32 v9, v25;
	v17 =	vmul.f32 v11, v4;
	(xrf2) =	vadd.scan.msk.f32 $0xffff, v13;
	v13 =	vmul.f32 v7, v3;
	s24 =	smov.u32 @p0 s6;
	s19 =	spop (v2sf);
	s22 =	smov.u32 @p1 s15  }
0x16c: {  	v12 =	vadd.f32 v16, v12;
	v11 =	vmul.f32 v11, v11;
	v7 =	vmul.f32 v7, v7;
	p6 =	slt.s32 s10, s24;
	p1 =	seq.f32 s30, s14;
	s22 =	smov.u32 @p5 s1  }
0x16d: {  	v15 =	vld [tilespmem:s29+$0x1B0];
	v8 =	vadd.f32 v14, v8;
	v14 =	vmul.f32 v18, v2;
	v13 =	vadd.f32 v17, v13;
	p5 =	sgt.f32 s30, s14;
	s1 =	spop (v2sf);
	s22 =	smov.u32 @p4 s20  }
0x16e: {  	v19 =	vmul.f32 v19, v19;
	v7 =	vadd.f32 v11, v7;
	v11 =	vmul.f32 v18, v18;
	v18, _, _ =	vpop (xrf2);
	s18 =	sand.u32 $0x7FFFFFFF, s1;
	s20 =	spop (v2sf);
	p1 =	por !p6, !p1  }
0x16f: {  	v13 =	vadd.f32 v14, v13;
	v14 =	vmul.f32 v10, v1;
	(xrf2) =	vadd.scan.msk.f32 $0xffff, v12;
	(v2sf) =	vpush v18, $0xF;
	v18, _, _ =	vpop (xrf2);
	s14 =	smul.f32 s18, s1;
	s30 =	spop (v2sf);
	p1 =	por !p1, !p1  }
0x170: {  	v63 =	vld [tilespmem:s29+$0xFFFFFF00];
	v16 =	vadd.f32 v62, v60;
	v10 =	vmul.f32 v10, v10;
	s11 =	smax.f32 s20, $1.000000000e-30;
	(v2sf) =	vpush v18, $0xF;
	s6 =	spop (v2sf);
	p4 =	por p5, p1  }
0x171: {  	v61 =	vmul.f32 v24, v24;
	v9 =	vadd.f32 v21, v9;
	v17 =	vld [tilespmem:s29+$0xFFFFFF10];
	v13 =	vadd.f32 v14, v13;
	p1 =	seq.s32 s26, $0x1;
	s21 =	smov.u32 @p4 s3;
	s23 =	smov.u32 @p4 s0  }
0x172: {  	v16 =	vadd.f32 v19, v16;
	v19 =	vmul.f32 v15, v15;
	v11 =	vadd.f32 v11, v7;
	s22 =	smov.u32 @p1 s4;
	s0 =	simm.s32 $0x0;
	s3 =	smul.f32 s21, s14  }
0x173: {  	v9 =	vadd.f32 v61, v9;
	v12 =	vld [tilespmem:s29+$0xFFFFFF20];
	(xrf2) =	vadd.scan.msk.f32 $0xffff, v13;
	s24 =	smov.u32 @p4 s10;
	s28 =	smul.f32 s23, s11;
	s22 =	smov.u32 @p3 s12  }
0x174: {  	v15 =	vmul.f32 v15, v1;
	v7 =	vadd.f32 v19, v16;
	v18 =	vadd.f32 v10, v11;
	v10, _, _ =	vpop (xrf2);
	s4 =	sand.u32 $0x7FFFFFFF, s6;
	s12 =	sadd.s32 $0x1FB, s31;
	s22 =	smov.u32 @p2 s8  }
0x175: {  	v16 =	vmul.f32 v63, v3;
	v14 =	vmul.f32 v63, v63;
	v11 =	vld [tilespmem:s29+$0xFFFFFF30];
	(v2sf) =	vpush v10, $0xF;
	s8 =	smax.f32 s30, $1.000000000e-30;
	p2 =	seq.f32 s3, s28;
	s22 =	smov.u32 @p0 s16  }
0x176: {  	v8 =	vadd.f32 v15, v8;
	v15 =	vmul.f32 v17, v4;
	v13 =	vmul.f32 v17, v17;
	v10, _, _ =	vpop (xrf2);
	(xrf2) =	vadd.scan.msk.f32 $0xffff, v18;
	p3 =	slt.s32 s12, s24;
	p1 =	sgt.f32 s3, s28;
	s22 =	smov.u32 @p4 s9  }
.LBB2_5:
0x177: {  	p2 =	por !p3, !p2;
	s9 =	smov.u32 s7;
	s7 =	sadd.s32 $0x8, s7  }
0x178: {  	p0 =	slt.u32 s7, $0x1E8;
	v15 =	vadd.f32 v15, v16;
	v16 =	vmul.f32 v12, v2;
	v13 =	vadd.f32 v13, v14;
	p2 =	por !p2, !p2  }
0x179: {  	s3 =	smul.f32 s4, s6;
	v12 =	vmul.f32 v12, v12;
	v14, _, _ =	vpop (xrf2);
	(xrf2) =	vadd.scan.msk.f32 $0xffff, v9;
	p1 =	por p1, p2  }
0x17a: {  	v9 =	vadd.f32 v16, v15;
	v15 =	vmul.f32 v11, v1;
	s21 =	smov.u32 @p1 s11;
	s24 =	smov.u32 @p1 s12  }
0x17b: {  	v13 =	vadd.f32 v12, v13;
	v11 =	vmul.f32 v11, v11;
	s23 =	smov.u32 @p1 s14;
	s4 =	smul.f32 s21, s3;
	(v2sf) =	vpush v5, $0xF;
	v5 =	vmovc v14  }
0x17c: {  	s5 =	sadd.s32 $0x1FC, s31;
	s22 =	smov.u32 @p1 s1;
	s1 =	smul.f32 s23, s8;
	v9 =	vadd.f32 v15, v9  }
0x17d: {  	p2 =	slt.s32 s5, s24;
	v11 =	vadd.f32 v11, v13;
	v12, _, _ =	vpop (xrf2)  }
0x17e: {  	p3 =	seq.f32 s4, s1;
	(xrf2) =	vadd.scan.msk.f32 $0xffff, v9;
	s10 =	spop (v2sf)  }
0x17f: {  	p1 =	sgt.f32 s4, s1;
	(v2sf) =	vpush v12, $0xF;
	s4 =	sand.u32 $0x7FFFFFFF, s10;
	s1 =	spop (v2sf)  }
0x180: {  	p2 =	por !p2, !p3;
	v9 =	vld [tilespmem:s29+$0xFFFFFF90];
	v12, _, _ =	vpop (xrf2);
	s1 =	smax.f32 s1, $1.000000000e-30;
	s14 =	smul.f32 s4, s10  }
0x181: {  	p2 =	por !p2, !p2;
	v13 =	vld [tilespmem:s29+$0xFFFFFF80];
	(v2sf) =	vpush v12, $0xF;
	(xrf2) =	vadd.scan.msk.f32 $0xffff, v11  }
0x182: {  	p1 =	por p1, p2  }
0x183: {  	s23 =	smov.u32 @p1 s3;
	s21 =	smov.u32 @p1 s8;
	v11 =	vld [tilespmem:s29+$0xFFFFFFA0];
	v12, _, _ =	vpop (xrf2);
	(v2sf) =	vpush v6, $0xF  }
0x184: {  	s3 =	smul.f32 s21, s14;
	s4 =	spop (v2sf);
	(v2sf) =	vpush v12, $0xF;
	(xrf2) =	vadd.scan.msk.f32 $0xffff, v8  }
0x185: {  	s24 =	smov.u32 @p1 s5;
	s5 =	sadd.s32 $0x1FD, s31;
	s8 =	smul.f32 s23, s1;
	v6 =	vld [tilespmem:s29+$0xFFFFFFB0];
	v8 =	vmul.f32 v9, v4;
	v9 =	vmul.f32 v9, v9  }
0x186: {  	s22 =	smov.u32 @p1 s6;
	s11 =	sand.u32 $0x7FFFFFFF, s4;
	v14 =	vmul.f32 v13, v3;
	v13 =	vmul.f32 v13, v13  }
0x187: {  	p1 =	sgt.f32 s3, s8;
	p2 =	seq.f32 s3, s8;
	(xrf2) =	vadd.scan.msk.f32 $0xffff, v7  }
0x188: {  	p3 =	slt.s32 s5, s24;
	v7 =	vadd.f32 v8, v14;
	v8 =	vmul.f32 v11, v2;
	v9 =	vadd.f32 v9, v13;
	v12, _, _ =	vpop (xrf2)  }
0x189: {  	p2 =	por !p3, !p2;
	v13 =	vmul.f32 v11, v11;
	(v2sf) =	vpush v12, $0xF  }
0x18a: {  	p2 =	por !p2, !p2;
	v7 =	vadd.f32 v8, v7;
	v8 =	vmul.f32 v6, v1;
	(v2sf) =	vpush v10, $0xF;
	s12 =	spop (v2sf)  }
0x18b: {  	s3 =	smax.f32 s2, $1.000000000e-30;
	p1 =	por p1, p2;
	v9 =	vadd.f32 v13, v9;
	v12 =	vmul.f32 v6, v6;
	v10 =	vld [tilespmem:s29+$0x10];
	v11, _, _ =	vpop (xrf2);
	s2 =	sand.u32 $0x7FFFFFFF, s12  }
0x18c: {  	s23 =	smov.u32 @p1 s14;
	v7 =	vadd.f32 v8, v7;
	v8 =	vld [tilespmem:s29+$0x0];
	(v2sf) =	vpush v11, $0xF;
	s14 =	smul.f32 s2, s12  }
0x18d: {  	s21 =	smov.u32 @p1 s1;
	v9 =	vadd.f32 v12, v9;
	s2 =	smul.f32 s23, s3  }
0x18e: {  	s16 =	sadd.s32 $0x1FE, s31;
	v11 =	vld [tilespmem:s29+$0x20];
	s6 =	spop (v2sf);
	(xrf2) =	vadd.scan.msk.f32 $0xffff, v7;
	v6, _, _ =	vpop (xrf2);
	s15 =	smul.f32 s21, s14  }
0x18f: {  	s24 =	smov.u32 @p1 s5;
	s22 =	smov.u32 @p1 s10;
	s1 =	sand.u32 $0x7FFFFFFF, s6  }
0x190: {  	v7 =	vld [tilespmem:s29+$0x30];
	v12 =	vmul.f32 v10, v4;
	v10 =	vmul.f32 v10, v10;
	s5 =	spop (v2sf);
	p1 =	seq.f32 s15, s2  }
0x191: {  	p2 =	slt.s32 s16, s24;
	s8 =	smax.f32 s5, $1.000000000e-30;
	v13 =	vmul.f32 v8, v3;
	v8 =	vmul.f32 v8, v8;
	(xrf2) =	vadd.scan.msk.f32 $0xffff, v9;
	v9, _, _ =	vpop (xrf2)  }
0x192: {  	p3 =	sgt.f32 s15, s2;
	p1 =	por !p2, !p1;
	s15 =	spop (v2sf)  }
0x193: {  	v12 =	vadd.f32 v12, v13;
	v8 =	vadd.f32 v10, v8;
	v10 =	vmul.f32 v11, v11;
	s2 =	spop (v2sf);
	p1 =	por !p1, !p1;
	s5 =	sand.u32 $0x7FFFFFFF, s15  }
0x194: {  	s17 =	smax.f32 s19, $1.000000000e-30;
	v11 =	vmul.f32 v11, v2;
	(v2sf) =	vpush v9, $0xF;
	p1 =	por p3, p1;
	s5 =	smul.f32 s5, s15  }
0x195: {  	v8 =	vadd.f32 v10, v8;
	v13 =	vmul.f32 v7, v7;
	s23 =	smov.u32 @p1 s14;
	s21 =	smov.u32 @p1 s3  }
0x196: {  	v10 =	vadd.f32 v11, v12;
	v7 =	vmul.f32 v7, v1;
	s24 =	smov.u32 @p1 s16;
	s3 =	smul.f32 s21, s5  }
0x197: {  	s22 =	smov.u32 @p1 s12;
	s16 =	sadd.s32 $0x1FF, s31;
	s18 =	smul.f32 s23, s17;
	v8 =	vadd.f32 v13, v8  }
0x198: {  	v7 =	vadd.f32 v7, v10;
	s10 =	spop (v2sf);
	v9, _, _ =	vpop (xrf2)  }
0x199: {  	p2 =	seq.f32 s3, s18;
	s12 =	sand.u32 $0x7FFFFFFF, s10;
	s19 =	spop (v2sf);
	(xrf2) =	vadd.scan.msk.f32 $0xffff, v8  }
0x19a: {  	s14 =	smul.f32 s11, s4;
	p3 =	slt.s32 s16, s24;
	p1 =	sgt.f32 s3, s18;
	(v2sf) =	vpush v9, $0xF  }
0x19b: {  	s31 =	sadd.s32 s0, s25;
	p2 =	por !p3, !p2;
	s3 =	spop (v2sf);
	v8, _, _ =	vpop (xrf2)  }
0x19c: {  	s0 =	smov.u32 s9;
	s11 =	sadd.s32 $0x1F8, s31;
	p2 =	por !p2, !p2;
	(v2sf) =	vpush v8, $0xF;
	(xrf2) =	vadd.scan.msk.f32 $0xffff, v7  }
0x19d: {  	p1 =	por p1, p2;
	v7 =	vld [tilespmem:s29+$0x90]  }
0x19e: {  	s18 =	smax.f32 s19, $1.000000000e-30;
	s21 =	smov.u32 @p1 s17;
	v8 =	vld [tilespmem:s29+$0x80]  }
0x19f: {  	s23 =	smov.u32 @p1 s5;
	s24 =	smov.u32 @p1 s16  }
0x1a0: {  	s22 =	smov.u32 @p1 s15;
	v9 =	vld [tilespmem:s29+$0xB0]  }
0x1a1: {  	s9 =	smax.f32 s3, $1.000000000e-30;
	s5 =	smul.f32 s14, s21;
	v10 =	vld [tilespmem:s29+$0xA0];
	s29 =	sadd.s32 $0x400, s29  }
0x1a2: {  	s3 =	smul.f32 s18, s23;
	v11 =	vld [tilespmem:s29+$0xFFFFFE10];
	v12 =	vmul.f32 v7, v4  }
0x1a3: {  	v13 =	vld [tilespmem:s29+$0xFFFFFE00];
	v14 =	vmul.f32 v8, v3;
	v8 =	vmul.f32 v8, v8;
	v15, _, _ =	vpop (xrf2);
	s19 =	spop (v2sf)  }
0x1a4: {  	p3 =	slt.s32 s11, s24;
	p1 =	sgt.f32 s5, s3;
	p2 =	seq.f32 s5, s3;
	v7 =	vmul.f32 v7, v7;
	v16 =	vld [tilespmem:s29+$0x110]  }
0x1a5: {  	v17 =	vld [tilespmem:s29+$0xFFFFFE20];
	v12 =	vadd.f32 v12, v14;
	(v2sf) =	vpush v15, $0xF  }
0x1a6: {  	p2 =	por !p3, !p2;
	v7 =	vadd.f32 v7, v8;
	v14 =	vld [tilespmem:s29+$0x100];
	v15 =	vmul.f32 v10, v2;
	v8 =	vmul.f32 v10, v10;
	v10, _, _ =	vpop (xrf2)  }
0x1a7: {  	p2 =	por !p2, !p2;
	v20 =	vmul.f32 v9, v9;
	v18 =	vld [tilespmem:s29+$0xFFFFFE30];
	v19 =	vmul.f32 v11, v11;
	(v2sf) =	vpush v10, $0xF  }
0x1a8: {  	s16 =	smul.f32 s1, s6;
	p1 =	por p1, p2;
	v11 =	vmul.f32 v11, v4;
	v10 =	vmul.f32 v13, v3;
	v21 =	vld [tilespmem:s29+$0x120];
	v12 =	vadd.f32 v15, v12  }
0x1a9: {  	s15 =	sadd.s32 $0x1F9, s31;
	s21 =	smov.u32 @p1 s18;
	v9 =	vmul.f32 v9, v1;
	v13 =	vmul.f32 v13, v13;
	v7 =	vadd.f32 v8, v7;
	v15 =	vld [tilespmem:s29+$0x180];
	s1 =	spop (v2sf)  }
0x1aa: {  	s23 =	smov.u32 @p1 s14;
	s3 =	smul.f32 s21, s16;
	v22 =	vmul.f32 v16, v4;
	v8 =	vmul.f32 v17, v2;
	v23 =	vld [tilespmem:s29+$0x190];
	s14 =	sand.u32 $0x7FFFFFFF, s1  }
0x1ab: {  	s5 =	smul.f32 s23, s8;
	v17 =	vmul.f32 v17, v17;
	v9 =	vadd.f32 v9, v12;
	v24 =	vld [tilespmem:s29+$0x130];
	v25 =	vmul.f32 v14, v14;
	s17 =	spop (v2sf)  }
0x1ac: {  	s24 =	smov.u32 @p1 s11;
	v7 =	vadd.f32 v20, v7;
	v14 =	vmul.f32 v14, v3;
	v12 =	vmul.f32 v18, v1;
	v26 =	vld [tilespmem:s29+$0x1A0];
	s11 =	smax.f32 s17, $1.000000000e-30  }
0x1ad: {  	p4 =	slt.s32 s15, s24;
	p2 =	sgt.f32 s3, s5;
	p3 =	seq.f32 s3, s5;
	v13 =	vadd.f32 v19, v13;
	v18 =	vmul.f32 v18, v18;
	v19 =	vld [tilespmem:s29+$0x1B0];
	(xrf2) =	vadd.scan.msk.f32 $0xffff, v9  }
0x1ae: {  	s22 =	smov.u32 @p1 s4;
	v9 =	vadd.f32 v11, v10;
	v10 =	vmul.f32 v21, v2;
	v11 =	vmul.f32 v15, v15  }
0x1af: {  	s12 =	smul.f32 s12, s10;
	v16 =	vmul.f32 v16, v16;
	p1 =	por !p4, !p3;
	v13 =	vadd.f32 v17, v13;
	v15 =	vmul.f32 v15, v3  }
0x1b0: {  	p1 =	por !p1, !p1;
	v8 =	vadd.f32 v8, v9;
	v20 =	vmul.f32 v23, v4;
	v9 =	vld [tilespmem:s29+$0xFFFFFE90];
	v17 =	vmul.f32 v24, v1;
	(xrf2) =	vadd.scan.msk.f32 $0xffff, v7  }
0x1b1: {  	p1 =	por p2, p1;
	v14 =	vadd.f32 v22, v14;
	v16 =	vadd.f32 v16, v25;
	v21 =	vmul.f32 v21, v21;
	v7 =	vld [tilespmem:s29+$0xFFFFFE80]  }
0x1b2: {  	s23 =	smov.u32 @p1 s16;
	s21 =	smov.u32 @p1 s8;
	v8 =	vadd.f32 v12, v8;
	v12 =	vadd.f32 v18, v13;
	v13 =	vmul.f32 v26, v2  }
0x1b3: {  	s3 =	sadd.s32 $0x1FA, s31;
	s24 =	smov.u32 @p1 s15;
	s4 =	smul.f32 s21, s12;
	v10 =	vadd.f32 v10, v14;
	v14 =	vadd.f32 v21, v16;
	v16 =	vmul.f32 v24, v24;
	v18 =	vld [tilespmem:s29+$0xFFFFFEA0]  }
0x1b4: {  	s5 =	smul.f32 s23, s9;
	v21 =	vmul.f32 v23, v23;
	v15 =	vadd.f32 v20, v15;
	v20 =	vmul.f32 v19, v1;
	(xrf2) =	vadd.scan.msk.f32 $0xffff, v8;
	s8 =	spop (v2sf)  }
0x1b5: {  	s22 =	smov.u32 @p1 s6;
	v8 =	vld [tilespmem:s29+$0xFFFFFEB0];
	v22 =	vmul.f32 v9, v4;
	v23 =	vmul.f32 v9, v9;
	v9 =	vadd.f32 v16, v14;
	s8 =	smax.f32 s8, $1.000000000e-30  }
0x1b6: {  	p2 =	seq.f32 s4, s5;
	v10 =	vadd.f32 v17, v10;
	v14 =	vmul.f32 v7, v3;
	v7 =	vmul.f32 v7, v7;
	s6 =	spop (v2sf)  }
0x1b7: {  	p3 =	slt.s32 s3, s24;
	p1 =	sgt.f32 s4, s5;
	v11 =	vadd.f32 v21, v11;
	v13 =	vadd.f32 v13, v15;
	v15 =	vmul.f32 v26, v26;
	(xrf2) =	vadd.scan.msk.f32 $0xffff, v12;
	s4 =	sand.u32 $0x7FFFFFFF, s6;
	v12, _, _ =	vpop (xrf2)  }
0x1b8: {  	p2 =	por !p3, !p2;
	v14 =	vadd.f32 v22, v14;
	v16 =	vmul.f32 v18, v2;
	v7 =	vadd.f32 v23, v7  }
0x1b9: {  	p2 =	por !p2, !p2;
	v11 =	vadd.f32 v15, v11;
	v15 =	vmul.f32 v19, v19;
	v17 =	vmul.f32 v18, v18  }
0x1ba: {  	s14 =	smul.f32 s14, s1;
	p1 =	por p1, p2;
	v14 =	vadd.f32 v16, v14;
	v16 =	vmul.f32 v8, v1;
	(xrf2) =	vadd.scan.msk.f32 $0xffff, v10;
	(v2sf) =	vpush v12, $0xF;
	v10, _, _ =	vpop (xrf2)  }
0x1bb: {  	s23 =	smov.u32 @p1 s12;
	s21 =	smov.u32 @p1 s9;
	v12 =	vadd.f32 v17, v7;
	v8 =	vmul.f32 v8, v8;
	v17 =	vld [tilespmem:s29+$0xFFFFFF10];
	(v2sf) =	vpush v10, $0xF  }
0x1bc: {  	s24 =	smov.u32 @p1 s3;
	s12 =	sadd.s32 $0x1FB, s31;
	s3 =	smul.f32 s21, s14;
	v7 =	vadd.f32 v15, v11;
	v10 =	vadd.f32 v16, v14;
	v14 =	vld [tilespmem:s29+$0xFFFFFF00]  }
.Ltmp3:
0x1bd: {  	s22 =	smov.u32 @p1 s10;
	v18 =	vadd.f32 v8, v12;
	v8 =	vadd.f32 v20, v13;
	(pc) =	sbr.rel @p0 .LBB2_5-.Ltmp3, $4  }
0x1be: {  	s5 =	smul.f32 s23, s11;
	v12 =	vld [tilespmem:s29+$0xFFFFFF20];
	v16, _, _ =	vpop (xrf2);
	(xrf2) =	vadd.scan.msk.f32 $0xffff, v10  }
0x1bf: {  	p3 =	slt.s32 s12, s24  }
0x1c0: {  	p1 =	sgt.f32 s3, s5;
	p2 =	seq.f32 s3, s5;
	v11 =	vld [tilespmem:s29+$0xFFFFFF30];
	v15 =	vmul.f32 v17, v4;
	v13 =	vmul.f32 v17, v17;
	(v2sf) =	vpush v16, $0xF  }
0x1c1: {  	v16 =	vmul.f32 v14, v3;
	v14 =	vmul.f32 v14, v14;
	v10, _, _ =	vpop (xrf2);
	(xrf2) =	vadd.scan.msk.f32 $0xffff, v18  }
0x1c2: {  	p0 =	por !p3, !p2  }
0x1c3: {  	p0 =	por !p0, !p0  }
0x1c4: {  	s3 =	smul.f32 s4, s6;
	p5 =	por p1, p0  }
0x1c5: {  	s21 =	smov.u32 @p5 s11  }
0x1c6: {  	(v2sf) =	vpush v5, $0xF;
	s23 =	smov.u32 @p5 s14;
	s5 =	smul.f32 s21, s3  }
0x1c7: {  	s7 =	smul.f32 s23, s8  }
0x1c8: {  	v15 =	vadd.f32 v15, v16;
	v25 =	vmul.f32 v12, v2  }
0x1c9: {  	s9 =	sadd.s32 $0x1FC, s31;
	s24 =	smov.u32 @p5 s12;
	p3 =	seq.f32 s5, s7  }
0x1ca: {  	v15 =	vadd.f32 v25, v15;
	v26 =	vmul.f32 v11, v1;
	p4 =	slt.s32 s9, s24  }
0x1cb: {  	v5, _, _ =	vpop (xrf2);
	p6 =	sgt.f32 s5, s7;
	s4 =	spop (v2sf);
	p0 =	por !p4, !p3  }
0x1cc: {  	v15 =	vadd.f32 v26, v15;
	v17, _, _ =	vpop (xrf2);
	s14 =	sand.u32 $0x7FFFFFFF, s4;
	p0 =	por !p0, !p0  }
0x1cd: {  	(xrf2) =	vadd.scan.msk.f32 $0xffff, v9;
	(v2sf) =	vpush v17, $0xF;
	v27, _, _ =	vpop (xrf2);
	s5 =	smul.f32 s14, s4;
	p0 =	por p6, p0  }
0x1ce: {  	(xrf2) =	vadd.scan.msk.f32 $0xffff, v15;
	s15 =	spop (v2sf);
	(v2sf) =	vpush v27, $0xF;
	s21 =	smov.u32 @p0 s8  }
0x1cf: {  	s11 =	smax.f32 s15, $1.000000000e-30;
	(v2sf) =	vpush v6, $0xF;
	s23 =	smov.u32 @p0 s3;
	s16 =	smul.f32 s21, s5  }
0x1d0: {  	s17 =	smul.f32 s23, s11  }
0x1d1: {  	s10 =	simm.s32 @!p0 $0x0  }
0x1d2: {  	s24 =	smov.u32 @p0 s9;
	s9 =	sadd.s32 $0x1FD, s31;
	p3 =	seq.f32 s16, s17  }
0x1d3: {  	s10 =	simm.s32 @p0 $0x1;
	p4 =	slt.s32 s9, s24  }
0x1d4: {  	s7 =	spop (v2sf);
	p6 =	sgt.f32 s16, s17;
	p0 =	por !p4, !p3  }
0x1d5: {  	[smem:$0x7EE] =	sst s10;
	s10 =	spop (v2sf);
	p0 =	por !p0, !p0  }
0x1d6: {  	s18 =	sand.u32 $0x7FFFFFFF, s10;
	p0 =	por p6, p0  }
0x1d7: {  	v6, _, _ =	vpop (xrf2);
	s3 =	smax.f32 s2, $1.000000000e-30;
	s23 =	smov.u32 @p0 s5;
	s5 =	smul.f32 s18, s10  }
0x1d8: {  	(v2sf) =	vpush v6, $0xF;
	v6, _, _ =	vpop (xrf2);
	s21 =	smov.u32 @p0 s11;
	s20 =	smul.f32 s23, s3  }
0x1d9: {  	(v2sf) =	vpush v6, $0xF;
	s11 =	smul.f32 s21, s5  }
0x1da: {  	v30 =	vld [tilespmem:s29+$0xFFFFFF80];
	s14 =	sadd.s32 $0x1FE, s31;
	s2 =	simm.s32 @!p0 $0x0;
	(v2sf) =	vpush v10, $0xF  }
0x1db: {  	v6 =	vld [tilespmem:s29+$0xFFFFFF90];
	s24 =	smov.u32 @p0 s9;
	s2 =	simm.s32 @p0 $0x1;
	p3 =	seq.f32 s11, s20  }
0x1dc: {  	v28 =	vadd.f32 v13, v14;
	v29 =	vmul.f32 v12, v12;
	p4 =	slt.s32 s14, s24;
	[smem:$0x7EF] =	sst s2;
	s2 =	spop (v2sf)  }
0x1dd: {  	v32 =	vld [tilespmem:s29+$0xFFFFFFA0];
	p6 =	sgt.f32 s11, s20;
	s26 =	spop (v2sf);
	p0 =	por !p4, !p3  }
0x1de: {  	v9 =	vadd.f32 v29, v28;
	v31 =	vmul.f32 v11, v11;
	s11 =	spop (v2sf);
	p0 =	por !p0, !p0  }
0x1df: {  	v33 =	vld [tilespmem:s29+$0xFFFFFFB0];
	s28 =	sand.u32 $0x7FFFFFFF, s11;
	p0 =	por p6, p0  }
0x1e0: {  	v9 =	vadd.f32 v31, v9;
	v35 =	vmul.f32 v30, v3;
	s16 =	smax.f32 s19, $1.000000000e-30;
	v34 =	vmul.f32 v6, v4;
	s15 =	smul.f32 s28, s11;
	s23 =	smov.u32 @p0 s5  }
0x1e1: {  	v39 =	vld [tilespmem:s29+$0x10];
	v36 =	vmul.f32 v30, v30;
	v6 =	vmul.f32 v6, v6;
	s21 =	smov.u32 @p0 s3;
	s5 =	smul.f32 s23, s16  }
0x1e2: {  	v40 =	vld [tilespmem:s29+$0x0];
	v38 =	vmul.f32 v32, v2;
	(xrf2) =	vadd.scan.msk.f32 $0xffff, v9;
	v37 =	vadd.f32 v34, v35;
	s3 =	smul.f32 s21, s15  }
0x1e3: {  	v11 =	vmul.f32 v32, v32;
	v6 =	vadd.f32 v6, v36  }
0x1e4: {  	v42 =	vld [tilespmem:s29+$0x20];
	v41 =	vmul.f32 v33, v1;
	v12 =	vadd.f32 v38, v37;
	s24 =	smov.u32 @p0 s14;
	s14 =	sadd.s32 $0x1FF, s31;
	p1 =	seq.f32 s3, s5  }
0x1e5: {  	v43 =	vmul.f32 v33, v33;
	(xrf2) =	vadd.scan.msk.f32 $0xffff, v8;
	s30 =	sand.u32 $0x7FFFFFFF, s7;
	v6 =	vadd.f32 v11, v6;
	s9 =	simm.s32 @!p0 $0x0;
	p2 =	slt.s32 s14, s24  }
0x1e6: {  	(xrf2) =	vadd.scan.msk.f32 $0xffff, v7;
	v7 =	vld [tilespmem:s29+$0x30];
	s9 =	simm.s32 @p0 $0x1;
	v44 =	vadd.f32 v41, v12;
	p3 =	sgt.f32 s3, s5;
	p0 =	por !p2, !p1  }
0x1e7: {  	v45 =	vmul.f32 v39, v39;
	v46 =	vmul.f32 v40, v40;
	v6 =	vadd.f32 v43, v6;
	[smem:$0x7F0] =	sst s9;
	s9 =	spop (v2sf);
	p0 =	por !p0, !p0  }
0x1e8: {  	v47 =	vmul.f32 v39, v4;
	v9 =	vmul.f32 v40, v3;
	(xrf2) =	vadd.scan.msk.f32 $0xffff, v44;
	s3 =	smul.f32 s30, s7;
	s8 =	spop (v2sf);
	p0 =	por p3, p0  }
0x1e9: {  	v48 =	vmul.f32 v42, v42;
	(xrf2) =	vadd.scan.msk.f32 $0xffff, v6;
	v6 =	vadd.f32 v45, v46;
	s31 =	spop (v2sf);
	s21 =	smov.u32 @p0 s16  }
0x1ea: {  	v50 =	vmul.f32 v42, v2;
	v9 =	vadd.f32 v47, v9;
	s5 =	smax.f32 s31, $1.000000000e-30;
	s23 =	smov.u32 @p0 s15;
	s16 =	smul.f32 s3, s21  }
0x1eb: {  	v51 =	vmul.f32 v7, v7;
	v6 =	vadd.f32 v48, v6;
	s18 =	smul.f32 s5, s23  }
0x1ec: {  	v52 =	vld [tilespmem:s29+$0x90];
	s0 =	sadd.s32 s0, s25;
	v9 =	vadd.f32 v50, v9;
	v49, _, _ =	vpop (xrf2)  }
0x1ed: {  	v53 =	vld [tilespmem:s29+$0x80];
	s17 =	sadd.s32 $0x1F8, s0;
	v7 =	vmul.f32 v7, v1;
	(v2sf) =	vpush v49, $0xF;
	v6 =	vadd.f32 v51, v6;
	s24 =	smov.u32 @p0 s14;
	p4 =	seq.f32 s16, s18  }
0x1ee: {  	s15 =	simm.s32 @!p0 $0x0;
	p6 =	slt.s32 s17, s24  }
0x1ef: {  	v54 =	vld [tilespmem:s29+$0xA0];
	v7 =	vadd.f32 v7, v9;
	s15 =	simm.s32 @p0 $0x1;
	p2 =	sgt.f32 s16, s18;
	p0 =	por !p6, !p4  }
0x1f0: {  	v55, _, _ =	vpop (xrf2);
	s19 =	sand.u32 $0x7FFFFFFF, s2;
	(xrf2) =	vadd.scan.msk.f32 $0xffff, v6;
	p0 =	por !p0, !p0  }
0x1f1: {  	s14 =	smul.f32 s19, s2;
	(xrf2) =	vadd.scan.msk.f32 $0xffff, v7;
	v7 =	vld [tilespmem:s29+$0xB0];
	v6, _, _ =	vpop (xrf2);
	p0 =	por p2, p0  }
0x1f2: {  	v56 =	vmul.f32 v52, v4;
	v57 =	vmul.f32 v53, v3;
	(v2sf) =	vpush v6, $0xF;
	v6, _, _ =	vpop (xrf2);
	s21 =	smov.u32 @p0 s5  }
0x1f3: {  	s12 =	smax.f32 s26, $1.000000000e-30;
	(v2sf) =	vpush v6, $0xF;
	s23 =	smov.u32 @p0 s3;
	s20 =	smul.f32 s21, s14  }
0x1f4: {  	v59 =	vmul.f32 v54, v2;
	v12 =	vadd.f32 v56, v57;
	[smem:$0x7F1] =	sst s15;
	s15 =	simm.s32 @!p0 $0x0;
	s26 =	smul.f32 s23, s12  }
0x1f5: {  	v10 =	vmul.f32 v52, v52;
	v6 =	vmul.f32 v53, v53;
	v58, _, _ =	vpop (xrf2);
	s24 =	smov.u32 @p0 s17;
	s15 =	simm.s32 @p0 $0x1  }
0x1f6: {  	v60 =	vadd.f32 v59, v12;
	(v2sf) =	vpush v58, $0xF;
	v61 =	vmul.f32 v7, v1;
	[smem:$0x7F2] =	sst s15;
	s15 =	sadd.s32 $0x1F9, s0;
	p3 =	seq.f32 s20, s26  }
0x1f7: {  	v8 =	vmul.f32 v54, v54;
	v6 =	vadd.f32 v10, v6;
	v7 =	vmul.f32 v7, v7;
	p4 =	slt.s32 s15, s24  }
0x1f8: {  	v62 =	vadd.f32 v61, v60;
	p6 =	sgt.f32 s20, s26;
	p0 =	por !p4, !p3  }
0x1f9: {  	s28 =	sand.u32 $0x7FFFFFFF, s8;
	v6 =	vadd.f32 v8, v6;
	p0 =	por !p0, !p0  }
0x1fa: {  	s3 =	smul.f32 s28, s8;
	v63, _, _ =	vpop (xrf2);
	(xrf2) =	vadd.scan.msk.f32 $0xffff, v62;
	p0 =	por p6, p0  }
0x1fb: {  	v6 =	vadd.f32 v7, v6;
	(v2sf) =	vpush v63, $0xF;
	v7, _, _ =	vpop (xrf2);
	s5 =	simm.s32 @!p0 $0x0;
	s21 =	smov.u32 @p0 s12  }
0x1fc: {  	s29 =	spop (v2sf);
	(v2sf) =	vpush v7, $0xF;
	s5 =	simm.s32 @p0 $0x1;
	s30 =	smul.f32 s21, s3  }
0x1fd: {  	(xrf2) =	vadd.scan.msk.f32 $0xffff, v6;
	s23 =	smov.u32 @p0 s14;
	[smem:$0x7F3] =	sst s5;
	s5 =	smax.f32 s29, $1.000000000e-30  }
0x1fe: {  	s31 =	smul.f32 s23, s5;
	_ =	sdelay $0x1  }
0x1ff: {  	s24 =	smov.u32 @p0 s15;
	s15 =	sadd.s32 $0x1FA, s0;
	p1 =	seq.f32 s30, s31  }
0x200: {  	p2 =	slt.s32 s15, s24;
	s14 =	spop (v2sf)  }
0x201: {  	s12 =	spop (v2sf);
	p3 =	sgt.f32 s30, s31;
	p0 =	por !p2, !p1  }
0x202: {  	s18 =	sand.u32 $0x7FFFFFFF, s12;
	p0 =	por !p0, !p0  }
0x203: {  	v6, _, _ =	vpop (xrf2);
	s16 =	smul.f32 s18, s12;
	p3 =	por p3, p0  }
0x204: {  	s19 =	spop (v2sf);
	(v2sf) =	vpush v6, $0xF;
	s21 =	smov.u32 @p3 s5  }
0x205: {  	s17 =	smax.f32 s19, $1.000000000e-30;
	s23 =	smov.u32 @p3 s3;
	s20 =	smul.f32 s21, s16  }
0x206: {  	v6, _, _ =	vpop (xrf2);
	s26 =	smul.f32 s23, s17  }
0x207: {  	(v2sf) =	vpush v6, $0xF  }
0x208: {  	s18 =	sadd.s32 $0x1FB, s0;
	s24 =	smov.u32 @p3 s15;
	p4 =	seq.f32 s20, s26  }
0x209: {  	s28 =	spop (v2sf);
	p6 =	slt.s32 s18, s24  }
0x20a: {  	s15 =	spop (v2sf);
	p2 =	sgt.f32 s20, s26;
	p0 =	por !p6, !p4  }
0x20b: {  	s29 =	sand.u32 $0x7FFFFFFF, s15;
	p0 =	por !p0, !p0  }
0x20c: {  	s3 =	smul.f32 s29, s15;
	p2 =	por p2, p0  }
0x20d: {  	s21 =	smov.u32 @p2 s17  }
0x20e: {  	(v2sf) =	vpush v5, $0xF;
	s5 =	smax.f32 s28, $1.000000000e-30;
	s23 =	smov.u32 @p2 s16;
	s30 =	smul.f32 s21, s3  }
0x20f: {  	s31 =	smul.f32 s23, s5;
	_ =	sdelay $0x1  }
0x210: {  	s24 =	smov.u32 @p2 s18;
	s18 =	sadd.s32 $0x1FC, s0;
	p4 =	seq.f32 s30, s31  }
0x211: {  	p6 =	slt.s32 s18, s24  }
0x212: {  	s19 =	spop (v2sf);
	p0 =	por !p6, !p4;
	p4 =	sgt.f32 s30, s31  }
0x213: {  	s17 =	sand.u32 $0x7FFFFFFF, s19;
	p0 =	por !p0, !p0  }
0x214: {  	s16 =	smul.f32 s17, s19;
	p1 =	por p4, p0  }
0x215: {  	(v2sf) =	vpush v55, $0xF;
	s20 =	spop (v2sf);
	s21 =	smov.u32 @p1 s5  }
0x216: {  	s17 =	smax.f32 s20, $1.000000000e-30;
	s23 =	smov.u32 @p1 s3;
	s26 =	smul.f32 s21, s16  }
0x217: {  	s28 =	smul.f32 s23, s17;
	_ =	sdelay $0x1  }
0x218: {  	s24 =	smov.u32 @p1 s18;
	s18 =	sadd.s32 $0x1FD, s0;
	p6 =	seq.f32 s26, s28  }
0x219: {  	s22 =	smov.u32 @p5 s1;
	p4 =	slt.s32 s18, s24  }
0x21a: {  	s30 =	sld [smem:$0x7EE];
	p0 =	por !p4, !p6;
	p6 =	sgt.f32 s26, s28  }
0x21b: {  	s20 =	sld [smem:$0x7F1];
	s3 =	spop (v2sf);
	p0 =	por !p0, !p0  }
0x21c: {  	s5 =	smax.f32 s9, $1.000000000e-30;
	s29 =	sand.u32 $0x7FFFFFFF, s3;
	p0 =	por p6, p0  }
0x21d: {  	s1 =	smul.f32 s29, s3;
	s21 =	smov.u32 @p0 s17;
	s17 =	sld [smem:$0x7EF]  }
0x21e: {  	s23 =	smov.u32 @p0 s16;
	s24 =	smov.u32 @p0 s18;
	s18 =	sld [smem:$0x7F0]  }
0x21f: {  	p4 =	seq.s32 s30, $0x1;
	s28 =	sld [smem:$0x7F2];
	s9 =	smul.f32 s23, s5  }
0x220: {  	s22 =	smov.u32 @p4 s6;
	s31 =	smul.f32 s21, s1;
	p4 =	seq.s32 s17, $0x1  }
0x221: {  	s30 =	sld [smem:$0x7F3];
	p5 =	seq.s32 s18, $0x1;
	s22 =	smov.u32 @p4 s4  }
0x222: {  	s4 =	sadd.s32 $0x1FE, s0;
	p4 =	seq.f32 s31, s9;
	s22 =	smov.u32 @p5 s10  }
0x223: {  	p6 =	slt.s32 s4, s24;
	s10 =	spop (v2sf);
	p5 =	sgt.f32 s31, s9  }
0x224: {  	p4 =	por !p6, !p4;
	p6 =	seq.s32 s20, $0x1;
	s26 =	sand.u32 $0x7FFFFFFF, s10  }
0x225: {  	s22 =	smov.u32 @p6 s11;
	p4 =	por !p4, !p4;
	p6 =	seq.s32 s28, $0x1  }
0x226: {  	s22 =	smov.u32 @p6 s7;
	p4 =	por p5, p4;
	p5 =	seq.s32 s30, $0x1  }
0x227: {  	s6 =	smul.f32 s26, s10;
	s22 =	smov.u32 @p5 s2  }
0x228: {  	s7 =	smax.f32 s14, $1.000000000e-30;
	s21 =	smov.u32 @p4 s5;
	s22 =	smov.u32 @p3 s8  }
0x229: {  	s23 =	smov.u32 @p4 s1;
	s29 =	smul.f32 s21, s6;
	s22 =	smov.u32 @p2 s12  }
0x22a: {  	s31 =	smul.f32 s23, s7;
	s22 =	smov.u32 @p1 s15  }
0x22b: {  	s0 =	sadd.s32 $0x1FF, s0;
	s24 =	smov.u32 @p4 s4;
	s22 =	smov.u32 @p0 s19  }
0x22c: {  	p5 =	seq.f32 s29, s31;
	s22 =	smov.u32 @p4 s3;
	s3 =	rddreg [dreg:$0xe]  }
0x22d: {  	p6 =	slt.s32 s0, s24;
	p1 =	seq.s32 s3, $0x1E  }
.Ltmp4:
0x22e: {  	p3 =	por !p6, !p5;
	p5 =	sgt.f32 s29, s31;
	(pc) =	sbr.rel @p1 .LBB2_8-.Ltmp4, $4  }
0x22f: {  	p6 =	por !p3, !p3  }
0x230: {  	p0 =	por p5, p6  }
0x231: {  	s21 =	smov.u32 @p0 s7  }
0x232: {  	s23 =	smov.u32 @p0 s6;
	s24 =	smov.u32 @p0 s0;
	s22 =	smov.u32 @p0 s10  }
0x233: {  	s0 =	rddreg [dreg:$0x9]  }
.Ltmp5:
0x234: {  	s1 =	rddreg [dreg:$0xf];
	(pc) =	sbr.rel .LBB2_2-.Ltmp5, $4  }
0x235: {  	s30 =	rddreg [dreg:$0x5];
	s0 =	sadd.s32 s1, s0  }
0x236: {  	s31 =	simm.s32 $0x0;
	s2 =	simm.s32 $0xF880;
	s0 =	sshll.u32 s0, $0x4  }
0x237: {  	s3 =	sadd.s32 $0x1, s3;
	s25 =	sadd.s32 $0x3E0, s25;
	s0 =	sadd.s32 s30, s0  }
0x238: {  	[tilespmem:s2], [sflag:$0x2] =	stream.linear.gather [hbm4b:s0+s31], $0xF800, $0x38;
	[tilespmem:$0x1F480] =	vst v63  }
.LBB2_8:
0x239: {  	s0 =	simm.s32 $0x1  }
0x23a: {  	_ =	swait.ge [sflag:s0], $0xF800  }
0x23b: {  	[sflag:s0] =	ssyncset.done $0x0  }
0x23c: {  	s1 =	simm.s32 $0x280;
	[sflag:s0] =	ssyncadd.s32 $0xFFFF0800  }
0x23d: {  	v5 =	vld [tilespmem:s1+$0xFFFFFE10]  }
0x23e: {  	v6 =	vld [tilespmem:s1+$0xFFFFFE00]  }
0x23f: {  	v7 =	vld [tilespmem:s1+$0x110]  }
0x240: {  	v8 =	vld [tilespmem:s1+$0xFFFFFE20]  }
0x241: {  	v9 =	vld [tilespmem:s1+$0x100]  }
0x242: {  	v10 =	vld [tilespmem:s1+$0xFFFFFE30]  }
0x243: {  	v11 =	vmul.f32 v5, v5;
	v12 =	vmul.f32 v6, v3  }
0x244: {  	v20 =	vld [tilespmem:s1+$0xFFFFFE80];
	v5 =	vmul.f32 v5, v4;
	v6 =	vmul.f32 v6, v6  }
0x245: {  	v13 =	vld [tilespmem:s1+$0x120];
	v14 =	vmul.f32 v8, v2;
	v16 =	vmul.f32 v7, v4  }
0x246: {  	v17 =	vld [tilespmem:s1+$0xFFFFFE90];
	v18 =	vmul.f32 v9, v9;
	v9 =	vmul.f32 v9, v3  }
0x247: {  	v15 =	vld [tilespmem:s1+$0x130];
	v8 =	vmul.f32 v8, v8;
	v19 =	vmul.f32 v10, v1;
	v5 =	vadd.f32 v5, v12  }
0x248: {  	v7 =	vmul.f32 v7, v7;
	v6 =	vadd.f32 v11, v6;
	v9 =	vadd.f32 v16, v9;
	v16 =	vld [tilespmem:s1+$0xFFFFFF00]  }
0x249: {  	v10 =	vmul.f32 v10, v10;
	v21 =	vmul.f32 v20, v3;
	v11 =	vld [tilespmem:s1+$0xFFFFFEA0];
	v5 =	vadd.f32 v14, v5  }
0x24a: {  	v12 =	vmul.f32 v13, v2;
	v7 =	vadd.f32 v7, v18;
	v6 =	vadd.f32 v8, v6;
	v8 =	vld [tilespmem:s1+$0xFFFFFF10]  }
0x24b: {  	v18 =	vld [tilespmem:s1+$0xFFFFFEB0];
	v13 =	vmul.f32 v13, v13;
	v5 =	vadd.f32 v19, v5;
	v19 =	vmul.f32 v17, v4  }
0x24c: {  	v55 =	vld [tilespmem:s1+$0xFFFFFF20];
	v6 =	vadd.f32 v10, v6;
	v10 =	vmul.f32 v17, v17;
	v17 =	vmul.f32 v20, v20  }
0x24d: {  	v14 =	vmul.f32 v15, v1;
	v9 =	vadd.f32 v12, v9;
	v56 =	vmul.f32 v16, v3  }
0x24e: {  	v12 =	vadd.f32 v19, v21;
	v19 =	vmul.f32 v11, v2;
	v10 =	vadd.f32 v10, v17;
	v17 =	vld [tilespmem:s1+$0xFFFFFF30]  }
0x24f: {  	v9 =	vadd.f32 v14, v9;
	v11 =	vmul.f32 v11, v11;
	v14 =	vmul.f32 v8, v4  }
0x250: {  	(xrf2) =	vadd.scan.msk.f32 $0xffff, v5;
	v5 =	vmul.f32 v18, v18;
	v12 =	vadd.f32 v19, v12;
	v19 =	vmul.f32 v18, v1  }
0x251: {  	v10 =	vadd.f32 v11, v10;
	v18 =	vld [tilespmem:s1+$0x180];
	v11 =	vadd.f32 v14, v56;
	v14 =	vmul.f32 v55, v2  }
0x252: {  	v7 =	vadd.f32 v13, v7;
	v13 =	vmul.f32 v15, v15;
	(xrf2) =	vadd.scan.msk.f32 $0xffff, v6;
	v6 =	vadd.f32 v19, v12;
	v12 =	vld [tilespmem:s1+$0x190]  }
0x253: {  	(xrf2) =	vadd.scan.msk.f32 $0xffff, v9;
	v5 =	vadd.f32 v5, v10;
	v9 =	vadd.f32 v14, v11;
	v10 =	vmul.f32 v17, v1  }
0x254: {  	v7 =	vadd.f32 v13, v7;
	(xrf2) =	vadd.scan.msk.f32 $0xffff, v6  }
0x255: {  	v6 =	vld [tilespmem:s1+$0x1A0];
	(xrf2) =	vadd.scan.msk.f32 $0xffff, v5;
	v5 =	vadd.f32 v10, v9  }
0x256: {  	v10 =	vmul.f32 v18, v3;
	(xrf2) =	vadd.scan.msk.f32 $0xffff, v7  }
0x257: {  	v7 =	vld [tilespmem:s1+$0x1B0];
	(xrf2) =	vadd.scan.msk.f32 $0xffff, v5;
	v5 =	vmul.f32 v18, v18;
	v9 =	vmul.f32 v12, v12  }
0x258: {  	v11 =	vmul.f32 v12, v4  }
0x259: {  	v5 =	vadd.f32 v9, v5  }
0x25a: {  	v12 =	vmul.f32 v6, v2;
	v6 =	vmul.f32 v6, v6;
	v9 =	vadd.f32 v11, v10  }
0x25b: {  	v8 =	vmul.f32 v8, v8;
	v10, _, _ =	vpop (xrf2);
	v11 =	vmul.f32 v16, v16  }
0x25c: {  	v14, _, _ =	vpop (xrf2);
	v6 =	vadd.f32 v6, v5;
	v13 =	vmul.f32 v7, v7;
	v9 =	vadd.f32 v12, v9  }
0x25d: {  	v15 =	vld [tilespmem:s1+$0xFFFFFF90];
	v8 =	vadd.f32 v8, v11;
	v11 =	vmul.f32 v55, v55;
	v5, _, _ =	vpop (xrf2)  }
0x25e: {  	(v2sf) =	vpush v10, $0xF;
	v12 =	vld [tilespmem:s1+$0xFFFFFF80];
	v7 =	vmul.f32 v7, v1;
	v6 =	vadd.f32 v13, v6;
	v10, _, _ =	vpop (xrf2)  }
0x25f: {  	v16 =	vld [tilespmem:s1+$0xFFFFFFB0];
	v8 =	vadd.f32 v11, v8;
	v11 =	vmul.f32 v17, v17;
	(v2sf) =	vpush v10, $0xF;
	v10, _, _ =	vpop (xrf2)  }
0x260: {  	v13 =	vld [tilespmem:s1+$0xFFFFFFA0];
	v7 =	vadd.f32 v7, v9;
	(v2sf) =	vpush v10, $0xF;
	v9, _, _ =	vpop (xrf2)  }
0x261: {  	v8 =	vadd.f32 v11, v8;
	v11 =	vld [tilespmem:s1+$0x0];
	(v2sf) =	vpush v9, $0xF;
	v9, _, _ =	vpop (xrf2)  }
0x262: {  	v10 =	vld [tilespmem:s1+$0x10];
	(v2sf) =	vpush v9, $0xF  }
0x263: {  	v17 =	vmul.f32 v15, v4;
	v18 =	vmul.f32 v12, v3;
	(v2sf) =	vpush v14, $0xF  }
0x264: {  	v12 =	vmul.f32 v12, v12;
	v9 =	vmul.f32 v15, v15;
	v14 =	vld [tilespmem:s1+$0x20]  }
0x265: {  	v15 =	vadd.f32 v17, v18;
	v17 =	vmul.f32 v13, v2;
	v13 =	vmul.f32 v13, v13  }
0x266: {  	v18 =	vld [tilespmem:s1+$0x30];
	v9 =	vadd.f32 v9, v12;
	v12 =	vmul.f32 v16, v1;
	v16 =	vmul.f32 v16, v16  }
0x267: {  	v15 =	vadd.f32 v17, v15;
	v19 =	vmul.f32 v11, v11;
	v17 =	vmul.f32 v10, v10  }
0x268: {  	v11 =	vmul.f32 v11, v3;
	v10 =	vmul.f32 v10, v4;
	v9 =	vadd.f32 v13, v9  }
0x269: {  	(xrf2) =	vadd.scan.msk.f32 $0xffff, v8;
	v8 =	vadd.f32 v12, v15;
	v12 =	vadd.f32 v17, v19;
	v13 =	vmul.f32 v14, v14  }
0x26a: {  	(xrf2) =	vadd.scan.msk.f32 $0xffff, v7;
	v7 =	vadd.f32 v16, v9;
	v9 =	vadd.f32 v10, v11  }
0x26b: {  	(xrf2) =	vadd.scan.msk.f32 $0xffff, v6;
	v6 =	vmul.f32 v14, v2;
	v11 =	vmul.f32 v18, v18;
	v10 =	vadd.f32 v13, v12  }
0x26c: {  	(xrf2) =	vadd.scan.msk.f32 $0xffff, v8  }
0x26d: {  	s25 =	simm.s32 $0x680;
	s7 =	spop (v2sf);
	(xrf2) =	vadd.scan.msk.f32 $0xffff, v7;
	v6 =	vadd.f32 v6, v9;
	v7 =	vmul.f32 v18, v1;
	v8 =	vadd.f32 v11, v10  }
0x26e: {  	v58 =	vld [tilespmem:s25+$0x120];
	s6 =	spop (v2sf)  }
0x26f: {  	v23 =	vld [tilespmem:s25+$0x190];
	v6 =	vadd.f32 v7, v6;
	(xrf2) =	vadd.scan.msk.f32 $0xffff, v8;
	s2 =	spop (v2sf)  }
0x270: {  	v24 =	vld [tilespmem:s25+$0x130];
	s3 =	sand.u32 $0x7FFFFFFF, s7;
	s0 =	spop (v2sf)  }
0x271: {  	s3 =	smul.f32 s3, s7;
	v7 =	vld [tilespmem:s1+$0x90];
	(xrf2) =	vadd.scan.msk.f32 $0xffff, v6;
	s4 =	spop (v2sf)  }
0x272: {  	v8 =	vld [tilespmem:s1+$0x80];
	s5 =	spop (v2sf)  }
0x273: {  	v12 =	vld [tilespmem:s25+$0xFFFFFE10];
	v9, _, _ =	vpop (xrf2);
	s8 =	smul.f32 s3, s21;
	s5 =	smax.f32 s5, $1.000000000e-30  }
0x274: {  	v10 =	vld [tilespmem:s1+$0xB0];
	v6, _, _ =	vpop (xrf2);
	s14 =	smul.f32 s5, s23  }
0x275: {  	s26 =	sadd.s32 $0xFFFFFFF8, s13;
	v60 =	vmul.f32 v24, v24;
	v11, _, _ =	vpop (xrf2);
	(v2sf) =	vpush v9, $0xF;
	v9 =	vld [tilespmem:s1+$0xA0]  }
0x276: {  	s9 =	sadd.s32 $0x7828, s26;
	v61 =	vmul.f32 v23, v23;
	v13 =	vmul.f32 v7, v4;
	(v2sf) =	vpush v11, $0xF;
	v11, _, _ =	vpop (xrf2);
	p1 =	seq.f32 s8, s14  }
0x277: {  	p2 =	slt.s32 s9, s24;
	v14 =	vld [tilespmem:s25+$0xFFFFFE00];
	v15 =	vmul.f32 v8, v3;
	v8 =	vmul.f32 v8, v8;
	(v2sf) =	vpush v11, $0xF;
	v11, _, _ =	vpop (xrf2)  }
0x278: {  	v21 =	vmul.f32 v58, v58;
	v19 =	vmul.f32 v12, v12;
	(v2sf) =	vpush v11, $0xF;
	v11 =	vld [tilespmem:s25+$0x110];
	p0 =	sgt.f32 s8, s14;
	p1 =	por !p2, !p1  }
0x279: {  	s15 =	sand.u32 $0x7FFFFFFF, s6;
	v12 =	vmul.f32 v12, v4;
	v7 =	vmul.f32 v7, v7;
	v13 =	vadd.f32 v13, v15;
	v15 =	vld [tilespmem:s25+$0x100];
	v16, _, _ =	vpop (xrf2);
	p1 =	por !p1, !p1  }
0x27a: {  	v17 =	vld [tilespmem:s25+$0xFFFFFE20];
	v57 =	vmul.f32 v10, v10;
	s1 =	smul.f32 s15, s6;
	(v2sf) =	vpush v16, $0xF;
	v16 =	vmul.f32 v9, v2;
	p0 =	por p0, p1  }
0x27b: {  	v10 =	vmul.f32 v10, v1;
	v7 =	vadd.f32 v7, v8;
	v9 =	vmul.f32 v9, v9;
	v8, _, _ =	vpop (xrf2);
	s21 =	smov.u32 @p0 s5  }
0x27c: {  	v18 =	vld [tilespmem:s25+$0xFFFFFE30];
	s2 =	smax.f32 s2, $1.000000000e-30;
	(v2sf) =	vpush v8, $0xF;
	v8 =	vmul.f32 v14, v3;
	v13 =	vadd.f32 v16, v13;
	s23 =	smov.u32 @p0 s3;
	s16 =	smul.f32 s21, s1  }
0x27d: {  	v14 =	vmul.f32 v14, v14;
	v22 =	vmul.f32 v11, v4;
	v7 =	vadd.f32 v9, v7;
	s17 =	smul.f32 s23, s2  }
0x27e: {  	v25 =	vmul.f32 v15, v15;
	v15 =	vmul.f32 v15, v3;
	v10 =	vadd.f32 v10, v13  }
0x27f: {  	s10 =	sadd.s32 $0x7829, s26;
	v16 =	vld [tilespmem:s25+$0x180];
	v9 =	vmul.f32 v17, v2;
	s24 =	smov.u32 @p0 s9;
	v8 =	vadd.f32 v12, v8;
	v7 =	vadd.f32 v57, v7;
	p5 =	seq.f32 s16, s17  }
0x280: {  	v17 =	vmul.f32 v17, v17;
	v14 =	vadd.f32 v19, v14;
	v19 =	vld [tilespmem:s25+$0x1A0];
	p3 =	slt.s32 s10, s24;
	v12 =	vmul.f32 v58, v2;
	(xrf2) =	vadd.scan.msk.f32 $0xffff, v10  }
0x281: {  	v13 =	vmul.f32 v18, v1;
	p6 =	sgt.f32 s16, s17;
	v8 =	vadd.f32 v9, v8;
	v9 =	vld [tilespmem:s25+$0xFFFFFE90];
	v10 =	vmul.f32 v11, v11;
	p2 =	por !p3, !p5;
	(xrf2) =	vadd.scan.msk.f32 $0xffff, v7  }
0x282: {  	s18 =	sand.u32 $0x7FFFFFFF, s4;
	v15 =	vadd.f32 v22, v15;
	v18 =	vmul.f32 v18, v18;
	v14 =	vadd.f32 v17, v14;
	v7 =	vld [tilespmem:s25+$0xFFFFFE80];
	p2 =	por !p2, !p2  }
0x283: {  	s8 =	smul.f32 s18, s4;
	v17 =	vmul.f32 v23, v4;
	v8 =	vadd.f32 v13, v8;
	v10 =	vadd.f32 v10, v25;
	p1 =	por p6, p2  }
0x284: {  	v12 =	vadd.f32 v12, v15;
	v11 =	vmul.f32 v16, v3;
	v13 =	vadd.f32 v18, v14;
	v18 =	vld [tilespmem:s25+$0xFFFFFEA0];
	s19 =	spop (v2sf);
	s21 =	smov.u32 @p1 s2  }
0x285: {  	v59 =	vmul.f32 v16, v16;
	v16 =	vmul.f32 v24, v1;
	s9 =	smax.f32 s19, $1.000000000e-30;
	(xrf2) =	vadd.scan.msk.f32 $0xffff, v8;
	s23 =	smov.u32 @p1 s1;
	v10 =	vadd.f32 v21, v10;
	s20 =	smul.f32 s21, s8  }
0x286: {  	v14 =	vmul.f32 v19, v2;
	v8 =	vadd.f32 v17, v11;
	v11 =	vld [tilespmem:s25+$0xFFFFFEB0];
	v17 =	vmul.f32 v9, v4;
	s28 =	smul.f32 s23, s9  }
0x287: {  	s5 =	sadd.s32 $0x782A, s26;
	s22 =	smov.u32 @p0 s7;
	s19 =	spop (v2sf);
	v62 =	vmul.f32 v9, v9;
	v9 =	vadd.f32 v60, v10;
	v10 =	vmul.f32 v7, v3  }
0x288: {  	v15 =	vld [tilespmem:s25+$0x1B0];
	v12 =	vadd.f32 v16, v12;
	v16 =	vmul.f32 v19, v19;
	s2 =	spop (v2sf);
	(xrf2) =	vadd.scan.msk.f32 $0xffff, v13;
	s24 =	smov.u32 @p1 s10;
	v13 =	vadd.f32 v61, v59;
	p3 =	seq.f32 s20, s28  }
0x289: {  	s22 =	smov.u32 @p1 s6;
	s11 =	spop (v2sf);
	p4 =	slt.s32 s5, s24;
	v8 =	vadd.f32 v14, v8;
	v14 =	vmul.f32 v18, v2;
	v10 =	vadd.f32 v17, v10  }
0x28a: {  	v7 =	vmul.f32 v7, v7;
	v13 =	vadd.f32 v16, v13;
	p5 =	sgt.f32 s20, s28;
	v17 =	vmul.f32 v18, v18;
	p3 =	por !p4, !p3;
	s30 =	spop (v2sf);
	v18, _, _ =	vpop (xrf2)  }
0x28b: {  	s29 =	sand.u32 $0x7FFFFFFF, s2;
	p6 =	por !p3, !p3;
	v10 =	vadd.f32 v14, v10;
	v14 =	vmul.f32 v11, v1;
	s6 =	spop (v2sf);
	(xrf2) =	vadd.scan.msk.f32 $0xffff, v12;
	(v2sf) =	vpush v18, $0xF;
	v18, _, _ =	vpop (xrf2)  }
0x28c: {  	v16 =	vld [tilespmem:s25+$0xFFFFFF10];
	s12 =	smul.f32 s29, s2;
	v7 =	vadd.f32 v62, v7;
	p0 =	por p5, p6;
	(v2sf) =	vpush v18, $0xF  }
0x28d: {  	v63 =	vld [tilespmem:s25+$0xFFFFFF00];
	v19 =	vmul.f32 v15, v15;
	v15 =	vmul.f32 v15, v1;
	s21 =	smov.u32 @p0 s9;
	v10 =	vadd.f32 v14, v10  }
0x28e: {  	s11 =	smax.f32 s11, $1.000000000e-30;
	v17 =	vadd.f32 v17, v7;
	v11 =	vmul.f32 v11, v11;
	s23 =	smov.u32 @p0 s8;
	s9 =	smul.f32 s21, s12  }
0x28f: {  	s14 =	sadd.s32 $0x782B, s26;
	v8 =	vadd.f32 v15, v8;
	v12 =	vld [tilespmem:s25+$0xFFFFFF20];
	s31 =	smul.f32 s23, s11;
	v14, _, _ =	vpop (xrf2);
	(xrf2) =	vadd.scan.msk.f32 $0xffff, v10  }
0x290: {  	s7 =	simm.s32 $0x8;
	s1 =	simm.s32 $0x0;
	v7 =	vadd.f32 v19, v13;
	s15 =	sand.u32 $0x7FFFFFFF, s6;
	v17 =	vadd.f32 v11, v17  }
0x291: {  	v15 =	vmul.f32 v16, v4;
	v13 =	vmul.f32 v16, v16;
	s8 =	smax.f32 s30, $1.000000000e-30;
	s24 =	smov.u32 @p0 s5;
	v11 =	vld [tilespmem:s25+$0xFFFFFF30];
	(v2sf) =	vpush v14, $0xF;
	p3 =	seq.f32 s9, s31  }
0x292: {  	v16 =	vmul.f32 v63, v3;
	s22 =	smov.u32 @p0 s4;
	p2 =	slt.s32 s14, s24;
	p1 =	sgt.f32 s9, s31;
	v14 =	vmul.f32 v63, v63;
	v10, _, _ =	vpop (xrf2);
	(xrf2) =	vadd.scan.msk.f32 $0xffff, v17  }
.LBB2_9:
0x293: {  	p2 =	por !p2, !p3;
	s9 =	smov.u32 s7;
	s7 =	sadd.s32 $0x8, s7  }
0x294: {  	p0 =	slt.u32 s7, $0x1E8;
	v15 =	vadd.f32 v15, v16;
	v16 =	vmul.f32 v12, v2;
	v13 =	vadd.f32 v13, v14;
	p2 =	por !p2, !p2  }
0x295: {  	s3 =	smul.f32 s15, s6;
	v12 =	vmul.f32 v12, v12;
	v14, _, _ =	vpop (xrf2);
	(xrf2) =	vadd.scan.msk.f32 $0xffff, v9;
	p1 =	por p1, p2  }
0x296: {  	v9 =	vadd.f32 v16, v15;
	v15 =	vmul.f32 v11, v1;
	s21 =	smov.u32 @p1 s11;
	s24 =	smov.u32 @p1 s14  }
0x297: {  	v13 =	vadd.f32 v12, v13;
	v11 =	vmul.f32 v11, v11;
	s23 =	smov.u32 @p1 s12;
	s4 =	smul.f32 s21, s3;
	(v2sf) =	vpush v5, $0xF;
	v5 =	vmovc v14  }
0x298: {  	s5 =	sadd.s32 $0x782C, s26;
	s22 =	smov.u32 @p1 s2;
	s2 =	smul.f32 s23, s8;
	v9 =	vadd.f32 v15, v9  }
0x299: {  	p2 =	slt.s32 s5, s24;
	v11 =	vadd.f32 v11, v13;
	v12, _, _ =	vpop (xrf2)  }
0x29a: {  	p3 =	seq.f32 s4, s2;
	(xrf2) =	vadd.scan.msk.f32 $0xffff, v9;
	s10 =	spop (v2sf)  }
0x29b: {  	p1 =	sgt.f32 s4, s2;
	(v2sf) =	vpush v12, $0xF;
	s4 =	sand.u32 $0x7FFFFFFF, s10;
	s2 =	spop (v2sf)  }
0x29c: {  	p2 =	por !p2, !p3;
	v9 =	vld [tilespmem:s25+$0xFFFFFF90];
	v12, _, _ =	vpop (xrf2);
	s2 =	smax.f32 s2, $1.000000000e-30;
	s14 =	smul.f32 s4, s10  }
0x29d: {  	p2 =	por !p2, !p2;
	v13 =	vld [tilespmem:s25+$0xFFFFFF80];
	(v2sf) =	vpush v12, $0xF;
	(xrf2) =	vadd.scan.msk.f32 $0xffff, v11  }
0x29e: {  	p1 =	por p1, p2  }
0x29f: {  	s23 =	smov.u32 @p1 s3;
	s21 =	smov.u32 @p1 s8;
	v11 =	vld [tilespmem:s25+$0xFFFFFFA0];
	v12, _, _ =	vpop (xrf2);
	(v2sf) =	vpush v6, $0xF  }
0x2a0: {  	s3 =	smul.f32 s21, s14;
	s4 =	spop (v2sf);
	(v2sf) =	vpush v12, $0xF;
	(xrf2) =	vadd.scan.msk.f32 $0xffff, v8  }
0x2a1: {  	s24 =	smov.u32 @p1 s5;
	s5 =	sadd.s32 $0x782D, s26;
	s8 =	smul.f32 s23, s2;
	v6 =	vld [tilespmem:s25+$0xFFFFFFB0];
	v8 =	vmul.f32 v9, v4;
	v9 =	vmul.f32 v9, v9  }
0x2a2: {  	s22 =	smov.u32 @p1 s6;
	s11 =	sand.u32 $0x7FFFFFFF, s4;
	v14 =	vmul.f32 v13, v3;
	v13 =	vmul.f32 v13, v13  }
0x2a3: {  	p1 =	sgt.f32 s3, s8;
	p2 =	seq.f32 s3, s8;
	(xrf2) =	vadd.scan.msk.f32 $0xffff, v7  }
0x2a4: {  	p3 =	slt.s32 s5, s24;
	v7 =	vadd.f32 v8, v14;
	v8 =	vmul.f32 v11, v2;
	v9 =	vadd.f32 v9, v13;
	v12, _, _ =	vpop (xrf2)  }
0x2a5: {  	p2 =	por !p3, !p2;
	v13 =	vmul.f32 v11, v11;
	(v2sf) =	vpush v12, $0xF  }
0x2a6: {  	p2 =	por !p2, !p2;
	v7 =	vadd.f32 v8, v7;
	v8 =	vmul.f32 v6, v1;
	(v2sf) =	vpush v10, $0xF;
	s12 =	spop (v2sf)  }
0x2a7: {  	s3 =	smax.f32 s0, $1.000000000e-30;
	p1 =	por p1, p2;
	v9 =	vadd.f32 v13, v9;
	v12 =	vmul.f32 v6, v6;
	v10 =	vld [tilespmem:s25+$0x10];
	v11, _, _ =	vpop (xrf2);
	s0 =	sand.u32 $0x7FFFFFFF, s12  }
0x2a8: {  	s23 =	smov.u32 @p1 s14;
	v7 =	vadd.f32 v8, v7;
	v8 =	vld [tilespmem:s25+$0x0];
	(v2sf) =	vpush v11, $0xF;
	s14 =	smul.f32 s0, s12  }
0x2a9: {  	s21 =	smov.u32 @p1 s2;
	v9 =	vadd.f32 v12, v9;
	s0 =	smul.f32 s23, s3  }
0x2aa: {  	s16 =	sadd.s32 $0x782E, s26;
	v11 =	vld [tilespmem:s25+$0x20];
	s6 =	spop (v2sf);
	(xrf2) =	vadd.scan.msk.f32 $0xffff, v7;
	v6, _, _ =	vpop (xrf2);
	s15 =	smul.f32 s21, s14  }
0x2ab: {  	s24 =	smov.u32 @p1 s5;
	s22 =	smov.u32 @p1 s10;
	s2 =	sand.u32 $0x7FFFFFFF, s6  }
0x2ac: {  	v7 =	vld [tilespmem:s25+$0x30];
	v12 =	vmul.f32 v10, v4;
	v10 =	vmul.f32 v10, v10;
	s5 =	spop (v2sf);
	p1 =	seq.f32 s15, s0  }
0x2ad: {  	p2 =	slt.s32 s16, s24;
	s8 =	smax.f32 s5, $1.000000000e-30;
	v13 =	vmul.f32 v8, v3;
	v8 =	vmul.f32 v8, v8;
	(xrf2) =	vadd.scan.msk.f32 $0xffff, v9;
	v9, _, _ =	vpop (xrf2)  }
0x2ae: {  	p3 =	sgt.f32 s15, s0;
	p1 =	por !p2, !p1;
	s15 =	spop (v2sf)  }
0x2af: {  	v12 =	vadd.f32 v12, v13;
	v8 =	vadd.f32 v10, v8;
	v10 =	vmul.f32 v11, v11;
	s0 =	spop (v2sf);
	p1 =	por !p1, !p1;
	s5 =	sand.u32 $0x7FFFFFFF, s15  }
0x2b0: {  	s17 =	smax.f32 s19, $1.000000000e-30;
	v11 =	vmul.f32 v11, v2;
	(v2sf) =	vpush v9, $0xF;
	p1 =	por p3, p1;
	s5 =	smul.f32 s5, s15  }
0x2b1: {  	v8 =	vadd.f32 v10, v8;
	v13 =	vmul.f32 v7, v7;
	s23 =	smov.u32 @p1 s14;
	s21 =	smov.u32 @p1 s3  }
0x2b2: {  	v10 =	vadd.f32 v11, v12;
	v7 =	vmul.f32 v7, v1;
	s24 =	smov.u32 @p1 s16;
	s3 =	smul.f32 s21, s5  }
0x2b3: {  	s22 =	smov.u32 @p1 s12;
	s16 =	sadd.s32 $0x782F, s26;
	s18 =	smul.f32 s23, s17;
	v8 =	vadd.f32 v13, v8  }
0x2b4: {  	v7 =	vadd.f32 v7, v10;
	s10 =	spop (v2sf);
	v9, _, _ =	vpop (xrf2)  }
0x2b5: {  	p2 =	seq.f32 s3, s18;
	s12 =	sand.u32 $0x7FFFFFFF, s10;
	s19 =	spop (v2sf);
	(xrf2) =	vadd.scan.msk.f32 $0xffff, v8  }
0x2b6: {  	s14 =	smul.f32 s11, s4;
	p3 =	slt.s32 s16, s24;
	p1 =	sgt.f32 s3, s18;
	(v2sf) =	vpush v9, $0xF  }
0x2b7: {  	s26 =	sadd.s32 s1, s13;
	p2 =	por !p3, !p2;
	s3 =	spop (v2sf);
	v8, _, _ =	vpop (xrf2)  }
0x2b8: {  	s1 =	smov.u32 s9;
	s11 =	sadd.s32 $0x7828, s26;
	p2 =	por !p2, !p2;
	(v2sf) =	vpush v8, $0xF;
	(xrf2) =	vadd.scan.msk.f32 $0xffff, v7  }
0x2b9: {  	p1 =	por p1, p2;
	v7 =	vld [tilespmem:s25+$0x90]  }
0x2ba: {  	s18 =	smax.f32 s19, $1.000000000e-30;
	s21 =	smov.u32 @p1 s17;
	v8 =	vld [tilespmem:s25+$0x80]  }
0x2bb: {  	s23 =	smov.u32 @p1 s5;
	s24 =	smov.u32 @p1 s16  }
0x2bc: {  	s22 =	smov.u32 @p1 s15;
	v9 =	vld [tilespmem:s25+$0xB0]  }
0x2bd: {  	s9 =	smax.f32 s3, $1.000000000e-30;
	s5 =	smul.f32 s14, s21;
	v10 =	vld [tilespmem:s25+$0xA0];
	s25 =	sadd.s32 $0x400, s25  }
0x2be: {  	s3 =	smul.f32 s18, s23;
	v11 =	vld [tilespmem:s25+$0xFFFFFE10];
	v12 =	vmul.f32 v7, v4  }
0x2bf: {  	v13 =	vld [tilespmem:s25+$0xFFFFFE00];
	v14 =	vmul.f32 v8, v3;
	v8 =	vmul.f32 v8, v8;
	v15, _, _ =	vpop (xrf2);
	s19 =	spop (v2sf)  }
0x2c0: {  	p3 =	slt.s32 s11, s24;
	p1 =	sgt.f32 s5, s3;
	p2 =	seq.f32 s5, s3;
	v7 =	vmul.f32 v7, v7;
	v16 =	vld [tilespmem:s25+$0x110]  }
0x2c1: {  	v17 =	vld [tilespmem:s25+$0xFFFFFE20];
	v12 =	vadd.f32 v12, v14;
	(v2sf) =	vpush v15, $0xF  }
0x2c2: {  	p2 =	por !p3, !p2;
	v7 =	vadd.f32 v7, v8;
	v14 =	vld [tilespmem:s25+$0x100];
	v15 =	vmul.f32 v10, v2;
	v8 =	vmul.f32 v10, v10;
	v10, _, _ =	vpop (xrf2)  }
0x2c3: {  	p2 =	por !p2, !p2;
	v20 =	vmul.f32 v9, v9;
	v18 =	vld [tilespmem:s25+$0xFFFFFE30];
	v19 =	vmul.f32 v11, v11;
	(v2sf) =	vpush v10, $0xF  }
0x2c4: {  	s16 =	smul.f32 s2, s6;
	p1 =	por p1, p2;
	v11 =	vmul.f32 v11, v4;
	v10 =	vmul.f32 v13, v3;
	v21 =	vld [tilespmem:s25+$0x120];
	v12 =	vadd.f32 v15, v12  }
0x2c5: {  	s15 =	sadd.s32 $0x7829, s26;
	s21 =	smov.u32 @p1 s18;
	v9 =	vmul.f32 v9, v1;
	v13 =	vmul.f32 v13, v13;
	v7 =	vadd.f32 v8, v7;
	v15 =	vld [tilespmem:s25+$0x180];
	s2 =	spop (v2sf)  }
0x2c6: {  	s23 =	smov.u32 @p1 s14;
	s3 =	smul.f32 s21, s16;
	v22 =	vmul.f32 v16, v4;
	v8 =	vmul.f32 v17, v2;
	v23 =	vld [tilespmem:s25+$0x190];
	s14 =	sand.u32 $0x7FFFFFFF, s2  }
0x2c7: {  	s5 =	smul.f32 s23, s8;
	v17 =	vmul.f32 v17, v17;
	v9 =	vadd.f32 v9, v12;
	v24 =	vld [tilespmem:s25+$0x130];
	v25 =	vmul.f32 v14, v14;
	s17 =	spop (v2sf)  }
0x2c8: {  	s24 =	smov.u32 @p1 s11;
	v7 =	vadd.f32 v20, v7;
	v14 =	vmul.f32 v14, v3;
	v12 =	vmul.f32 v18, v1;
	v26 =	vld [tilespmem:s25+$0x1A0];
	s11 =	smax.f32 s17, $1.000000000e-30  }
0x2c9: {  	p4 =	slt.s32 s15, s24;
	p2 =	sgt.f32 s3, s5;
	p3 =	seq.f32 s3, s5;
	v13 =	vadd.f32 v19, v13;
	v18 =	vmul.f32 v18, v18;
	v19 =	vld [tilespmem:s25+$0x1B0];
	(xrf2) =	vadd.scan.msk.f32 $0xffff, v9  }
0x2ca: {  	s22 =	smov.u32 @p1 s4;
	v9 =	vadd.f32 v11, v10;
	v10 =	vmul.f32 v21, v2;
	v11 =	vmul.f32 v15, v15  }
0x2cb: {  	s4 =	smul.f32 s12, s10;
	v16 =	vmul.f32 v16, v16;
	p1 =	por !p4, !p3;
	v13 =	vadd.f32 v17, v13;
	v15 =	vmul.f32 v15, v3  }
0x2cc: {  	p1 =	por !p1, !p1;
	v8 =	vadd.f32 v8, v9;
	v20 =	vmul.f32 v23, v4;
	v9 =	vld [tilespmem:s25+$0xFFFFFE90];
	v17 =	vmul.f32 v24, v1;
	(xrf2) =	vadd.scan.msk.f32 $0xffff, v7  }
0x2cd: {  	p1 =	por p2, p1;
	v14 =	vadd.f32 v22, v14;
	v16 =	vadd.f32 v16, v25;
	v21 =	vmul.f32 v21, v21;
	v7 =	vld [tilespmem:s25+$0xFFFFFE80]  }
0x2ce: {  	s23 =	smov.u32 @p1 s16;
	s21 =	smov.u32 @p1 s8;
	v8 =	vadd.f32 v12, v8;
	v12 =	vadd.f32 v18, v13;
	v13 =	vmul.f32 v26, v2  }
0x2cf: {  	s3 =	sadd.s32 $0x782A, s26;
	s24 =	smov.u32 @p1 s15;
	s5 =	smul.f32 s21, s4;
	v10 =	vadd.f32 v10, v14;
	v14 =	vadd.f32 v21, v16;
	v16 =	vmul.f32 v24, v24;
	v18 =	vld [tilespmem:s25+$0xFFFFFEA0]  }
0x2d0: {  	s12 =	smul.f32 s23, s9;
	v21 =	vmul.f32 v23, v23;
	v15 =	vadd.f32 v20, v15;
	v20 =	vmul.f32 v19, v1;
	(xrf2) =	vadd.scan.msk.f32 $0xffff, v8;
	s8 =	spop (v2sf)  }
0x2d1: {  	s22 =	smov.u32 @p1 s6;
	v8 =	vld [tilespmem:s25+$0xFFFFFEB0];
	v22 =	vmul.f32 v9, v4;
	v23 =	vmul.f32 v9, v9;
	v9 =	vadd.f32 v16, v14;
	s8 =	smax.f32 s8, $1.000000000e-30  }
0x2d2: {  	p2 =	seq.f32 s5, s12;
	v10 =	vadd.f32 v17, v10;
	v14 =	vmul.f32 v7, v3;
	v7 =	vmul.f32 v7, v7;
	s6 =	spop (v2sf)  }
0x2d3: {  	p3 =	slt.s32 s3, s24;
	p1 =	sgt.f32 s5, s12;
	v11 =	vadd.f32 v21, v11;
	v13 =	vadd.f32 v13, v15;
	v15 =	vmul.f32 v26, v26;
	(xrf2) =	vadd.scan.msk.f32 $0xffff, v12;
	s15 =	sand.u32 $0x7FFFFFFF, s6;
	v12, _, _ =	vpop (xrf2)  }
0x2d4: {  	p2 =	por !p3, !p2;
	v14 =	vadd.f32 v22, v14;
	v16 =	vmul.f32 v18, v2;
	v7 =	vadd.f32 v23, v7  }
0x2d5: {  	p2 =	por !p2, !p2;
	v11 =	vadd.f32 v15, v11;
	v15 =	vmul.f32 v19, v19;
	v17 =	vmul.f32 v18, v18  }
0x2d6: {  	s12 =	smul.f32 s14, s2;
	p1 =	por p1, p2;
	v14 =	vadd.f32 v16, v14;
	v16 =	vmul.f32 v8, v1;
	(xrf2) =	vadd.scan.msk.f32 $0xffff, v10;
	(v2sf) =	vpush v12, $0xF;
	v10, _, _ =	vpop (xrf2)  }
0x2d7: {  	s23 =	smov.u32 @p1 s4;
	s21 =	smov.u32 @p1 s9;
	v12 =	vadd.f32 v17, v7;
	v8 =	vmul.f32 v8, v8;
	v17 =	vld [tilespmem:s25+$0xFFFFFF10];
	(v2sf) =	vpush v10, $0xF  }
0x2d8: {  	s14 =	sadd.s32 $0x782B, s26;
	s24 =	smov.u32 @p1 s3;
	s3 =	smul.f32 s21, s12;
	v7 =	vadd.f32 v15, v11;
	v10 =	vadd.f32 v16, v14;
	v14 =	vld [tilespmem:s25+$0xFFFFFF00]  }
.Ltmp6:
0x2d9: {  	s22 =	smov.u32 @p1 s10;
	v18 =	vadd.f32 v8, v12;
	v8 =	vadd.f32 v20, v13;
	(pc) =	sbr.rel @p0 .LBB2_9-.Ltmp6, $4  }
0x2da: {  	s4 =	smul.f32 s23, s11;
	v12 =	vld [tilespmem:s25+$0xFFFFFF20];
	v16, _, _ =	vpop (xrf2);
	(xrf2) =	vadd.scan.msk.f32 $0xffff, v10  }
0x2db: {  	p2 =	slt.s32 s14, s24  }
0x2dc: {  	p1 =	sgt.f32 s3, s4;
	p3 =	seq.f32 s3, s4;
	v11 =	vld [tilespmem:s25+$0xFFFFFF30];
	v15 =	vmul.f32 v17, v4;
	v13 =	vmul.f32 v17, v17;
	(v2sf) =	vpush v16, $0xF  }
0x2dd: {  	v16 =	vmul.f32 v14, v3;
	v14 =	vmul.f32 v14, v14;
	v10, _, _ =	vpop (xrf2);
	(xrf2) =	vadd.scan.msk.f32 $0xffff, v18  }
0x2de: {  	p0 =	por !p2, !p3  }
0x2df: {  	p0 =	por !p0, !p0  }
0x2e0: {  	s3 =	smul.f32 s15, s6;
	p5 =	por p1, p0  }
0x2e1: {  	s21 =	smov.u32 @p5 s11  }
0x2e2: {  	(v2sf) =	vpush v5, $0xF;
	s23 =	smov.u32 @p5 s12;
	s5 =	smul.f32 s21, s3  }
0x2e3: {  	s7 =	smul.f32 s23, s8  }
0x2e4: {  	v15 =	vadd.f32 v15, v16;
	v25 =	vmul.f32 v12, v2  }
0x2e5: {  	s9 =	sadd.s32 $0x782C, s26;
	s24 =	smov.u32 @p5 s14;
	p3 =	seq.f32 s5, s7  }
0x2e6: {  	v15 =	vadd.f32 v25, v15;
	v26 =	vmul.f32 v11, v1;
	p4 =	slt.s32 s9, s24  }
0x2e7: {  	v5, _, _ =	vpop (xrf2);
	p6 =	sgt.f32 s5, s7;
	s4 =	spop (v2sf);
	p0 =	por !p4, !p3  }
0x2e8: {  	v15 =	vadd.f32 v26, v15;
	v17, _, _ =	vpop (xrf2);
	s17 =	sand.u32 $0x7FFFFFFF, s4;
	p0 =	por !p0, !p0  }
0x2e9: {  	(xrf2) =	vadd.scan.msk.f32 $0xffff, v9;
	(v2sf) =	vpush v17, $0xF;
	v27, _, _ =	vpop (xrf2);
	s5 =	smul.f32 s17, s4;
	p0 =	por p6, p0  }
0x2ea: {  	(xrf2) =	vadd.scan.msk.f32 $0xffff, v15;
	s18 =	spop (v2sf);
	(v2sf) =	vpush v27, $0xF;
	s21 =	smov.u32 @p0 s8  }
0x2eb: {  	s11 =	smax.f32 s18, $1.000000000e-30;
	(v2sf) =	vpush v6, $0xF;
	s23 =	smov.u32 @p0 s3;
	s20 =	smul.f32 s21, s5  }
0x2ec: {  	s28 =	smul.f32 s23, s11  }
0x2ed: {  	s10 =	simm.s32 @!p0 $0x0  }
0x2ee: {  	s24 =	smov.u32 @p0 s9;
	s9 =	sadd.s32 $0x782D, s26;
	p3 =	seq.f32 s20, s28  }
0x2ef: {  	s10 =	simm.s32 @p0 $0x1;
	p4 =	slt.s32 s9, s24  }
0x2f0: {  	s7 =	spop (v2sf);
	p6 =	sgt.f32 s20, s28;
	p0 =	por !p4, !p3  }
0x2f1: {  	[smem:$0x7E8] =	sst s10;
	s10 =	spop (v2sf);
	p0 =	por !p0, !p0  }
0x2f2: {  	s29 =	sand.u32 $0x7FFFFFFF, s10;
	p0 =	por p6, p0  }
0x2f3: {  	v6, _, _ =	vpop (xrf2);
	s3 =	smax.f32 s0, $1.000000000e-30;
	s23 =	smov.u32 @p0 s5;
	s5 =	smul.f32 s29, s10  }
0x2f4: {  	(v2sf) =	vpush v6, $0xF;
	v6, _, _ =	vpop (xrf2);
	s21 =	smov.u32 @p0 s11;
	s30 =	smul.f32 s23, s3  }
0x2f5: {  	(v2sf) =	vpush v6, $0xF;
	s11 =	smul.f32 s21, s5  }
0x2f6: {  	v30 =	vld [tilespmem:s25+$0xFFFFFF80];
	s14 =	sadd.s32 $0x782E, s26;
	s0 =	simm.s32 @!p0 $0x0;
	(v2sf) =	vpush v10, $0xF  }
0x2f7: {  	v6 =	vld [tilespmem:s25+$0xFFFFFF90];
	s24 =	smov.u32 @p0 s9;
	s0 =	simm.s32 @p0 $0x1;
	p3 =	seq.f32 s11, s30  }
0x2f8: {  	v28 =	vadd.f32 v13, v14;
	v29 =	vmul.f32 v12, v12;
	p4 =	slt.s32 s14, s24;
	[smem:$0x7E9] =	sst s0;
	s0 =	spop (v2sf)  }
0x2f9: {  	v32 =	vld [tilespmem:s25+$0xFFFFFFA0];
	p6 =	sgt.f32 s11, s30;
	s31 =	spop (v2sf);
	p0 =	por !p4, !p3  }
0x2fa: {  	v9 =	vadd.f32 v29, v28;
	v31 =	vmul.f32 v11, v11;
	s11 =	spop (v2sf);
	p0 =	por !p0, !p0  }
0x2fb: {  	v33 =	vld [tilespmem:s25+$0xFFFFFFB0];
	s17 =	sand.u32 $0x7FFFFFFF, s11;
	p0 =	por p6, p0  }
0x2fc: {  	s16 =	smax.f32 s19, $1.000000000e-30;
	v9 =	vadd.f32 v31, v9;
	v35 =	vmul.f32 v30, v3;
	v34 =	vmul.f32 v6, v4;
	s15 =	smul.f32 s17, s11;
	s23 =	smov.u32 @p0 s5  }
0x2fd: {  	v39 =	vld [tilespmem:s25+$0x10];
	v36 =	vmul.f32 v30, v30;
	v6 =	vmul.f32 v6, v6;
	s21 =	smov.u32 @p0 s3;
	s5 =	smul.f32 s23, s16  }
0x2fe: {  	v40 =	vld [tilespmem:s25+$0x0];
	v38 =	vmul.f32 v32, v2;
	(xrf2) =	vadd.scan.msk.f32 $0xffff, v9;
	v37 =	vadd.f32 v34, v35;
	s3 =	smul.f32 s21, s15  }
0x2ff: {  	v11 =	vmul.f32 v32, v32;
	v6 =	vadd.f32 v6, v36  }
0x300: {  	v42 =	vld [tilespmem:s25+$0x20];
	v41 =	vmul.f32 v33, v1;
	v12 =	vadd.f32 v38, v37;
	s24 =	smov.u32 @p0 s14;
	s14 =	sadd.s32 $0x782F, s26;
	p1 =	seq.f32 s3, s5  }
0x301: {  	v43 =	vmul.f32 v33, v33;
	(xrf2) =	vadd.scan.msk.f32 $0xffff, v8;
	s18 =	sand.u32 $0x7FFFFFFF, s7;
	v6 =	vadd.f32 v11, v6;
	s9 =	simm.s32 @!p0 $0x0;
	p2 =	slt.s32 s14, s24  }
0x302: {  	(xrf2) =	vadd.scan.msk.f32 $0xffff, v7;
	v7 =	vld [tilespmem:s25+$0x30];
	s9 =	simm.s32 @p0 $0x1;
	v44 =	vadd.f32 v41, v12;
	p3 =	sgt.f32 s3, s5;
	p0 =	por !p2, !p1  }
0x303: {  	v45 =	vmul.f32 v39, v39;
	v46 =	vmul.f32 v40, v40;
	v6 =	vadd.f32 v43, v6;
	[smem:$0x7EA] =	sst s9;
	s9 =	spop (v2sf);
	p0 =	por !p0, !p0  }
0x304: {  	v47 =	vmul.f32 v39, v4;
	v9 =	vmul.f32 v40, v3;
	(xrf2) =	vadd.scan.msk.f32 $0xffff, v44;
	s3 =	smul.f32 s18, s7;
	s8 =	spop (v2sf);
	p0 =	por p3, p0  }
0x305: {  	v48 =	vmul.f32 v42, v42;
	(xrf2) =	vadd.scan.msk.f32 $0xffff, v6;
	v6 =	vadd.f32 v45, v46;
	s19 =	spop (v2sf);
	s21 =	smov.u32 @p0 s16  }
0x306: {  	v50 =	vmul.f32 v42, v2;
	v9 =	vadd.f32 v47, v9;
	s5 =	smax.f32 s19, $1.000000000e-30;
	s23 =	smov.u32 @p0 s15;
	s20 =	smul.f32 s3, s21  }
0x307: {  	v51 =	vmul.f32 v7, v7;
	v6 =	vadd.f32 v48, v6;
	s26 =	smul.f32 s5, s23  }
0x308: {  	v52 =	vld [tilespmem:s25+$0x90];
	s1 =	sadd.s32 s1, s13;
	v9 =	vadd.f32 v50, v9;
	v49, _, _ =	vpop (xrf2)  }
0x309: {  	v53 =	vld [tilespmem:s25+$0x80];
	v7 =	vmul.f32 v7, v1;
	(v2sf) =	vpush v49, $0xF;
	s17 =	sadd.s32 $0x7828, s1;
	v6 =	vadd.f32 v51, v6;
	s24 =	smov.u32 @p0 s14;
	p4 =	seq.f32 s20, s26  }
0x30a: {  	s15 =	simm.s32 @!p0 $0x0;
	p6 =	slt.s32 s17, s24  }
0x30b: {  	v54 =	vld [tilespmem:s25+$0xA0];
	v7 =	vadd.f32 v7, v9;
	s15 =	simm.s32 @p0 $0x1;
	p2 =	sgt.f32 s20, s26;
	p0 =	por !p6, !p4  }
0x30c: {  	v55, _, _ =	vpop (xrf2);
	s28 =	sand.u32 $0x7FFFFFFF, s0;
	(xrf2) =	vadd.scan.msk.f32 $0xffff, v6;
	p0 =	por !p0, !p0  }
0x30d: {  	s14 =	smul.f32 s28, s0;
	(xrf2) =	vadd.scan.msk.f32 $0xffff, v7;
	v7 =	vld [tilespmem:s25+$0xB0];
	v6, _, _ =	vpop (xrf2);
	p0 =	por p2, p0  }
0x30e: {  	v56 =	vmul.f32 v52, v4;
	v57 =	vmul.f32 v53, v3;
	(v2sf) =	vpush v6, $0xF;
	v6, _, _ =	vpop (xrf2);
	s21 =	smov.u32 @p0 s5  }
0x30f: {  	s12 =	smax.f32 s31, $1.000000000e-30;
	(v2sf) =	vpush v6, $0xF;
	s23 =	smov.u32 @p0 s3;
	s29 =	smul.f32 s21, s14  }
0x310: {  	v59 =	vmul.f32 v54, v2;
	v12 =	vadd.f32 v56, v57;
	[smem:$0x7EB] =	sst s15;
	s15 =	simm.s32 @!p0 $0x0;
	s30 =	smul.f32 s23, s12  }
0x311: {  	v10 =	vmul.f32 v52, v52;
	v6 =	vmul.f32 v53, v53;
	v58, _, _ =	vpop (xrf2);
	s24 =	smov.u32 @p0 s17;
	s15 =	simm.s32 @p0 $0x1  }
0x312: {  	v60 =	vadd.f32 v59, v12;
	(v2sf) =	vpush v58, $0xF;
	v61 =	vmul.f32 v7, v1;
	[smem:$0x7EC] =	sst s15;
	s15 =	sadd.s32 $0x7829, s1;
	p3 =	seq.f32 s29, s30  }
0x313: {  	v8 =	vmul.f32 v54, v54;
	v6 =	vadd.f32 v10, v6;
	v7 =	vmul.f32 v7, v7;
	p4 =	slt.s32 s15, s24  }
0x314: {  	v62 =	vadd.f32 v61, v60;
	p6 =	sgt.f32 s29, s30;
	p0 =	por !p4, !p3  }
0x315: {  	s31 =	sand.u32 $0x7FFFFFFF, s8;
	v6 =	vadd.f32 v8, v6;
	p0 =	por !p0, !p0  }
0x316: {  	s3 =	smul.f32 s31, s8;
	v63, _, _ =	vpop (xrf2);
	(xrf2) =	vadd.scan.msk.f32 $0xffff, v62;
	p0 =	por p6, p0  }
0x317: {  	v6 =	vadd.f32 v7, v6;
	(v2sf) =	vpush v63, $0xF;
	v7, _, _ =	vpop (xrf2);
	s5 =	simm.s32 @!p0 $0x0;
	s21 =	smov.u32 @p0 s12  }
0x318: {  	s16 =	spop (v2sf);
	(v2sf) =	vpush v7, $0xF;
	s5 =	simm.s32 @p0 $0x1;
	s17 =	smul.f32 s21, s3  }
0x319: {  	(xrf2) =	vadd.scan.msk.f32 $0xffff, v6;
	s23 =	smov.u32 @p0 s14;
	[smem:$0x7ED] =	sst s5;
	s5 =	smax.f32 s16, $1.000000000e-30  }
0x31a: {  	s18 =	smul.f32 s23, s5;
	_ =	sdelay $0x1  }
0x31b: {  	s24 =	smov.u32 @p0 s15;
	s15 =	sadd.s32 $0x782A, s1;
	p1 =	seq.f32 s17, s18  }
0x31c: {  	p2 =	slt.s32 s15, s24;
	s14 =	spop (v2sf)  }
0x31d: {  	s12 =	spop (v2sf);
	p3 =	sgt.f32 s17, s18;
	p0 =	por !p2, !p1  }
0x31e: {  	s19 =	sand.u32 $0x7FFFFFFF, s12;
	p0 =	por !p0, !p0  }
0x31f: {  	v6, _, _ =	vpop (xrf2);
	s16 =	smul.f32 s19, s12;
	p3 =	por p3, p0  }
0x320: {  	s20 =	spop (v2sf);
	(v2sf) =	vpush v6, $0xF;
	s21 =	smov.u32 @p3 s5  }
0x321: {  	s17 =	smax.f32 s20, $1.000000000e-30;
	s23 =	smov.u32 @p3 s3;
	s25 =	smul.f32 s21, s16  }
0x322: {  	v6, _, _ =	vpop (xrf2);
	s26 =	smul.f32 s23, s17  }
0x323: {  	(v2sf) =	vpush v6, $0xF  }
0x324: {  	s18 =	sadd.s32 $0x782B, s1;
	s24 =	smov.u32 @p3 s15;
	p4 =	seq.f32 s25, s26  }
0x325: {  	s28 =	spop (v2sf);
	p6 =	slt.s32 s18, s24  }
0x326: {  	s15 =	spop (v2sf);
	p2 =	sgt.f32 s25, s26;
	p0 =	por !p6, !p4  }
0x327: {  	s29 =	sand.u32 $0x7FFFFFFF, s15;
	p0 =	por !p0, !p0  }
0x328: {  	s3 =	smul.f32 s29, s15;
	p2 =	por p2, p0  }
0x329: {  	s21 =	smov.u32 @p2 s17  }
0x32a: {  	(v2sf) =	vpush v5, $0xF;
	s5 =	smax.f32 s28, $1.000000000e-30;
	s23 =	smov.u32 @p2 s16;
	s30 =	smul.f32 s21, s3  }
0x32b: {  	s31 =	smul.f32 s23, s5;
	_ =	sdelay $0x1  }
0x32c: {  	s24 =	smov.u32 @p2 s18;
	s18 =	sadd.s32 $0x782C, s1;
	p4 =	seq.f32 s30, s31  }
0x32d: {  	p6 =	slt.s32 s18, s24  }
0x32e: {  	s19 =	spop (v2sf);
	p0 =	por !p6, !p4;
	p4 =	sgt.f32 s30, s31  }
0x32f: {  	(v2sf) =	vpush v55, $0xF;
	s17 =	sand.u32 $0x7FFFFFFF, s19;
	p0 =	por !p0, !p0  }
0x330: {  	s16 =	smul.f32 s17, s19;
	p1 =	por p4, p0  }
0x331: {  	s20 =	spop (v2sf);
	s21 =	smov.u32 @p1 s5  }
0x332: {  	s17 =	smax.f32 s20, $1.000000000e-30;
	s23 =	smov.u32 @p1 s3;
	s25 =	smul.f32 s21, s16  }
0x333: {  	s26 =	smul.f32 s23, s17;
	_ =	sdelay $0x1  }
0x334: {  	s24 =	smov.u32 @p1 s18;
	s18 =	sadd.s32 $0x782D, s1;
	p6 =	seq.f32 s25, s26  }
0x335: {  	s22 =	smov.u32 @p5 s2;
	p4 =	slt.s32 s18, s24  }
0x336: {  	s31 =	sld [smem:$0x7E9];
	p0 =	por !p4, !p6;
	p6 =	sgt.f32 s25, s26  }
0x337: {  	s9 =	smax.f32 s9, $1.000000000e-30;
	s3 =	spop (v2sf);
	p0 =	por !p0, !p0  }
0x338: {  	s30 =	sld [smem:$0x7E8];
	s28 =	sand.u32 $0x7FFFFFFF, s3;
	p0 =	por p6, p0  }
0x339: {  	p5 =	seq.s32 s31, $0x1;
	s5 =	smul.f32 s28, s3;
	s23 =	smov.u32 @p0 s16  }
0x33a: {  	s28 =	sld [smem:$0x7ED];
	s21 =	smov.u32 @p0 s17;
	s16 =	smul.f32 s23, s9  }
0x33b: {  	p4 =	seq.s32 s30, $0x1;
	s25 =	sld [smem:$0x7EC];
	s29 =	smul.f32 s21, s5  }
0x33c: {  	s30 =	simm.s32 $0xF880;
	s22 =	smov.u32 @p4 s6;
	s6 =	sadd.s32 $0x782E, s1  }
0x33d: {  	s22 =	smov.u32 @p5 s4;
	s4 =	spop (v2sf);
	p4 =	seq.f32 s29, s16  }
0x33e: {  	s24 =	smov.u32 @p0 s18;
	p5 =	sgt.f32 s29, s16;
	s16 =	sld [smem:$0x7EA]  }
0x33f: {  	s18 =	sld [smem:$0x7EB];
	p6 =	slt.s32 s6, s24;
	s17 =	sand.u32 $0x7FFFFFFF, s4  }
0x340: {  	s29 =	rddreg [dreg:$0xa];
	s2 =	smul.f32 s17, s4;
	p4 =	por !p6, !p4  }
0x341: {  	s17 =	simm.s32 $0x3;
	p6 =	seq.s32 s16, $0x1;
	p4 =	por !p4, !p4  }
0x342: {  	s16 =	simm.s32 $0x0;
	s22 =	smov.u32 @p6 s10;
	p6 =	seq.s32 s18, $0x1  }
0x343: {  	[tilespmem:s30], [sflag:$0x3] =	stream.linear.gather [hbm4b:s29+s16], $0x2000, $0x38;
	[tilespmem:$0x1F480] =	vst v63  }
0x344: {  	p4 =	por p5, p4;
	p5 =	seq.s32 s25, $0x1;
	s22 =	smov.u32 @p6 s11  }
0x345: {  	s21 =	smov.u32 @p4 s9;
	s9 =	smax.f32 s14, $1.000000000e-30;
	s23 =	smov.u32 @p4 s5  }
0x346: {  	s20 =	smul.f32 s21, s2;
	s22 =	smov.u32 @p5 s7;
	p5 =	seq.s32 s28, $0x1  }
0x347: {  	_ =	swait.ge [sflag:s17], $0x2000;
	s26 =	smul.f32 s23, s9;
	s22 =	smov.u32 @p5 s0  }
0x348: {  	s24 =	smov.u32 @p4 s6;
	s31 =	rddreg [dreg:$0x4];
	s22 =	smov.u32 @p3 s8  }
0x349: {  	s0 =	sadd.s32 $0x782F, s1;
	p5 =	seq.f32 s20, s26;
	s22 =	smov.u32 @p2 s12  }
0x34a: {  	p3 =	slt.s32 s0, s24;
	s22 =	smov.u32 @p1 s15;
	p1 =	sne.s32 s31, $0x1F  }
.Ltmp7:
0x34b: {  	p6 =	sgt.f32 s20, s26;
	p3 =	por !p3, !p5;
	(pc) =	sbr.rel @p1 .LBB2_11-.Ltmp7, $4  }
0x34c: {  	p5 =	por !p3, !p3  }
0x34d: {  	[sflag:s17] =	ssyncset.done $0x0;
	s22 =	smov.u32 @p0 s19;
	p0 =	por p6, p5  }
0x34e: {  	[sflag:s17] =	ssyncadd.s32 $0xFFFFE000;
	s22 =	smov.u32 @p4 s3;
	s21 =	smov.u32 @p0 s9  }
0x34f: {  	s23 =	smov.u32 @p0 s2;
	s24 =	smov.u32 @p0 s0;
	s22 =	smov.u32 @p0 s4  }
0x350: {  	s0 =	simm.s32 $0xF8A0  }
0x351: {  	v5 =	vld [tilespmem:s0+$0xFFFFFFE0]  }
0x352: {  	v6 =	vld [tilespmem:s0+$0xFFFFFFF0];
	_ =	sdelay $0x1  }
0x353: {  	v7 =	vld [tilespmem:s0+$0x0];
	_ =	sdelay $0x1  }
0x354: {  	v8 =	vld [tilespmem:s0+$0x10]  }
0x355: {  	v9 =	vmul.f32 v5, v5;
	v10 =	vmul.f32 v6, v6  }
0x356: {  	v5 =	vmul.f32 v5, v3;
	v6 =	vmul.f32 v6, v4  }
0x357: {  	s29 =	simm.s32 $0xF920;
	v9 =	vadd.f32 v10, v9;
	v10 =	vmul.f32 v7, v7  }
0x358: {  	v11 =	vld [tilespmem:s29+$0xFFFFFFE0];
	v5 =	vadd.f32 v6, v5  }
0x359: {  	v6 =	vmul.f32 v7, v2;
	v7 =	vadd.f32 v10, v9;
	v9 =	vmul.f32 v8, v8;
	v10 =	vld [tilespmem:s29+$0xFFFFFFF0];
	_ =	sdelay $0x1  }
0x35a: {  	v5 =	vadd.f32 v6, v5;
	v6 =	vmul.f32 v8, v1;
	v8 =	vld [tilespmem:s29+$0x0];
	v7 =	vadd.f32 v9, v7;
	_ =	sdelay $0x1  }
0x35b: {  	v5 =	vadd.f32 v6, v5;
	v6 =	vld [tilespmem:s29+$0x10];
	(xrf2) =	vadd.scan.msk.f32 $0xffff, v7  }
0x35c: {  	v7 =	vmul.f32 v11, v11;
	v9 =	vmul.f32 v10, v10  }
0x35d: {  	(xrf2) =	vadd.scan.msk.f32 $0xffff, v5;
	v5 =	vmul.f32 v11, v3;
	v10 =	vmul.f32 v10, v4  }
0x35e: {  	v7 =	vadd.f32 v9, v7;
	v9 =	vmul.f32 v8, v8  }
0x35f: {  	v5 =	vadd.f32 v10, v5;
	v8 =	vmul.f32 v8, v2  }
0x360: {  	v7 =	vadd.f32 v9, v7;
	v9 =	vmul.f32 v6, v6  }
0x361: {  	v5 =	vadd.f32 v8, v5;
	v6 =	vmul.f32 v6, v1  }
0x362: {  	s30 =	simm.s32 $0xF9A0;
	v7 =	vadd.f32 v9, v7  }
0x363: {  	v5 =	vadd.f32 v6, v5;
	v6 =	vld [tilespmem:s30+$0xFFFFFFE0]  }
0x364: {  	(xrf2) =	vadd.scan.msk.f32 $0xffff, v7;
	v7 =	vld [tilespmem:s30+$0xFFFFFFF0]  }
0x365: {  	v8, _, _ =	vpop (xrf2)  }
0x366: {  	(xrf2) =	vadd.scan.msk.f32 $0xffff, v5;
	(v2sf) =	vpush v8, $0xF;
	v8 =	vld [tilespmem:s30+$0x0];
	_ =	sdelay $0x1  }
0x367: {  	s1 =	simm.s32 $0xFA20;
	v12 =	vld [tilespmem:s30+$0x10]  }
0x368: {  	v11 =	vld [tilespmem:s1+$0xFFFFFFF0];
	v5, _, _ =	vpop (xrf2);
	v9 =	vmul.f32 v6, v6;
	v10 =	vmul.f32 v7, v7  }
0x369: {  	(v2sf) =	vpush v5, $0xF;
	v5 =	vld [tilespmem:s1+$0xFFFFFFE0];
	v6 =	vmul.f32 v6, v3;
	v7 =	vmul.f32 v7, v4  }
0x36a: {  	v9 =	vadd.f32 v10, v9;
	v10 =	vmul.f32 v8, v8  }
0x36b: {  	v13 =	vld [tilespmem:s1+$0x0];
	v6 =	vadd.f32 v7, v6;
	v7 =	vmul.f32 v8, v2  }
0x36c: {  	v8 =	vmul.f32 v12, v12;
	v9 =	vadd.f32 v10, v9  }
0x36d: {  	v14 =	vld [tilespmem:s1+$0x10];
	v6 =	vadd.f32 v7, v6;
	v7 =	vmul.f32 v12, v1  }
0x36e: {  	v16 =	vmul.f32 v11, v11;
	v15 =	vmul.f32 v5, v5;
	v10, _, _ =	vpop (xrf2);
	v8 =	vadd.f32 v8, v9  }
0x36f: {  	s31 =	simm.s32 $0xFAA0;
	v6 =	vadd.f32 v7, v6;
	(v2sf) =	vpush v10, $0xF;
	v10, _, _ =	vpop (xrf2)  }
0x370: {  	v60 =	vld [tilespmem:s31+$0xFFFFFFF0];
	v58 =	vmul.f32 v13, v13;
	(v2sf) =	vpush v10, $0xF;
	v10 =	vadd.f32 v16, v15  }
0x371: {  	v59 =	vld [tilespmem:s31+$0xFFFFFFE0];
	(xrf2) =	vadd.scan.msk.f32 $0xffff, v8  }
0x372: {  	(xrf2) =	vadd.scan.msk.f32 $0xffff, v6;
	v9 =	vadd.f32 v58, v10;
	v10 =	vmul.f32 v14, v14  }
0x373: {  	v5 =	vmul.f32 v5, v3;
	v8 =	vld [tilespmem:s31+$0x0];
	v6 =	vmul.f32 v11, v4  }
0x374: {  	v7 =	vadd.f32 v10, v9  }
0x375: {  	v61 =	vmul.f32 v60, v4;
	v5 =	vadd.f32 v6, v5;
	v6 =	vmul.f32 v13, v2  }
0x376: {  	v10 =	vmul.f32 v60, v60;
	(xrf2) =	vadd.scan.msk.f32 $0xffff, v7;
	v7 =	vmul.f32 v59, v59  }
0x377: {  	v11 =	vmul.f32 v59, v3;
	v5 =	vadd.f32 v6, v5;
	v6 =	vmul.f32 v14, v1  }
0x378: {  	s2 =	spop (v2sf);
	v7 =	vadd.f32 v10, v7;
	v10 =	vmul.f32 v8, v8;
	v8 =	vmul.f32 v8, v2  }
0x379: {  	v9 =	vld [tilespmem:s31+$0x10];
	s0 =	spop (v2sf)  }
0x37a: {  	v11 =	vadd.f32 v61, v11;
	s3 =	sand.u32 $0x7FFFFFFF, s0;
	v6 =	vadd.f32 v6, v5  }
0x37b: {  	s5 =	smax.f32 s2, $1.000000000e-30;
	s3 =	smul.f32 s3, s0;
	v62, _, _ =	vpop (xrf2)  }
0x37c: {  	s2 =	smul.f32 s5, s23;
	(xrf2) =	vadd.scan.msk.f32 $0xffff, v6;
	v11 =	vadd.f32 v8, v11;
	(v2sf) =	vpush v62, $0xF;
	v8, _, _ =	vpop (xrf2)  }
0x37d: {  	s8 =	smul.f32 s3, s21;
	(v2sf) =	vpush v8, $0xF  }
0x37e: {  	s9 =	simm.s32 $0xF4200;
	s10 =	simm.s32 $0xFB20;
	v7 =	vadd.f32 v10, v7;
	v10 =	vmul.f32 v9, v9  }
0x37f: {  	s7 =	simm.s32 $0xF4201;
	s6 =	simm.s32 $0xF4202;
	v5 =	vld [tilespmem:s10+$0xFFFFFFE0];
	p1 =	seq.f32 s8, s2  }
0x380: {  	s4 =	simm.s32 $0xF4203;
	p2 =	sgt.s32 s24, $0xF4200;
	s12 =	simm.s32 $0xF4206;
	v10 =	vadd.f32 v10, v7;
	v7 =	vld [tilespmem:s10+$0xFFFFFFF0]  }
0x381: {  	s1 =	simm.s32 $0xF4204;
	p0 =	sgt.f32 s8, s2;
	p1 =	por !p2, !p1  }
0x382: {  	v63 =	vmul.f32 v9, v1;
	v6 =	vld [tilespmem:s10+$0x0];
	s2 =	simm.s32 $0xF4205;
	s11 =	spop (v2sf);
	p1 =	por !p1, !p1  }
0x383: {  	(xrf2) =	vadd.scan.msk.f32 $0xffff, v10;
	s8 =	spop (v2sf);
	s11 =	smax.f32 s11, $1.000000000e-30;
	p0 =	por p0, p1  }
0x384: {  	v8 =	vld [tilespmem:s10+$0x10];
	v10 =	vadd.f32 v63, v11;
	s14 =	sand.u32 $0x7FFFFFFF, s8;
	v9, _, _ =	vpop (xrf2);
	s23 =	smov.u32 @p0 s3;
	s21 =	smov.u32 @p0 s5  }
.LBB2_13:
0x385: {  	p1 =	sne.s32 s12, $0xF423F;
	v11 =	vmul.f32 v5, v5;
	v12 =	vmul.f32 v7, v7;
	s3 =	smul.f32 s14, s8;
	s24 =	smov.u32 @p0 s9  }
0x386: {  	s5 =	smul.f32 s11, s23;
	s22 =	smov.u32 @p0 s0;
	s0 =	smov.u32 s8;
	(xrf2) =	vadd.scan.msk.f32 $0xffff, v10;
	v10, _, _ =	vpop (xrf2);
	(v2sf) =	vpush v9, $0xF  }
0x387: {  	s15 =	smov.u32 s11;
	s9 =	smov.u32 s7;
	v9 =	vadd.f32 v12, v11;
	v11 =	vmul.f32 v6, v6;
	(v2sf) =	vpush v10, $0xF;
	s8 =	smul.f32 s3, s21  }
0x388: {  	s10 =	sadd.s32 $0x80, s10;
	s7 =	smov.u32 s6;
	s6 =	smov.u32 s4;
	v10 =	vmul.f32 v5, v3;
	v12 =	vmul.f32 v7, v4  }
0x389: {  	s4 =	smov.u32 s1;
	s1 =	smov.u32 s2;
	v5 =	vld [tilespmem:s10+$0xFFFFFFE0];
	v9 =	vadd.f32 v11, v9;
	v11 =	vmul.f32 v8, v8;
	p0 =	seq.f32 s8, s5  }
.Ltmp8:
0x38a: {  	s2 =	smov.u32 s12;
	p2 =	slt.s32 s9, s24;
	v10 =	vadd.f32 v12, v10;
	v12 =	vmul.f32 v6, v2;
	v7 =	vld [tilespmem:s10+$0xFFFFFFF0];
	(pc) =	sbr.rel @p1 .LBB2_13-.Ltmp8, $4  }
0x38b: {  	p3 =	sgt.f32 s8, s5;
	v13 =	vadd.f32 v11, v9;
	s11 =	spop (v2sf);
	p0 =	por !p2, !p0  }
0x38c: {  	v10 =	vadd.f32 v12, v10;
	v11 =	vmul.f32 v8, v1;
	v6 =	vld [tilespmem:s10+$0x0];
	s8 =	spop (v2sf);
	p0 =	por !p0, !p0  }
0x38d: {  	s11 =	smax.f32 s11, $1.000000000e-30;
	(xrf2) =	vadd.scan.msk.f32 $0xffff, v13;
	v9, _, _ =	vpop (xrf2);
	s14 =	sand.u32 $0x7FFFFFFF, s8;
	p0 =	por p3, p0  }
0x38e: {  	s12 =	sadd.s32 $0x1, s12;
	v10 =	vadd.f32 v11, v10;
	v8 =	vld [tilespmem:s10+$0x10];
	s23 =	smov.u32 @p0 s3;
	s21 =	smov.u32 @p0 s15  }
0x38f: {  	v11 =	vmul.f32 v5, v5;
	v12 =	vmul.f32 v7, v7  }
0x390: {  	v3 =	vmul.f32 v5, v3;
	v4 =	vmul.f32 v7, v4;
	(xrf2) =	vadd.scan.msk.f32 $0xffff, v10  }
0x391: {  	s3 =	smul.f32 s14, s8;
	(v2sf) =	vpush v9, $0xF;
	v59, _, _ =	vpop (xrf2);
	v60 =	vadd.f32 v12, v11;
	v61 =	vmul.f32 v6, v6  }
0x392: {  	s5 =	smul.f32 s11, s23;
	(v2sf) =	vpush v59, $0xF;
	v3 =	vadd.f32 v4, v3;
	v2 =	vmul.f32 v6, v2  }
0x393: {  	s10 =	smul.f32 s3, s21;
	v62 =	vadd.f32 v61, v60  }
0x394: {  	v63 =	vmul.f32 v8, v8;
	v2 =	vadd.f32 v2, v3;
	v1 =	vmul.f32 v8, v1  }
0x395: {  	s24 =	smov.u32 @p0 s9;
	p1 =	seq.f32 s10, s5  }
0x396: {  	p2 =	slt.s32 s7, s24;
	v3 =	vadd.f32 v63, v62;
	v1 =	vadd.f32 v1, v2  }
0x397: {  	p3 =	sgt.f32 s10, s5;
	s12 =	spop (v2sf);
	p1 =	por !p2, !p1  }
0x398: {  	s9 =	spop (v2sf);
	p1 =	por !p1, !p1;
	(xrf2) =	vadd.scan.msk.f32 $0xffff, v3  }
0x399: {  	v2, _, _ =	vpop (xrf2);
	s14 =	sand.u32 $0x7FFFFFFF, s9;
	p1 =	por p3, p1;
	(xrf2) =	vadd.scan.msk.f32 $0xffff, v1  }
0x39a: {  	s5 =	smax.f32 s12, $1.000000000e-30;
	s23 =	smov.u32 @p1 s3;
	s3 =	smul.f32 s14, s9;
	(v2sf) =	vpush v2, $0xF;
	v1, _, _ =	vpop (xrf2)  }
0x39b: {  	s21 =	smov.u32 @p1 s11;
	s15 =	smul.f32 s5, s23;
	(v2sf) =	vpush v1, $0xF  }
0x39c: {  	s11 =	smul.f32 s3, s21;
	_ =	sdelay $0x1  }
0x39d: {  	s24 =	smov.u32 @p1 s7;
	p5 =	seq.f32 s11, s15  }
0x39e: {  	p6 =	slt.s32 s6, s24  }
0x39f: {  	p4 =	sgt.f32 s11, s15;
	s18 =	spop (v2sf);
	p2 =	por !p6, !p5  }
0x3a0: {  	p2 =	por !p2, !p2;
	s10 =	spop (v2sf)  }
0x3a1: {  	p2 =	por p4, p2;
	v1, _, _ =	vpop (xrf2);
	s19 =	sand.u32 $0x7FFFFFFF, s10  }
0x3a2: {  	s7 =	smax.f32 s18, $1.000000000e-30;
	s23 =	smov.u32 @p2 s3;
	s3 =	smul.f32 s19, s10;
	v2, _, _ =	vpop (xrf2);
	(v2sf) =	vpush v1, $0xF  }
0x3a3: {  	s21 =	smov.u32 @p2 s5;
	s20 =	smul.f32 s7, s23;
	(v2sf) =	vpush v2, $0xF  }
0x3a4: {  	s11 =	smul.f32 s3, s21;
	_ =	sdelay $0x1  }
0x3a5: {  	s24 =	smov.u32 @p2 s6;
	p4 =	seq.f32 s11, s20  }
0x3a6: {  	p6 =	slt.s32 s4, s24  }
0x3a7: {  	p5 =	sgt.f32 s11, s20;
	s25 =	spop (v2sf);
	p3 =	por !p6, !p4  }
0x3a8: {  	p3 =	por !p3, !p3;
	s5 =	spop (v2sf)  }
0x3a9: {  	p3 =	por p5, p3;
	s26 =	sand.u32 $0x7FFFFFFF, s5  }
0x3aa: {  	s6 =	smax.f32 s25, $1.000000000e-30;
	s23 =	smov.u32 @p3 s3;
	s3 =	smul.f32 s26, s5  }
0x3ab: {  	s21 =	smov.u32 @p3 s7;
	s28 =	smul.f32 s6, s23  }
0x3ac: {  	s11 =	smul.f32 s3, s21;
	_ =	sdelay $0x1  }
0x3ad: {  	s24 =	smov.u32 @p3 s4;
	p5 =	seq.f32 s11, s28  }
0x3ae: {  	p6 =	slt.s32 s1, s24  }
0x3af: {  	s29 =	spop (v2sf);
	p4 =	por !p6, !p5;
	p6 =	sgt.f32 s11, s28  }
0x3b0: {  	s7 =	spop (v2sf);
	p4 =	por !p4, !p4  }
0x3b1: {  	s30 =	sand.u32 $0x7FFFFFFF, s7;
	p4 =	por p6, p4  }
0x3b2: {  	s4 =	smax.f32 s29, $1.000000000e-30;
	s23 =	smov.u32 @p4 s3;
	s3 =	smul.f32 s30, s7  }
0x3b3: {  	s21 =	smov.u32 @p4 s6;
	s31 =	smul.f32 s4, s23  }
0x3b4: {  	s11 =	smul.f32 s3, s21;
	_ =	sdelay $0x1  }
0x3b5: {  	s22 =	smov.u32 @p0 s0;
	s24 =	smov.u32 @p4 s1;
	p6 =	seq.f32 s11, s31  }
0x3b6: {  	s22 =	smov.u32 @p1 s8;
	p5 =	slt.s32 s2, s24  }
.Ltmp9:
0x3b7: {  	p0 =	por !p5, !p6;
	p6 =	sgt.f32 s11, s31;
	(pc) =	sbr.rel .LBB2_15-.Ltmp9, $4  }
0x3b8: {  	s22 =	smov.u32 @p2 s9;
	p0 =	por !p0, !p0  }
0x3b9: {  	s22 =	smov.u32 @p3 s10;
	p0 =	por p6, p0  }
0x3ba: {  	s22 =	smov.u32 @p4 s5;
	s23 =	smov.u32 @p0 s3;
	s21 =	smov.u32 @p0 s4  }
0x3bb: {  	s24 =	smov.u32 @p0 s2;
	s22 =	smov.u32 @p0 s7;
	s2 =	rddreg [dreg:$0xd]  }
.LBB2_16:
0x3bc: {  	_ =	sfence.sel $0x180000  }
0x3bd: {  	[bflag:$0x0] =	sbarrier.arrive $0xFFFF  }
0x3be: {  	_ =	strace $0x90000047  }
0x3bf: {  	s0 =	stileid.u32;
	[bflag:$0x2] =	sbarrier.arrive $0xFFFF  }
0x3c0: {  	p0 =	sne.s32 s0, $0x0;
	s0 =	rddreg [dreg:$0x3]  }
0x3c1: {  	s0 =	sadd.s32 @!p0 $0x100000, s0  }
0x3c2: {  	[sflag:s0] =	ssyncadd.tile.s32 @!p0 $0x1;
	_ =	shalt  }
.Lfunc_end2:
_tile_overlayer_lowered:
.L_overlay_start_2:
0x3c3: {  	(tag) =	ssettag $0x2  }
0x3c4: {  	s0 =	rddreg [dreg:$0x0];
	s2 =	stileid.u32  }
0x3c5: {  	s1 =	rddreg [dreg:$0x1];
	p0 =	sne.s32 s2, $0x0  }
0x3c6: {  	s3 =	rddreg [dreg:$0x2];
	[bflag:$0x3] =	sbarrier.arrive $0xFFFF;
	s2 =	simm.s32 @!p0 $0x1C03  }
0x3c7: {  	[timem:s3], [sflag:s2] =	dma.local @!p0 [hbm:s0], s1  }
0x3c8: {  	s0 =	simm.s32 @!p0 $0x3  }
0x3c9: {  	_ =	swait.ge @!p0 [sflag:s0], s1  }
0x3ca: {  	s1 =	ssub.s32 @!p0 $0x0, s1;
	[sflag:s0] =	ssyncset.done @!p0 $0x0  }
0x3cb: {  	[sflag:s0] =	ssyncadd.s32 @!p0 s1  }
0x3cc: {  	[bflag:$0x3] =	sbarrier.arrive $0xFFFF  }
0x3cd: {  	_ =	shalt  }

</sc_bundles>
